<compile_context>
chip_gen: v7x
topology: tpu7x:2x2x1
jax: 0.10.2.dev20260603
libtpu: 0.0.44.dev20260713+nightly
codegen_flags: <defaults>
</compile_context>

<pallas_src>
import functools

import jax
import jax.numpy as jnp
from jax.experimental import pallas as pl
from jax.experimental.pallas import tpu as pltpu

K_NEIGHBORS = 50
DELTA = 1e-3
NEG_INF = float('-inf')
M_SLOTS = 5
N_SETS = 8
M2_SLOTS = 10
LANES = 128


def _enc_body(x_ref, w1_ref, b1_ref, w2_ref, b2_ref, key_ref):
    h = jax.lax.dot_general(
        x_ref[...], w1_ref[...], (((1,), (0,)), ((), ())),
        preferred_element_type=jnp.float32)
    h = jnp.maximum(h + b1_ref[...], 0.0)
    key_ref[...] = jax.lax.dot_general(
        h, w2_ref[...], (((1,), (0,)), ((), ())),
        preferred_element_type=jnp.float32) + b2_ref[...]


def _encoder(x, W1, b1, W2, b2):
    B = x.shape[0]
    D = W2.shape[1]
    return pl.pallas_call(
        _enc_body,
        out_shape=jax.ShapeDtypeStruct((B, D), jnp.float32),
    )(x, W1, b1.reshape(1, -1), W2, b2.reshape(1, -1))


def _topk_body(q_ref, k_ref, vals_ref, idx_ref, kept_v, kept_i,
               cand_v_ref, cand_i_ref, *, ct, C, k, m):
    c = pl.program_id(2)
    nc = pl.num_programs(2)
    bt = q_ref.shape[0]

    @pl.when(c == 0)
    def _init():
        kept_v[...] = jnp.full_like(kept_v, NEG_INF)
        kept_i[...] = jnp.zeros_like(kept_i)

    q = q_ref[...]
    kk = k_ref[0]
    qk = jax.lax.dot_general(
        q, kk, (((1,), (1,)), ((), ())), preferred_element_type=jnp.float32)
    q2 = jnp.sum(q * q, axis=1, keepdims=True)
    mk2 = jnp.sum(kk * kk, axis=1)[None, :]
    neg = (2.0 * qk - q2) - mk2

    col = c * ct + jax.lax.broadcasted_iota(jnp.int32, neg.shape, 1)
    neg = jnp.where(col < C, neg, NEG_INF)

    for h in range(ct // LANES):
        s = h % N_SETS
        x_v = neg[:, h * LANES:(h + 1) * LANES]
        x_i = (c * ct + h * LANES
               + jax.lax.broadcasted_iota(jnp.int32, (bt, LANES), 1))
        for j in range(m):
            sj = s * m + j
            kv = kept_v[sj]
            ki = kept_i[sj]
            take = x_v > kv
            kept_v[sj] = jnp.where(take, x_v, kv)
            kept_i[sj] = jnp.where(take, x_i, ki)
            x_v = jnp.where(take, kv, x_v)
            x_i = jnp.where(take, ki, x_i)

    @pl.when(c == nc - 1)
    def _emit():
        m2 = M2_SLOTS
        cand_v_ref[...] = jnp.full((bt, m2 * LANES), NEG_INF, jnp.float32)
        cand_i_ref[...] = jnp.zeros((bt, m2 * LANES), jnp.int32)

        def merge_slice(sj, _):
            x_v = kept_v[sj]
            x_i = kept_i[sj]
            for j in range(m2):
                sl = slice(j * LANES, (j + 1) * LANES)
                kv = cand_v_ref[:, sl]
                ki = cand_i_ref[:, sl]
                take = x_v > kv
                cand_v_ref[:, sl] = jnp.where(take, x_v, kv)
                cand_i_ref[:, sl] = jnp.where(take, x_i, ki)
                x_v = jnp.where(take, kv, x_v)
                x_i = jnp.where(take, ki, x_i)
            return 0

        jax.lax.fori_loop(0, N_SETS * m, merge_slice, 0)
        W = m2 * LANES
        pos = jax.lax.broadcasted_iota(jnp.int32, (bt, W), 1)
        kw = vals_ref.shape[2]
        slot = jax.lax.broadcasted_iota(jnp.int32, (bt, kw), 1)

        def body(t, _):
            cv = cand_v_ref[...]
            cur = jnp.max(cv, axis=1, keepdims=True)
            am = jnp.argmax(cv, axis=1)
            hot = pos == am[:, None]
            idx = jnp.sum(jnp.where(hot, cand_i_ref[...], 0),
                          axis=1, keepdims=True)
            cand_v_ref[...] = jnp.where(hot, NEG_INF, cv)
            sel = slot == t
            vals_ref[0] = jnp.where(sel, cur, vals_ref[0])
            idx_ref[0] = jnp.where(sel, idx, idx_ref[0])
            return 0

        jax.lax.fori_loop(0, k, body, 0)


def _fused_topk(q, mem_keys, bt=512, ct=2048, k=K_NEIGHBORS, m=M_SLOTS):
    A, C, D = mem_keys.shape
    B = q.shape[0]
    nc = pl.cdiv(C, ct)
    grid = (A, B // bt, nc)
    kw = 64
    body = functools.partial(_topk_body, ct=ct, C=C, k=k, m=m)
    vals, idx = pl.pallas_call(
        body,
        grid=grid,
        in_specs=[
            pl.BlockSpec((bt, D), lambda a, b, c: (b, 0)),
            pl.BlockSpec((1, ct, D), lambda a, b, c: (a, c, 0)),
        ],
        out_specs=[
            pl.BlockSpec((1, bt, kw), lambda a, b, c: (a, b, 0)),
            pl.BlockSpec((1, bt, kw), lambda a, b, c: (a, b, 0)),
        ],
        out_shape=[
            jax.ShapeDtypeStruct((A, B, kw), jnp.float32),
            jax.ShapeDtypeStruct((A, B, kw), jnp.int32),
        ],
        scratch_shapes=[
            pltpu.VMEM((N_SETS * m, bt, LANES), jnp.float32),
            pltpu.VMEM((N_SETS * m, bt, LANES), jnp.int32),
            pltpu.VMEM((bt, M2_SLOTS * LANES), jnp.float32),
            pltpu.VMEM((bt, M2_SLOTS * LANES), jnp.int32),
        ],
        compiler_params=pltpu.CompilerParams(
            dimension_semantics=("parallel", "parallel", "arbitrary")),
    )(q, mem_keys)
    return vals[:, :, :k], idx[:, :, :k]


def kernel(x, W1, b1, W2, b2, mem_keys, mem_values):
    key = _encoder(x, W1, b1, W2, b2)
    top_neg, top_idx = _fused_topk(key, mem_keys)
    dists = -top_neg
    w = 1.0 / (dists + DELTA)
    w = w / jnp.sum(w, axis=-1, keepdims=True)
    v = jax.vmap(lambda mv, ti: mv[ti])(mem_values, top_idx)
    q_vals = jnp.sum(w * v, axis=-1)
    values = q_vals.T
    action = jnp.argmax(values, axis=1)
    indexes = jnp.transpose(top_idx, (1, 0, 2))
    scores = jnp.transpose(w, (1, 0, 2))
    return (key, values, action, indexes, scores)

# --- scband reference (transcript-rebuilt; emitter-appended) ---
"""Pipeline reference for scband-nec-10591389351945 (READ-ONLY COPY).

The authoritative reference and input builder live on the scoring server;
editing this copy changes nothing except your own understanding.
"""

import jax, jax.numpy as jnp
import numpy as np

K_NEIGHBORS = 50
DELTA = 1e-3
B = 1024
INPUT_DIM = 4
DIM = 128
N_ACTIONS = 2
CAPACITY = 100000


def setup_inputs(seed: int = 0) -> dict:
    key = jax.random.key(seed)
    ks = jax.random.split(key, 8)
    return {
        "x": jax.random.normal(ks[0], (B, INPUT_DIM), dtype=jnp.float32),
        "W1": jax.random.normal(ks[1], (INPUT_DIM, DIM), dtype=jnp.float32) * (1.0 / np.sqrt(INPUT_DIM)),
        "b1": jnp.zeros((DIM,), dtype=jnp.float32),
        "W2": jax.random.normal(ks[2], (DIM, DIM), dtype=jnp.float32) * (1.0 / np.sqrt(DIM)),
        "b2": jnp.zeros((DIM,), dtype=jnp.float32),
        "mem_keys": jax.random.normal(ks[3], (N_ACTIONS, CAPACITY, DIM), dtype=jnp.float32),
        "mem_values": jax.random.normal(ks[4], (N_ACTIONS, CAPACITY), dtype=jnp.float32),
    }


def _encoder(x, W1, b1, W2, b2):
    # DenseEncoder(n_layers=2, input_dim=4): 2-layer MLP, 4 -> 128 -> 128
    h = jax.nn.relu(x @ W1 + b1)
    return h @ W2 + b2


def _dnd_lookup(q, mem_keys, mem_values):
    # q: [B, DIM]; mem_keys: [A, C, DIM]; mem_values: [A, C]
    q2 = jnp.sum(q * q, axis=1)[None, :, None]                 # [1, B, 1]
    mk2 = jnp.sum(mem_keys * mem_keys, axis=2)[:, None, :]     # [A, 1, C]
    cross = jnp.einsum('bd,acd->abc', q, mem_keys)             # [A, B, C]  (compute-dominant)
    d2 = q2 - 2.0 * cross + mk2                                # squared euclidean distances
    top_neg, top_idx = jax.lax.top_k(-d2, K_NEIGHBORS)         # nearest neighbors per (action, query)
    dists = -top_neg                                           # [A, B, k]
    w = 1.0 / (dists + DELTA)                                  # NEC inverse-distance kernel
    w = w / jnp.sum(w, axis=-1, keepdims=True)
    v = jax.vmap(lambda mv, ti: mv[ti])(mem_values, top_idx)   # gather values: [A, B, k]
    q_vals = jnp.sum(w * v, axis=-1)                           # [A, B]
    values = q_vals.T                                          # [B, A]
    action = jnp.argmax(values, axis=1)                        # [B]
    indexes = jnp.transpose(top_idx, (1, 0, 2))                # [B, A, k]
    scores = jnp.transpose(w, (1, 0, 2))                       # [B, A, k]
    return values, action, indexes, scores


def reference(x, W1, b1, W2, b2, mem_keys, mem_values):
    key = _encoder(x, W1, b1, W2, b2)
    values, action, indexes, scores = _dnd_lookup(key, mem_keys, mem_values)
    return (key, values, action, indexes, scores)

if __name__ == "__main__":
    import jax
    _d = setup_inputs()
    print(jax.jit(kernel)(*tuple(_d.values())))

</pallas_src>

<mosaic_0001>
module attributes {stable_mosaic.version = 14 : i64} {
  func.func @_topk_body(%arg0: i32, %arg1: i32, %arg2: i32, %arg3: memref<512x128xf32, #tpu.memory_space<vmem>>, %arg4: memref<1x2048x128xf32, #tpu.memory_space<vmem>>, %arg5: memref<1x512x64xf32, #tpu.memory_space<vmem>>, %arg6: memref<1x512x64xi32, #tpu.memory_space<vmem>>, %arg7: memref<40x512x128xf32, #tpu.memory_space<vmem>>, %arg8: memref<40x512x128xi32, #tpu.memory_space<vmem>>, %arg9: memref<512x1280xf32, #tpu.memory_space<vmem>>, %arg10: memref<512x1280xi32, #tpu.memory_space<vmem>>) attributes {dimension_semantics = [#tpu.dimension_semantics<parallel>, #tpu.dimension_semantics<parallel>, #tpu.dimension_semantics<arbitrary>], iteration_bounds = array<i64: 2, 2, 49>, scalar_prefetch = 0 : i64, scratch_operands = 4 : i64, tpu.core_type = #tpu.core_type<tc>, window_params = [{transform_indices = @transform_0, window_bounds = array<i64: 512, 128>}, {transform_indices = @transform_1, window_bounds = array<i64: 1, 2048, 128>}, {transform_indices = @transform_2, window_bounds = array<i64: 1, 512, 64>}, {transform_indices = @transform_3, window_bounds = array<i64: 1, 512, 64>}]} {
    %eq3A = arith.constant 0 : i32
    %eq3A_0 = arith.cmpi eq, %arg2, %eq3A : i32
    %convert_element_type3A = arith.extui %eq3A_0 : i1 to i32
    %cond3A = arith.constant 0 : i32
    %cond3A_1 = arith.cmpi ne, %convert_element_type3A, %cond3A : i32
    scf.if %cond3A_1 {
      %broadcast_in_dim3A_2285 = arith.constant 0xFF800000 : f32
      %broadcast_in_dim3A_2286 = vector.broadcast %broadcast_in_dim3A_2285 : f32 to vector<40x512x128xf32>
      %swap3A_2287 = arith.constant 0 : index
      %swap3A_2288 = arith.constant 0 : index
      %swap3A_2289 = arith.constant 0 : index
      %swap3A_2290 = vector.load %arg7[%swap3A_2287, %swap3A_2288, %swap3A_2289] : memref<40x512x128xf32, #tpu.memory_space<vmem>>, vector<40x512x128xf32>
      tpu.vector_store %arg7[%swap3A_2287, %swap3A_2288, %swap3A_2289], %broadcast_in_dim3A_2286 {strides = array<i32>} : memref<40x512x128xf32, #tpu.memory_space<vmem>>, vector<40x512x128xf32>,
      %broadcast_in_dim3A_2291 = arith.constant 0 : i32
      %broadcast_in_dim3A_2292 = vector.broadcast %broadcast_in_dim3A_2291 : i32 to vector<40x512x128xi32>
      %swap3A_2293 = arith.constant 0 : index
      %swap3A_2294 = arith.constant 0 : index
      %swap3A_2295 = arith.constant 0 : index
      %swap3A_2296 = vector.load %arg8[%swap3A_2293, %swap3A_2294, %swap3A_2295] : memref<40x512x128xi32, #tpu.memory_space<vmem>>, vector<40x512x128xi32>
      tpu.vector_store %arg8[%swap3A_2293, %swap3A_2294, %swap3A_2295], %broadcast_in_dim3A_2292 {strides = array<i32>} : memref<40x512x128xi32, #tpu.memory_space<vmem>>, vector<40x512x128xi32>,
    } else {
    }
    %get3A = arith.constant 0 : index
    %get3A_2 = arith.constant 0 : index
    %get3A_3 = vector.load %arg3[%get3A, %get3A_2] : memref<512x128xf32, #tpu.memory_space<vmem>>, vector<512x128xf32>
    %get3A_4 = arith.constant 0 : index
    %get3A_5 = arith.constant 0 : index
    %get3A_6 = arith.constant 0 : index
    %get3A_7 = vector.load %arg4[%get3A_4, %get3A_5, %get3A_6] : memref<1x2048x128xf32, #tpu.memory_space<vmem>>, vector<1x2048x128xf32>
    %get3A_8 = vector.shape_cast %get3A_7 : vector<1x2048x128xf32> to vector<2048x128xf32>
    %dot_general3A = arith.constant dense<0.000000e+00> : vector<512x2048xf32>
    %dot_general3A_9 = tpu.matmul %get3A_3, %get3A_8, %dot_general3A {dimension_numbers = #tpu.dot_dimension_numbers<[1], [1], [0], [0], [0, 0, 1, 0], [], []>, transpose_lhs_hint = false} : vector<512x128xf32>, vector<2048x128xf32>, vector<512x2048xf32> -> vector<512x2048xf32>
    %mul3A = arith.mulf %get3A_3, %get3A_3 : vector<512x128xf32>
    %reduce_sum3A = arith.constant dense<0.000000e+00> : vector<512xf32>
    %reduce_sum3A_10 = vector.multi_reduction <add>, %mul3A, %reduce_sum3A [1] : vector<512x128xf32> to vector<512xf32>
    %broadcast_in_dim3A = vector.shape_cast %reduce_sum3A_10 : vector<512xf32> to vector<512x1xf32>
    %mul3A_11 = arith.mulf %get3A_8, %get3A_8 : vector<2048x128xf32>
    %reduce_sum3A_12 = arith.constant dense<0.000000e+00> : vector<2048xf32>
    %reduce_sum3A_13 = vector.multi_reduction <add>, %mul3A_11, %reduce_sum3A_12 [1] : vector<2048x128xf32> to vector<2048xf32>
    %broadcast_in_dim3A_14 = vector.shape_cast %reduce_sum3A_13 : vector<2048xf32> to vector<1x2048xf32>
    %mul3A_15 = arith.constant 2.000000e+00 : f32
    %mul3A_16 = vector.broadcast %mul3A_15 : f32 to vector<512x2048xf32>
    %mul3A_17 = arith.mulf %mul3A_16, %dot_general3A_9 : vector<512x2048xf32>
    %sub3A = vector.broadcast %broadcast_in_dim3A : vector<512x1xf32> to vector<512x2048xf32>
    %sub3A_18 = arith.subf %mul3A_17, %sub3A : vector<512x2048xf32>
    %sub3A_19 = vector.broadcast %broadcast_in_dim3A_14 : vector<1x2048xf32> to vector<512x2048xf32>
    %sub3A_20 = arith.subf %sub3A_18, %sub3A_19 : vector<512x2048xf32>
    %mul3A_21 = arith.constant 2048 : i32
    %mul3A_22 = arith.muli %arg2, %mul3A_21 : i32
    %iota3A = tpu.iota {dimensions = array<i32: 1>} : vector<512x2048xi32>
    %add3A = vector.broadcast %mul3A_22 : i32 to vector<512x2048xi32>
    %add3A_23 = arith.addi %add3A, %iota3A : vector<512x2048xi32>
    %lt3A = arith.constant 100000 : i32
    %lt3A_24 = vector.broadcast %lt3A : i32 to vector<512x2048xi32>
    %lt3A_25 = arith.cmpi slt, %add3A_23, %lt3A_24 : vector<512x2048xi32>
    %jit3A = arith.constant 0xFF800000 : f32
    %broadcast_in_dim3A_26 = vector.broadcast %jit3A : f32 to vector<512x2048xf32>
    %select_n3A = arith.select %lt3A_25, %sub3A_20, %broadcast_in_dim3A_26 : vector<512x2048xi1>, vector<512x2048xf32>
    %slice3A = vector.extract_strided_slice %select_n3A {offsets = [0, 0], sizes = [512, 128], strides = [1, 1]} : vector<512x2048xf32> to vector<512x128xf32>
    %mul3A_27 = arith.constant 2048 : i32
    %mul3A_28 = arith.muli %arg2, %mul3A_27 : i32
    %add3A_29 = arith.constant 0 : i32
    %add3A_30 = arith.addi %mul3A_28, %add3A_29 : i32
    %iota3A_31 = tpu.iota {dimensions = array<i32: 1>} : vector<512x128xi32>
    %add3A_32 = vector.broadcast %add3A_30 : i32 to vector<512x128xi32>
    %add3A_33 = arith.addi %add3A_32, %iota3A_31 : vector<512x128xi32>
    %get3A_34 = arith.constant 0 : index
    %get3A_35 = arith.constant 0 : index
    %get3A_36 = arith.constant 0 : index
    %get3A_37 = vector.load %arg7[%get3A_34, %get3A_35, %get3A_36] : memref<40x512x128xf32, #tpu.memory_space<vmem>>, vector<1x512x128xf32>
    %get3A_38 = vector.shape_cast %get3A_37 : vector<1x512x128xf32> to vector<512x128xf32>
    %get3A_39 = arith.constant 0 : index
    %get3A_40 = arith.constant 0 : index
    %get3A_41 = arith.constant 0 : index
    %get3A_42 = vector.load %arg8[%get3A_39, %get3A_40, %get3A_41] : memref<40x512x128xi32, #tpu.memory_space<vmem>>, vector<1x512x128xi32>
    %get3A_43 = vector.shape_cast %get3A_42 : vector<1x512x128xi32> to vector<512x128xi32>
    %gt3A = arith.cmpf ogt, %slice3A, %get3A_38 : vector<512x128xf32>
    %select_n3A_44 = arith.select %gt3A, %slice3A, %get3A_38 : vector<512x128xi1>, vector<512x128xf32>
    %swap3A = arith.constant 0 : index
    %swap3A_45 = arith.constant 0 : index
    %swap3A_46 = arith.constant 0 : index
    %swap3A_47 = vector.load %arg7[%swap3A, %swap3A_45, %swap3A_46] : memref<40x512x128xf32, #tpu.memory_space<vmem>>, vector<1x512x128xf32>
    %swap3A_48 = vector.shape_cast %swap3A_47 : vector<1x512x128xf32> to vector<512x128xf32>
    %swap3A_49 = vector.shape_cast %select_n3A_44 : vector<512x128xf32> to vector<1x512x128xf32>
    tpu.vector_store %arg7[%swap3A, %swap3A_45, %swap3A_46], %swap3A_49 {strides = array<i32>} : memref<40x512x128xf32, #tpu.memory_space<vmem>>, vector<1x512x128xf32>,
    %select_n3A_50 = arith.select %gt3A, %add3A_33, %get3A_43 : vector<512x128xi1>, vector<512x128xi32>
    %swap3A_51 = arith.constant 0 : index
    %swap3A_52 = arith.constant 0 : index
    %swap3A_53 = arith.constant 0 : index
    %swap3A_54 = vector.load %arg8[%swap3A_51, %swap3A_52, %swap3A_53] : memref<40x512x128xi32, #tpu.memory_space<vmem>>, vector<1x512x128xi32>
    %swap3A_55 = vector.shape_cast %swap3A_54 : vector<1x512x128xi32> to vector<512x128xi32>
    %swap3A_56 = vector.shape_cast %select_n3A_50 : vector<512x128xi32> to vector<1x512x128xi32>
    tpu.vector_store %arg8[%swap3A_51, %swap3A_52, %swap3A_53], %swap3A_56 {strides = array<i32>} : memref<40x512x128xi32, #tpu.memory_space<vmem>>, vector<1x512x128xi32>,
    %select_n3A_57 = arith.select %gt3A, %get3A_38, %slice3A : vector<512x128xi1>, vector<512x128xf32>
    %select_n3A_58 = arith.select %gt3A, %get3A_43, %add3A_33 : vector<512x128xi1>, vector<512x128xi32>
    %get3A_59 = arith.constant 1 : index
    %get3A_60 = arith.constant 0 : index
    %get3A_61 = arith.constant 0 : index
    %get3A_62 = vector.load %arg7[%get3A_59, %get3A_60, %get3A_61] : memref<40x512x128xf32, #tpu.memory_space<vmem>>, vector<1x512x128xf32>
    %get3A_63 = vector.shape_cast %get3A_62 : vector<1x512x128xf32> to vector<512x128xf32>
    %get3A_64 = arith.constant 1 : index
    %get3A_65 = arith.constant 0 : index
    %get3A_66 = arith.constant 0 : index
    %get3A_67 = vector.load %arg8[%get3A_64, %get3A_65, %get3A_66] : memref<40x512x128xi32, #tpu.memory_space<vmem>>, vector<1x512x128xi32>
    %get3A_68 = vector.shape_cast %get3A_67 : vector<1x512x128xi32> to vector<512x128xi32>
    %gt3A_69 = arith.cmpf ogt, %select_n3A_57, %get3A_63 : vector<512x128xf32>
    %select_n3A_70 = arith.select %gt3A_69, %select_n3A_57, %get3A_63 : vector<512x128xi1>, vector<512x128xf32>
    %swap3A_71 = arith.constant 1 : index
    %swap3A_72 = arith.constant 0 : index
    %swap3A_73 = arith.constant 0 : index
    %swap3A_74 = vector.load %arg7[%swap3A_71, %swap3A_72, %swap3A_73] : memref<40x512x128xf32, #tpu.memory_space<vmem>>, vector<1x512x128xf32>
    %swap3A_75 = vector.shape_cast %swap3A_74 : vector<1x512x128xf32> to vector<512x128xf32>
    %swap3A_76 = vector.shape_cast %select_n3A_70 : vector<512x128xf32> to vector<1x512x128xf32>
    tpu.vector_store %arg7[%swap3A_71, %swap3A_72, %swap3A_73], %swap3A_76 {strides = array<i32>} : memref<40x512x128xf32, #tpu.memory_space<vmem>>, vector<1x512x128xf32>,
    %select_n3A_77 = arith.select %gt3A_69, %select_n3A_58, %get3A_68 : vector<512x128xi1>, vector<512x128xi32>
    %swap3A_78 = arith.constant 1 : index
    %swap3A_79 = arith.constant 0 : index
    %swap3A_80 = arith.constant 0 : index
    %swap3A_81 = vector.load %arg8[%swap3A_78, %swap3A_79, %swap3A_80] : memref<40x512x128xi32, #tpu.memory_space<vmem>>, vector<1x512x128xi32>
    %swap3A_82 = vector.shape_cast %swap3A_81 : vector<1x512x128xi32> to vector<512x128xi32>
    %swap3A_83 = vector.shape_cast %select_n3A_77 : vector<512x128xi32> to vector<1x512x128xi32>
    tpu.vector_store %arg8[%swap3A_78, %swap3A_79, %swap3A_80], %swap3A_83 {strides = array<i32>} : memref<40x512x128xi32, #tpu.memory_space<vmem>>, vector<1x512x128xi32>,
    %select_n3A_84 = arith.select %gt3A_69, %get3A_63, %select_n3A_57 : vector<512x128xi1>, vector<512x128xf32>
    %select_n3A_85 = arith.select %gt3A_69, %get3A_68, %select_n3A_58 : vector<512x128xi1>, vector<512x128xi32>
    %get3A_86 = arith.constant 2 : index
    %get3A_87 = arith.constant 0 : index
    %get3A_88 = arith.constant 0 : index
    %get3A_89 = vector.load %arg7[%get3A_86, %get3A_87, %get3A_88] : memref<40x512x128xf32, #tpu.memory_space<vmem>>, vector<1x512x128xf32>
    %get3A_90 = vector.shape_cast %get3A_89 : vector<1x512x128xf32> to vector<512x128xf32>
    %get3A_91 = arith.constant 2 : index
    %get3A_92 = arith.constant 0 : index
    %get3A_93 = arith.constant 0 : index
    %get3A_94 = vector.load %arg8[%get3A_91, %get3A_92, %get3A_93] : memref<40x512x128xi32, #tpu.memory_space<vmem>>, vector<1x512x128xi32>
    %get3A_95 = vector.shape_cast %get3A_94 : vector<1x512x128xi32> to vector<512x128xi32>
    %gt3A_96 = arith.cmpf ogt, %select_n3A_84, %get3A_90 : vector<512x128xf32>
    %select_n3A_97 = arith.select %gt3A_96, %select_n3A_84, %get3A_90 : vector<512x128xi1>, vector<512x128xf32>
    %swap3A_98 = arith.constant 2 : index
    %swap3A_99 = arith.constant 0 : index
    %swap3A_100 = arith.constant 0 : index
    %swap3A_101 = vector.load %arg7[%swap3A_98, %swap3A_99, %swap3A_100] : memref<40x512x128xf32, #tpu.memory_space<vmem>>, vector<1x512x128xf32>
    %swap3A_102 = vector.shape_cast %swap3A_101 : vector<1x512x128xf32> to vector<512x128xf32>
    %swap3A_103 = vector.shape_cast %select_n3A_97 : vector<512x128xf32> to vector<1x512x128xf32>
    tpu.vector_store %arg7[%swap3A_98, %swap3A_99, %swap3A_100], %swap3A_103 {strides = array<i32>} : memref<40x512x128xf32, #tpu.memory_space<vmem>>, vector<1x512x128xf32>,
    %select_n3A_104 = arith.select %gt3A_96, %select_n3A_85, %get3A_95 : vector<512x128xi1>, vector<512x128xi32>
    %swap3A_105 = arith.constant 2 : index
    %swap3A_106 = arith.constant 0 : index
    %swap3A_107 = arith.constant 0 : index
    %swap3A_108 = vector.load %arg8[%swap3A_105, %swap3A_106, %swap3A_107] : memref<40x512x128xi32, #tpu.memory_space<vmem>>, vector<1x512x128xi32>
    %swap3A_109 = vector.shape_cast %swap3A_108 : vector<1x512x128xi32> to vector<512x128xi32>
    %swap3A_110 = vector.shape_cast %select_n3A_104 : vector<512x128xi32> to vector<1x512x128xi32>
    tpu.vector_store %arg8[%swap3A_105, %swap3A_106, %swap3A_107], %swap3A_110 {strides = array<i32>} : memref<40x512x128xi32, #tpu.memory_space<vmem>>, vector<1x512x128xi32>,
    %select_n3A_111 = arith.select %gt3A_96, %get3A_90, %select_n3A_84 : vector<512x128xi1>, vector<512x128xf32>
    %select_n3A_112 = arith.select %gt3A_96, %get3A_95, %select_n3A_85 : vector<512x128xi1>, vector<512x128xi32>
    %get3A_113 = arith.constant 3 : index
    %get3A_114 = arith.constant 0 : index
    %get3A_115 = arith.constant 0 : index
    %get3A_116 = vector.load %arg7[%get3A_113, %get3A_114, %get3A_115] : memref<40x512x128xf32, #tpu.memory_space<vmem>>, vector<1x512x128xf32>
    %get3A_117 = vector.shape_cast %get3A_116 : vector<1x512x128xf32> to vector<512x128xf32>
    %get3A_118 = arith.constant 3 : index
    %get3A_119 = arith.constant 0 : index
    %get3A_120 = arith.constant 0 : index
    %get3A_121 = vector.load %arg8[%get3A_118, %get3A_119, %get3A_120] : memref<40x512x128xi32, #tpu.memory_space<vmem>>, vector<1x512x128xi32>
    %get3A_122 = vector.shape_cast %get3A_121 : vector<1x512x128xi32> to vector<512x128xi32>
    %gt3A_123 = arith.cmpf ogt, %select_n3A_111, %get3A_117 : vector<512x128xf32>
    %select_n3A_124 = arith.select %gt3A_123, %select_n3A_111, %get3A_117 : vector<512x128xi1>, vector<512x128xf32>
    %swap3A_125 = arith.constant 3 : index
    %swap3A_126 = arith.constant 0 : index
    %swap3A_127 = arith.constant 0 : index
    %swap3A_128 = vector.load %arg7[%swap3A_125, %swap3A_126, %swap3A_127] : memref<40x512x128xf32, #tpu.memory_space<vmem>>, vector<1x512x128xf32>
    %swap3A_129 = vector.shape_cast %swap3A_128 : vector<1x512x128xf32> to vector<512x128xf32>
    %swap3A_130 = vector.shape_cast %select_n3A_124 : vector<512x128xf32> to vector<1x512x128xf32>
    tpu.vector_store %arg7[%swap3A_125, %swap3A_126, %swap3A_127], %swap3A_130 {strides = array<i32>} : memref<40x512x128xf32, #tpu.memory_space<vmem>>, vector<1x512x128xf32>,
    %select_n3A_131 = arith.select %gt3A_123, %select_n3A_112, %get3A_122 : vector<512x128xi1>, vector<512x128xi32>
    %swap3A_132 = arith.constant 3 : index
    %swap3A_133 = arith.constant 0 : index
    %swap3A_134 = arith.constant 0 : index
    %swap3A_135 = vector.load %arg8[%swap3A_132, %swap3A_133, %swap3A_134] : memref<40x512x128xi32, #tpu.memory_space<vmem>>, vector<1x512x128xi32>
    %swap3A_136 = vector.shape_cast %swap3A_135 : vector<1x512x128xi32> to vector<512x128xi32>
    %swap3A_137 = vector.shape_cast %select_n3A_131 : vector<512x128xi32> to vector<1x512x128xi32>
    tpu.vector_store %arg8[%swap3A_132, %swap3A_133, %swap3A_134], %swap3A_137 {strides = array<i32>} : memref<40x512x128xi32, #tpu.memory_space<vmem>>, vector<1x512x128xi32>,
    %select_n3A_138 = arith.select %gt3A_123, %get3A_117, %select_n3A_111 : vector<512x128xi1>, vector<512x128xf32>
    %select_n3A_139 = arith.select %gt3A_123, %get3A_122, %select_n3A_112 : vector<512x128xi1>, vector<512x128xi32>
    %get3A_140 = arith.constant 4 : index
    %get3A_141 = arith.constant 0 : index
    %get3A_142 = arith.constant 0 : index
    %get3A_143 = vector.load %arg7[%get3A_140, %get3A_141, %get3A_142] : memref<40x512x128xf32, #tpu.memory_space<vmem>>, vector<1x512x128xf32>
    %get3A_144 = vector.shape_cast %get3A_143 : vector<1x512x128xf32> to vector<512x128xf32>
    %get3A_145 = arith.constant 4 : index
    %get3A_146 = arith.constant 0 : index
    %get3A_147 = arith.constant 0 : index
    %get3A_148 = vector.load %arg8[%get3A_145, %get3A_146, %get3A_147] : memref<40x512x128xi32, #tpu.memory_space<vmem>>, vector<1x512x128xi32>
    %get3A_149 = vector.shape_cast %get3A_148 : vector<1x512x128xi32> to vector<512x128xi32>
    %gt3A_150 = arith.cmpf ogt, %select_n3A_138, %get3A_144 : vector<512x128xf32>
    %select_n3A_151 = arith.select %gt3A_150, %select_n3A_138, %get3A_144 : vector<512x128xi1>, vector<512x128xf32>
    %swap3A_152 = arith.constant 4 : index
    %swap3A_153 = arith.constant 0 : index
    %swap3A_154 = arith.constant 0 : index
    %swap3A_155 = vector.load %arg7[%swap3A_152, %swap3A_153, %swap3A_154] : memref<40x512x128xf32, #tpu.memory_space<vmem>>, vector<1x512x128xf32>
    %swap3A_156 = vector.shape_cast %swap3A_155 : vector<1x512x128xf32> to vector<512x128xf32>
    %swap3A_157 = vector.shape_cast %select_n3A_151 : vector<512x128xf32> to vector<1x512x128xf32>
    tpu.vector_store %arg7[%swap3A_152, %swap3A_153, %swap3A_154], %swap3A_157 {strides = array<i32>} : memref<40x512x128xf32, #tpu.memory_space<vmem>>, vector<1x512x128xf32>,
    %select_n3A_158 = arith.select %gt3A_150, %select_n3A_139, %get3A_149 : vector<512x128xi1>, vector<512x128xi32>
    %swap3A_159 = arith.constant 4 : index
    %swap3A_160 = arith.constant 0 : index
    %swap3A_161 = arith.constant 0 : index
    %swap3A_162 = vector.load %arg8[%swap3A_159, %swap3A_160, %swap3A_161] : memref<40x512x128xi32, #tpu.memory_space<vmem>>, vector<1x512x128xi32>
    %swap3A_163 = vector.shape_cast %swap3A_162 : vector<1x512x128xi32> to vector<512x128xi32>
    %swap3A_164 = vector.shape_cast %select_n3A_158 : vector<512x128xi32> to vector<1x512x128xi32>
    tpu.vector_store %arg8[%swap3A_159, %swap3A_160, %swap3A_161], %swap3A_164 {strides = array<i32>} : memref<40x512x128xi32, #tpu.memory_space<vmem>>, vector<1x512x128xi32>,
    %slice3A_165 = vector.extract_strided_slice %select_n3A {offsets = [0, 128], sizes = [512, 128], strides = [1, 1]} : vector<512x2048xf32> to vector<512x128xf32>
    %mul3A_166 = arith.constant 2048 : i32
    %mul3A_167 = arith.muli %arg2, %mul3A_166 : i32
    %add3A_168 = arith.constant 128 : i32
    %add3A_169 = arith.addi %mul3A_167, %add3A_168 : i32
    %iota3A_170 = tpu.iota {dimensions = array<i32: 1>} : vector<512x128xi32>
    %add3A_171 = vector.broadcast %add3A_169 : i32 to vector<512x128xi32>
    %add3A_172 = arith.addi %add3A_171, %iota3A_170 : vector<512x128xi32>
    %get3A_173 = arith.constant 5 : index
    %get3A_174 = arith.constant 0 : index
    %get3A_175 = arith.constant 0 : index
    %get3A_176 = vector.load %arg7[%get3A_173, %get3A_174, %get3A_175] : memref<40x512x128xf32, #tpu.memory_space<vmem>>, vector<1x512x128xf32>
    %get3A_177 = vector.shape_cast %get3A_176 : vector<1x512x128xf32> to vector<512x128xf32>
    %get3A_178 = arith.constant 5 : index
    %get3A_179 = arith.constant 0 : index
    %get3A_180 = arith.constant 0 : index
    %get3A_181 = vector.load %arg8[%get3A_178, %get3A_179, %get3A_180] : memref<40x512x128xi32, #tpu.memory_space<vmem>>, vector<1x512x128xi32>
    %get3A_182 = vector.shape_cast %get3A_181 : vector<1x512x128xi32> to vector<512x128xi32>
    %gt3A_183 = arith.cmpf ogt, %slice3A_165, %get3A_177 : vector<512x128xf32>
    %select_n3A_184 = arith.select %gt3A_183, %slice3A_165, %get3A_177 : vector<512x128xi1>, vector<512x128xf32>
    %swap3A_185 = arith.constant 5 : index
    %swap3A_186 = arith.constant 0 : index
    %swap3A_187 = arith.constant 0 : index
    %swap3A_188 = vector.load %arg7[%swap3A_185, %swap3A_186, %swap3A_187] : memref<40x512x128xf32, #tpu.memory_space<vmem>>, vector<1x512x128xf32>
    %swap3A_189 = vector.shape_cast %swap3A_188 : vector<1x512x128xf32> to vector<512x128xf32>
    %swap3A_190 = vector.shape_cast %select_n3A_184 : vector<512x128xf32> to vector<1x512x128xf32>
    tpu.vector_store %arg7[%swap3A_185, %swap3A_186, %swap3A_187], %swap3A_190 {strides = array<i32>} : memref<40x512x128xf32, #tpu.memory_space<vmem>>, vector<1x512x128xf32>,
    %select_n3A_191 = arith.select %gt3A_183, %add3A_172, %get3A_182 : vector<512x128xi1>, vector<512x128xi32>
    %swap3A_192 = arith.constant 5 : index
    %swap3A_193 = arith.constant 0 : index
    %swap3A_194 = arith.constant 0 : index
    %swap3A_195 = vector.load %arg8[%swap3A_192, %swap3A_193, %swap3A_194] : memref<40x512x128xi32, #tpu.memory_space<vmem>>, vector<1x512x128xi32>
    %swap3A_196 = vector.shape_cast %swap3A_195 : vector<1x512x128xi32> to vector<512x128xi32>
    %swap3A_197 = vector.shape_cast %select_n3A_191 : vector<512x128xi32> to vector<1x512x128xi32>
    tpu.vector_store %arg8[%swap3A_192, %swap3A_193, %swap3A_194], %swap3A_197 {strides = array<i32>} : memref<40x512x128xi32, #tpu.memory_space<vmem>>, vector<1x512x128xi32>,
    %select_n3A_198 = arith.select %gt3A_183, %get3A_177, %slice3A_165 : vector<512x128xi1>, vector<512x128xf32>
    %select_n3A_199 = arith.select %gt3A_183, %get3A_182, %add3A_172 : vector<512x128xi1>, vector<512x128xi32>
    %get3A_200 = arith.constant 6 : index
    %get3A_201 = arith.constant 0 : index
    %get3A_202 = arith.constant 0 : index
    %get3A_203 = vector.load %arg7[%get3A_200, %get3A_201, %get3A_202] : memref<40x512x128xf32, #tpu.memory_space<vmem>>, vector<1x512x128xf32>
    %get3A_204 = vector.shape_cast %get3A_203 : vector<1x512x128xf32> to vector<512x128xf32>
    %get3A_205 = arith.constant 6 : index
    %get3A_206 = arith.constant 0 : index
    %get3A_207 = arith.constant 0 : index
    %get3A_208 = vector.load %arg8[%get3A_205, %get3A_206, %get3A_207] : memref<40x512x128xi32, #tpu.memory_space<vmem>>, vector<1x512x128xi32>
    %get3A_209 = vector.shape_cast %get3A_208 : vector<1x512x128xi32> to vector<512x128xi32>
    %gt3A_210 = arith.cmpf ogt, %select_n3A_198, %get3A_204 : vector<512x128xf32>
    %select_n3A_211 = arith.select %gt3A_210, %select_n3A_198, %get3A_204 : vector<512x128xi1>, vector<512x128xf32>
    %swap3A_212 = arith.constant 6 : index
    %swap3A_213 = arith.constant 0 : index
    %swap3A_214 = arith.constant 0 : index
    %swap3A_215 = vector.load %arg7[%swap3A_212, %swap3A_213, %swap3A_214] : memref<40x512x128xf32, #tpu.memory_space<vmem>>, vector<1x512x128xf32>
    %swap3A_216 = vector.shape_cast %swap3A_215 : vector<1x512x128xf32> to vector<512x128xf32>
    %swap3A_217 = vector.shape_cast %select_n3A_211 : vector<512x128xf32> to vector<1x512x128xf32>
    tpu.vector_store %arg7[%swap3A_212, %swap3A_213, %swap3A_214], %swap3A_217 {strides = array<i32>} : memref<40x512x128xf32, #tpu.memory_space<vmem>>, vector<1x512x128xf32>,
    %select_n3A_218 = arith.select %gt3A_210, %select_n3A_199, %get3A_209 : vector<512x128xi1>, vector<512x128xi32>
    %swap3A_219 = arith.constant 6 : index
    %swap3A_220 = arith.constant 0 : index
    %swap3A_221 = arith.constant 0 : index
    %swap3A_222 = vector.load %arg8[%swap3A_219, %swap3A_220, %swap3A_221] : memref<40x512x128xi32, #tpu.memory_space<vmem>>, vector<1x512x128xi32>
    %swap3A_223 = vector.shape_cast %swap3A_222 : vector<1x512x128xi32> to vector<512x128xi32>
    %swap3A_224 = vector.shape_cast %select_n3A_218 : vector<512x128xi32> to vector<1x512x128xi32>
    tpu.vector_store %arg8[%swap3A_219, %swap3A_220, %swap3A_221], %swap3A_224 {strides = array<i32>} : memref<40x512x128xi32, #tpu.memory_space<vmem>>, vector<1x512x128xi32>,
    %select_n3A_225 = arith.select %gt3A_210, %get3A_204, %select_n3A_198 : vector<512x128xi1>, vector<512x128xf32>
    %select_n3A_226 = arith.select %gt3A_210, %get3A_209, %select_n3A_199 : vector<512x128xi1>, vector<512x128xi32>
    %get3A_227 = arith.constant 7 : index
    %get3A_228 = arith.constant 0 : index
    %get3A_229 = arith.constant 0 : index
    %get3A_230 = vector.load %arg7[%get3A_227, %get3A_228, %get3A_229] : memref<40x512x128xf32, #tpu.memory_space<vmem>>, vector<1x512x128xf32>
    %get3A_231 = vector.shape_cast %get3A_230 : vector<1x512x128xf32> to vector<512x128xf32>
    %get3A_232 = arith.constant 7 : index
    %get3A_233 = arith.constant 0 : index
    %get3A_234 = arith.constant 0 : index
    %get3A_235 = vector.load %arg8[%get3A_232, %get3A_233, %get3A_234] : memref<40x512x128xi32, #tpu.memory_space<vmem>>, vector<1x512x128xi32>
    %get3A_236 = vector.shape_cast %get3A_235 : vector<1x512x128xi32> to vector<512x128xi32>
    %gt3A_237 = arith.cmpf ogt, %select_n3A_225, %get3A_231 : vector<512x128xf32>
    %select_n3A_238 = arith.select %gt3A_237, %select_n3A_225, %get3A_231 : vector<512x128xi1>, vector<512x128xf32>
    %swap3A_239 = arith.constant 7 : index
    %swap3A_240 = arith.constant 0 : index
    %swap3A_241 = arith.constant 0 : index
    %swap3A_242 = vector.load %arg7[%swap3A_239, %swap3A_240, %swap3A_241] : memref<40x512x128xf32, #tpu.memory_space<vmem>>, vector<1x512x128xf32>
    %swap3A_243 = vector.shape_cast %swap3A_242 : vector<1x512x128xf32> to vector<512x128xf32>
    %swap3A_244 = vector.shape_cast %select_n3A_238 : vector<512x128xf32> to vector<1x512x128xf32>
    tpu.vector_store %arg7[%swap3A_239, %swap3A_240, %swap3A_241], %swap3A_244 {strides = array<i32>} : memref<40x512x128xf32, #tpu.memory_space<vmem>>, vector<1x512x128xf32>,
    %select_n3A_245 = arith.select %gt3A_237, %select_n3A_226, %get3A_236 : vector<512x128xi1>, vector<512x128xi32>
    %swap3A_246 = arith.constant 7 : index
    %swap3A_247 = arith.constant 0 : index
    %swap3A_248 = arith.constant 0 : index
    %swap3A_249 = vector.load %arg8[%swap3A_246, %swap3A_247, %swap3A_248] : memref<40x512x128xi32, #tpu.memory_space<vmem>>, vector<1x512x128xi32>
    %swap3A_250 = vector.shape_cast %swap3A_249 : vector<1x512x128xi32> to vector<512x128xi32>
    %swap3A_251 = vector.shape_cast %select_n3A_245 : vector<512x128xi32> to vector<1x512x128xi32>
    tpu.vector_store %arg8[%swap3A_246, %swap3A_247, %swap3A_248], %swap3A_251 {strides = array<i32>} : memref<40x512x128xi32, #tpu.memory_space<vmem>>, vector<1x512x128xi32>,
    %select_n3A_252 = arith.select %gt3A_237, %get3A_231, %select_n3A_225 : vector<512x128xi1>, vector<512x128xf32>
    %select_n3A_253 = arith.select %gt3A_237, %get3A_236, %select_n3A_226 : vector<512x128xi1>, vector<512x128xi32>
    %get3A_254 = arith.constant 8 : index
    %get3A_255 = arith.constant 0 : index
    %get3A_256 = arith.constant 0 : index
    %get3A_257 = vector.load %arg7[%get3A_254, %get3A_255, %get3A_256] : memref<40x512x128xf32, #tpu.memory_space<vmem>>, vector<1x512x128xf32>
    %get3A_258 = vector.shape_cast %get3A_257 : vector<1x512x128xf32> to vector<512x128xf32>
    %get3A_259 = arith.constant 8 : index
    %get3A_260 = arith.constant 0 : index
    %get3A_261 = arith.constant 0 : index
    %get3A_262 = vector.load %arg8[%get3A_259, %get3A_260, %get3A_261] : memref<40x512x128xi32, #tpu.memory_space<vmem>>, vector<1x512x128xi32>
    %get3A_263 = vector.shape_cast %get3A_262 : vector<1x512x128xi32> to vector<512x128xi32>
    %gt3A_264 = arith.cmpf ogt, %select_n3A_252, %get3A_258 : vector<512x128xf32>
    %select_n3A_265 = arith.select %gt3A_264, %select_n3A_252, %get3A_258 : vector<512x128xi1>, vector<512x128xf32>
    %swap3A_266 = arith.constant 8 : index
    %swap3A_267 = arith.constant 0 : index
    %swap3A_268 = arith.constant 0 : index
    %swap3A_269 = vector.load %arg7[%swap3A_266, %swap3A_267, %swap3A_268] : memref<40x512x128xf32, #tpu.memory_space<vmem>>, vector<1x512x128xf32>
    %swap3A_270 = vector.shape_cast %swap3A_269 : vector<1x512x128xf32> to vector<512x128xf32>
    %swap3A_271 = vector.shape_cast %select_n3A_265 : vector<512x128xf32> to vector<1x512x128xf32>
    tpu.vector_store %arg7[%swap3A_266, %swap3A_267, %swap3A_268], %swap3A_271 {strides = array<i32>} : memref<40x512x128xf32, #tpu.memory_space<vmem>>, vector<1x512x128xf32>,
    %select_n3A_272 = arith.select %gt3A_264, %select_n3A_253, %get3A_263 : vector<512x128xi1>, vector<512x128xi32>
    %swap3A_273 = arith.constant 8 : index
    %swap3A_274 = arith.constant 0 : index
    %swap3A_275 = arith.constant 0 : index
    %swap3A_276 = vector.load %arg8[%swap3A_273, %swap3A_274, %swap3A_275] : memref<40x512x128xi32, #tpu.memory_space<vmem>>, vector<1x512x128xi32>
    %swap3A_277 = vector.shape_cast %swap3A_276 : vector<1x512x128xi32> to vector<512x128xi32>
    %swap3A_278 = vector.shape_cast %select_n3A_272 : vector<512x128xi32> to vector<1x512x128xi32>
    tpu.vector_store %arg8[%swap3A_273, %swap3A_274, %swap3A_275], %swap3A_278 {strides = array<i32>} : memref<40x512x128xi32, #tpu.memory_space<vmem>>, vector<1x512x128xi32>,
    %select_n3A_279 = arith.select %gt3A_264, %get3A_258, %select_n3A_252 : vector<512x128xi1>, vector<512x128xf32>
    %select_n3A_280 = arith.select %gt3A_264, %get3A_263, %select_n3A_253 : vector<512x128xi1>, vector<512x128xi32>
    %get3A_281 = arith.constant 9 : index
    %get3A_282 = arith.constant 0 : index
    %get3A_283 = arith.constant 0 : index
    %get3A_284 = vector.load %arg7[%get3A_281, %get3A_282, %get3A_283] : memref<40x512x128xf32, #tpu.memory_space<vmem>>, vector<1x512x128xf32>
    %get3A_285 = vector.shape_cast %get3A_284 : vector<1x512x128xf32> to vector<512x128xf32>
    %get3A_286 = arith.constant 9 : index
    %get3A_287 = arith.constant 0 : index
    %get3A_288 = arith.constant 0 : index
    %get3A_289 = vector.load %arg8[%get3A_286, %get3A_287, %get3A_288] : memref<40x512x128xi32, #tpu.memory_space<vmem>>, vector<1x512x128xi32>
    %get3A_290 = vector.shape_cast %get3A_289 : vector<1x512x128xi32> to vector<512x128xi32>
    %gt3A_291 = arith.cmpf ogt, %select_n3A_279, %get3A_285 : vector<512x128xf32>
    %select_n3A_292 = arith.select %gt3A_291, %select_n3A_279, %get3A_285 : vector<512x128xi1>, vector<512x128xf32>
    %swap3A_293 = arith.constant 9 : index
    %swap3A_294 = arith.constant 0 : index
    %swap3A_295 = arith.constant 0 : index
    %swap3A_296 = vector.load %arg7[%swap3A_293, %swap3A_294, %swap3A_295] : memref<40x512x128xf32, #tpu.memory_space<vmem>>, vector<1x512x128xf32>
    %swap3A_297 = vector.shape_cast %swap3A_296 : vector<1x512x128xf32> to vector<512x128xf32>
    %swap3A_298 = vector.shape_cast %select_n3A_292 : vector<512x128xf32> to vector<1x512x128xf32>
    tpu.vector_store %arg7[%swap3A_293, %swap3A_294, %swap3A_295], %swap3A_298 {strides = array<i32>} : memref<40x512x128xf32, #tpu.memory_space<vmem>>, vector<1x512x128xf32>,
    %select_n3A_299 = arith.select %gt3A_291, %select_n3A_280, %get3A_290 : vector<512x128xi1>, vector<512x128xi32>
    %swap3A_300 = arith.constant 9 : index
    %swap3A_301 = arith.constant 0 : index
    %swap3A_302 = arith.constant 0 : index
    %swap3A_303 = vector.load %arg8[%swap3A_300, %swap3A_301, %swap3A_302] : memref<40x512x128xi32, #tpu.memory_space<vmem>>, vector<1x512x128xi32>
    %swap3A_304 = vector.shape_cast %swap3A_303 : vector<1x512x128xi32> to vector<512x128xi32>
    %swap3A_305 = vector.shape_cast %select_n3A_299 : vector<512x128xi32> to vector<1x512x128xi32>
    tpu.vector_store %arg8[%swap3A_300, %swap3A_301, %swap3A_302], %swap3A_305 {strides = array<i32>} : memref<40x512x128xi32, #tpu.memory_space<vmem>>, vector<1x512x128xi32>,
    %slice3A_306 = vector.extract_strided_slice %select_n3A {offsets = [0, 256], sizes = [512, 128], strides = [1, 1]} : vector<512x2048xf32> to vector<512x128xf32>
    %mul3A_307 = arith.constant 2048 : i32
    %mul3A_308 = arith.muli %arg2, %mul3A_307 : i32
    %add3A_309 = arith.constant 256 : i32
    %add3A_310 = arith.addi %mul3A_308, %add3A_309 : i32
    %iota3A_311 = tpu.iota {dimensions = array<i32: 1>} : vector<512x128xi32>
    %add3A_312 = vector.broadcast %add3A_310 : i32 to vector<512x128xi32>
    %add3A_313 = arith.addi %add3A_312, %iota3A_311 : vector<512x128xi32>
    %get3A_314 = arith.constant 10 : index
    %get3A_315 = arith.constant 0 : index
    %get3A_316 = arith.constant 0 : index
    %get3A_317 = vector.load %arg7[%get3A_314, %get3A_315, %get3A_316] : memref<40x512x128xf32, #tpu.memory_space<vmem>>, vector<1x512x128xf32>
    %get3A_318 = vector.shape_cast %get3A_317 : vector<1x512x128xf32> to vector<512x128xf32>
    %get3A_319 = arith.constant 10 : index
    %get3A_320 = arith.constant 0 : index
    %get3A_321 = arith.constant 0 : index
    %get3A_322 = vector.load %arg8[%get3A_319, %get3A_320, %get3A_321] : memref<40x512x128xi32, #tpu.memory_space<vmem>>, vector<1x512x128xi32>
    %get3A_323 = vector.shape_cast %get3A_322 : vector<1x512x128xi32> to vector<512x128xi32>
    %gt3A_324 = arith.cmpf ogt, %slice3A_306, %get3A_318 : vector<512x128xf32>
    %select_n3A_325 = arith.select %gt3A_324, %slice3A_306, %get3A_318 : vector<512x128xi1>, vector<512x128xf32>
    %swap3A_326 = arith.constant 10 : index
    %swap3A_327 = arith.constant 0 : index
    %swap3A_328 = arith.constant 0 : index
    %swap3A_329 = vector.load %arg7[%swap3A_326, %swap3A_327, %swap3A_328] : memref<40x512x128xf32, #tpu.memory_space<vmem>>, vector<1x512x128xf32>
    %swap3A_330 = vector.shape_cast %swap3A_329 : vector<1x512x128xf32> to vector<512x128xf32>
    %swap3A_331 = vector.shape_cast %select_n3A_325 : vector<512x128xf32> to vector<1x512x128xf32>
    tpu.vector_store %arg7[%swap3A_326, %swap3A_327, %swap3A_328], %swap3A_331 {strides = array<i32>} : memref<40x512x128xf32, #tpu.memory_space<vmem>>, vector<1x512x128xf32>,
    %select_n3A_332 = arith.select %gt3A_324, %add3A_313, %get3A_323 : vector<512x128xi1>, vector<512x128xi32>
    %swap3A_333 = arith.constant 10 : index
    %swap3A_334 = arith.constant 0 : index
    %swap3A_335 = arith.constant 0 : index
    %swap3A_336 = vector.load %arg8[%swap3A_333, %swap3A_334, %swap3A_335] : memref<40x512x128xi32, #tpu.memory_space<vmem>>, vector<1x512x128xi32>
    %swap3A_337 = vector.shape_cast %swap3A_336 : vector<1x512x128xi32> to vector<512x128xi32>
    %swap3A_338 = vector.shape_cast %select_n3A_332 : vector<512x128xi32> to vector<1x512x128xi32>
    tpu.vector_store %arg8[%swap3A_333, %swap3A_334, %swap3A_335], %swap3A_338 {strides = array<i32>} : memref<40x512x128xi32, #tpu.memory_space<vmem>>, vector<1x512x128xi32>,
    %select_n3A_339 = arith.select %gt3A_324, %get3A_318, %slice3A_306 : vector<512x128xi1>, vector<512x128xf32>
    %select_n3A_340 = arith.select %gt3A_324, %get3A_323, %add3A_313 : vector<512x128xi1>, vector<512x128xi32>
    %get3A_341 = arith.constant 11 : index
    %get3A_342 = arith.constant 0 : index
    %get3A_343 = arith.constant 0 : index
    %get3A_344 = vector.load %arg7[%get3A_341, %get3A_342, %get3A_343] : memref<40x512x128xf32, #tpu.memory_space<vmem>>, vector<1x512x128xf32>
    %get3A_345 = vector.shape_cast %get3A_344 : vector<1x512x128xf32> to vector<512x128xf32>
    %get3A_346 = arith.constant 11 : index
    %get3A_347 = arith.constant 0 : index
    %get3A_348 = arith.constant 0 : index
    %get3A_349 = vector.load %arg8[%get3A_346, %get3A_347, %get3A_348] : memref<40x512x128xi32, #tpu.memory_space<vmem>>, vector<1x512x128xi32>
    %get3A_350 = vector.shape_cast %get3A_349 : vector<1x512x128xi32> to vector<512x128xi32>
    %gt3A_351 = arith.cmpf ogt, %select_n3A_339, %get3A_345 : vector<512x128xf32>
    %select_n3A_352 = arith.select %gt3A_351, %select_n3A_339, %get3A_345 : vector<512x128xi1>, vector<512x128xf32>
    %swap3A_353 = arith.constant 11 : index
    %swap3A_354 = arith.constant 0 : index
    %swap3A_355 = arith.constant 0 : index
    %swap3A_356 = vector.load %arg7[%swap3A_353, %swap3A_354, %swap3A_355] : memref<40x512x128xf32, #tpu.memory_space<vmem>>, vector<1x512x128xf32>
    %swap3A_357 = vector.shape_cast %swap3A_356 : vector<1x512x128xf32> to vector<512x128xf32>
    %swap3A_358 = vector.shape_cast %select_n3A_352 : vector<512x128xf32> to vector<1x512x128xf32>
    tpu.vector_store %arg7[%swap3A_353, %swap3A_354, %swap3A_355], %swap3A_358 {strides = array<i32>} : memref<40x512x128xf32, #tpu.memory_space<vmem>>, vector<1x512x128xf32>,
    %select_n3A_359 = arith.select %gt3A_351, %select_n3A_340, %get3A_350 : vector<512x128xi1>, vector<512x128xi32>
    %swap3A_360 = arith.constant 11 : index
    %swap3A_361 = arith.constant 0 : index
    %swap3A_362 = arith.constant 0 : index
    %swap3A_363 = vector.load %arg8[%swap3A_360, %swap3A_361, %swap3A_362] : memref<40x512x128xi32, #tpu.memory_space<vmem>>, vector<1x512x128xi32>
    %swap3A_364 = vector.shape_cast %swap3A_363 : vector<1x512x128xi32> to vector<512x128xi32>
    %swap3A_365 = vector.shape_cast %select_n3A_359 : vector<512x128xi32> to vector<1x512x128xi32>
    tpu.vector_store %arg8[%swap3A_360, %swap3A_361, %swap3A_362], %swap3A_365 {strides = array<i32>} : memref<40x512x128xi32, #tpu.memory_space<vmem>>, vector<1x512x128xi32>,
    %select_n3A_366 = arith.select %gt3A_351, %get3A_345, %select_n3A_339 : vector<512x128xi1>, vector<512x128xf32>
    %select_n3A_367 = arith.select %gt3A_351, %get3A_350, %select_n3A_340 : vector<512x128xi1>, vector<512x128xi32>
    %get3A_368 = arith.constant 12 : index
    %get3A_369 = arith.constant 0 : index
    %get3A_370 = arith.constant 0 : index
    %get3A_371 = vector.load %arg7[%get3A_368, %get3A_369, %get3A_370] : memref<40x512x128xf32, #tpu.memory_space<vmem>>, vector<1x512x128xf32>
    %get3A_372 = vector.shape_cast %get3A_371 : vector<1x512x128xf32> to vector<512x128xf32>
    %get3A_373 = arith.constant 12 : index
    %get3A_374 = arith.constant 0 : index
    %get3A_375 = arith.constant 0 : index
    %get3A_376 = vector.load %arg8[%get3A_373, %get3A_374, %get3A_375] : memref<40x512x128xi32, #tpu.memory_space<vmem>>, vector<1x512x128xi32>
    %get3A_377 = vector.shape_cast %get3A_376 : vector<1x512x128xi32> to vector<512x128xi32>
    %gt3A_378 = arith.cmpf ogt, %select_n3A_366, %get3A_372 : vector<512x128xf32>
    %select_n3A_379 = arith.select %gt3A_378, %select_n3A_366, %get3A_372 : vector<512x128xi1>, vector<512x128xf32>
    %swap3A_380 = arith.constant 12 : index
    %swap3A_381 = arith.constant 0 : index
    %swap3A_382 = arith.constant 0 : index
    %swap3A_383 = vector.load %arg7[%swap3A_380, %swap3A_381, %swap3A_382] : memref<40x512x128xf32, #tpu.memory_space<vmem>>, vector<1x512x128xf32>
    %swap3A_384 = vector.shape_cast %swap3A_383 : vector<1x512x128xf32> to vector<512x128xf32>
    %swap3A_385 = vector.shape_cast %select_n3A_379 : vector<512x128xf32> to vector<1x512x128xf32>
    tpu.vector_store %arg7[%swap3A_380, %swap3A_381, %swap3A_382], %swap3A_385 {strides = array<i32>} : memref<40x512x128xf32, #tpu.memory_space<vmem>>, vector<1x512x128xf32>,
    %select_n3A_386 = arith.select %gt3A_378, %select_n3A_367, %get3A_377 : vector<512x128xi1>, vector<512x128xi32>
    %swap3A_387 = arith.constant 12 : index
    %swap3A_388 = arith.constant 0 : index
    %swap3A_389 = arith.constant 0 : index
    %swap3A_390 = vector.load %arg8[%swap3A_387, %swap3A_388, %swap3A_389] : memref<40x512x128xi32, #tpu.memory_space<vmem>>, vector<1x512x128xi32>
    %swap3A_391 = vector.shape_cast %swap3A_390 : vector<1x512x128xi32> to vector<512x128xi32>
    %swap3A_392 = vector.shape_cast %select_n3A_386 : vector<512x128xi32> to vector<1x512x128xi32>
    tpu.vector_store %arg8[%swap3A_387, %swap3A_388, %swap3A_389], %swap3A_392 {strides = array<i32>} : memref<40x512x128xi32, #tpu.memory_space<vmem>>, vector<1x512x128xi32>,
    %select_n3A_393 = arith.select %gt3A_378, %get3A_372, %select_n3A_366 : vector<512x128xi1>, vector<512x128xf32>
    %select_n3A_394 = arith.select %gt3A_378, %get3A_377, %select_n3A_367 : vector<512x128xi1>, vector<512x128xi32>
    %get3A_395 = arith.constant 13 : index
    %get3A_396 = arith.constant 0 : index
    %get3A_397 = arith.constant 0 : index
    %get3A_398 = vector.load %arg7[%get3A_395, %get3A_396, %get3A_397] : memref<40x512x128xf32, #tpu.memory_space<vmem>>, vector<1x512x128xf32>
    %get3A_399 = vector.shape_cast %get3A_398 : vector<1x512x128xf32> to vector<512x128xf32>
    %get3A_400 = arith.constant 13 : index
    %get3A_401 = arith.constant 0 : index
    %get3A_402 = arith.constant 0 : index
    %get3A_403 = vector.load %arg8[%get3A_400, %get3A_401, %get3A_402] : memref<40x512x128xi32, #tpu.memory_space<vmem>>, vector<1x512x128xi32>
    %get3A_404 = vector.shape_cast %get3A_403 : vector<1x512x128xi32> to vector<512x128xi32>
    %gt3A_405 = arith.cmpf ogt, %select_n3A_393, %get3A_399 : vector<512x128xf32>
    %select_n3A_406 = arith.select %gt3A_405, %select_n3A_393, %get3A_399 : vector<512x128xi1>, vector<512x128xf32>
    %swap3A_407 = arith.constant 13 : index
    %swap3A_408 = arith.constant 0 : index
    %swap3A_409 = arith.constant 0 : index
    %swap3A_410 = vector.load %arg7[%swap3A_407, %swap3A_408, %swap3A_409] : memref<40x512x128xf32, #tpu.memory_space<vmem>>, vector<1x512x128xf32>
    %swap3A_411 = vector.shape_cast %swap3A_410 : vector<1x512x128xf32> to vector<512x128xf32>
    %swap3A_412 = vector.shape_cast %select_n3A_406 : vector<512x128xf32> to vector<1x512x128xf32>
    tpu.vector_store %arg7[%swap3A_407, %swap3A_408, %swap3A_409], %swap3A_412 {strides = array<i32>} : memref<40x512x128xf32, #tpu.memory_space<vmem>>, vector<1x512x128xf32>,
    %select_n3A_413 = arith.select %gt3A_405, %select_n3A_394, %get3A_404 : vector<512x128xi1>, vector<512x128xi32>
    %swap3A_414 = arith.constant 13 : index
    %swap3A_415 = arith.constant 0 : index
    %swap3A_416 = arith.constant 0 : index
    %swap3A_417 = vector.load %arg8[%swap3A_414, %swap3A_415, %swap3A_416] : memref<40x512x128xi32, #tpu.memory_space<vmem>>, vector<1x512x128xi32>
    %swap3A_418 = vector.shape_cast %swap3A_417 : vector<1x512x128xi32> to vector<512x128xi32>
    %swap3A_419 = vector.shape_cast %select_n3A_413 : vector<512x128xi32> to vector<1x512x128xi32>
    tpu.vector_store %arg8[%swap3A_414, %swap3A_415, %swap3A_416], %swap3A_419 {strides = array<i32>} : memref<40x512x128xi32, #tpu.memory_space<vmem>>, vector<1x512x128xi32>,
    %select_n3A_420 = arith.select %gt3A_405, %get3A_399, %select_n3A_393 : vector<512x128xi1>, vector<512x128xf32>
    %select_n3A_421 = arith.select %gt3A_405, %get3A_404, %select_n3A_394 : vector<512x128xi1>, vector<512x128xi32>
    %get3A_422 = arith.constant 14 : index
    %get3A_423 = arith.constant 0 : index
    %get3A_424 = arith.constant 0 : index
    %get3A_425 = vector.load %arg7[%get3A_422, %get3A_423, %get3A_424] : memref<40x512x128xf32, #tpu.memory_space<vmem>>, vector<1x512x128xf32>
    %get3A_426 = vector.shape_cast %get3A_425 : vector<1x512x128xf32> to vector<512x128xf32>
    %get3A_427 = arith.constant 14 : index
    %get3A_428 = arith.constant 0 : index
    %get3A_429 = arith.constant 0 : index
    %get3A_430 = vector.load %arg8[%get3A_427, %get3A_428, %get3A_429] : memref<40x512x128xi32, #tpu.memory_space<vmem>>, vector<1x512x128xi32>
    %get3A_431 = vector.shape_cast %get3A_430 : vector<1x512x128xi32> to vector<512x128xi32>
    %gt3A_432 = arith.cmpf ogt, %select_n3A_420, %get3A_426 : vector<512x128xf32>
    %select_n3A_433 = arith.select %gt3A_432, %select_n3A_420, %get3A_426 : vector<512x128xi1>, vector<512x128xf32>
    %swap3A_434 = arith.constant 14 : index
    %swap3A_435 = arith.constant 0 : index
    %swap3A_436 = arith.constant 0 : index
    %swap3A_437 = vector.load %arg7[%swap3A_434, %swap3A_435, %swap3A_436] : memref<40x512x128xf32, #tpu.memory_space<vmem>>, vector<1x512x128xf32>
    %swap3A_438 = vector.shape_cast %swap3A_437 : vector<1x512x128xf32> to vector<512x128xf32>
    %swap3A_439 = vector.shape_cast %select_n3A_433 : vector<512x128xf32> to vector<1x512x128xf32>
    tpu.vector_store %arg7[%swap3A_434, %swap3A_435, %swap3A_436], %swap3A_439 {strides = array<i32>} : memref<40x512x128xf32, #tpu.memory_space<vmem>>, vector<1x512x128xf32>,
    %select_n3A_440 = arith.select %gt3A_432, %select_n3A_421, %get3A_431 : vector<512x128xi1>, vector<512x128xi32>
    %swap3A_441 = arith.constant 14 : index
    %swap3A_442 = arith.constant 0 : index
    %swap3A_443 = arith.constant 0 : index
    %swap3A_444 = vector.load %arg8[%swap3A_441, %swap3A_442, %swap3A_443] : memref<40x512x128xi32, #tpu.memory_space<vmem>>, vector<1x512x128xi32>
    %swap3A_445 = vector.shape_cast %swap3A_444 : vector<1x512x128xi32> to vector<512x128xi32>
    %swap3A_446 = vector.shape_cast %select_n3A_440 : vector<512x128xi32> to vector<1x512x128xi32>
    tpu.vector_store %arg8[%swap3A_441, %swap3A_442, %swap3A_443], %swap3A_446 {strides = array<i32>} : memref<40x512x128xi32, #tpu.memory_space<vmem>>, vector<1x512x128xi32>,
    %slice3A_447 = vector.extract_strided_slice %select_n3A {offsets = [0, 384], sizes = [512, 128], strides = [1, 1]} : vector<512x2048xf32> to vector<512x128xf32>
    %mul3A_448 = arith.constant 2048 : i32
    %mul3A_449 = arith.muli %arg2, %mul3A_448 : i32
    %add3A_450 = arith.constant 384 : i32
    %add3A_451 = arith.addi %mul3A_449, %add3A_450 : i32
    %iota3A_452 = tpu.iota {dimensions = array<i32: 1>} : vector<512x128xi32>
    %add3A_453 = vector.broadcast %add3A_451 : i32 to vector<512x128xi32>
    %add3A_454 = arith.addi %add3A_453, %iota3A_452 : vector<512x128xi32>
    %get3A_455 = arith.constant 15 : index
    %get3A_456 = arith.constant 0 : index
    %get3A_457 = arith.constant 0 : index
    %get3A_458 = vector.load %arg7[%get3A_455, %get3A_456, %get3A_457] : memref<40x512x128xf32, #tpu.memory_space<vmem>>, vector<1x512x128xf32>
    %get3A_459 = vector.shape_cast %get3A_458 : vector<1x512x128xf32> to vector<512x128xf32>
    %get3A_460 = arith.constant 15 : index
    %get3A_461 = arith.constant 0 : index
    %get3A_462 = arith.constant 0 : index
    %get3A_463 = vector.load %arg8[%get3A_460, %get3A_461, %get3A_462] : memref<40x512x128xi32, #tpu.memory_space<vmem>>, vector<1x512x128xi32>
    %get3A_464 = vector.shape_cast %get3A_463 : vector<1x512x128xi32> to vector<512x128xi32>
    %gt3A_465 = arith.cmpf ogt, %slice3A_447, %get3A_459 : vector<512x128xf32>
    %select_n3A_466 = arith.select %gt3A_465, %slice3A_447, %get3A_459 : vector<512x128xi1>, vector<512x128xf32>
    %swap3A_467 = arith.constant 15 : index
    %swap3A_468 = arith.constant 0 : index
    %swap3A_469 = arith.constant 0 : index
    %swap3A_470 = vector.load %arg7[%swap3A_467, %swap3A_468, %swap3A_469] : memref<40x512x128xf32, #tpu.memory_space<vmem>>, vector<1x512x128xf32>
    %swap3A_471 = vector.shape_cast %swap3A_470 : vector<1x512x128xf32> to vector<512x128xf32>
    %swap3A_472 = vector.shape_cast %select_n3A_466 : vector<512x128xf32> to vector<1x512x128xf32>
    tpu.vector_store %arg7[%swap3A_467, %swap3A_468, %swap3A_469], %swap3A_472 {strides = array<i32>} : memref<40x512x128xf32, #tpu.memory_space<vmem>>, vector<1x512x128xf32>,
    %select_n3A_473 = arith.select %gt3A_465, %add3A_454, %get3A_464 : vector<512x128xi1>, vector<512x128xi32>
    %swap3A_474 = arith.constant 15 : index
    %swap3A_475 = arith.constant 0 : index
    %swap3A_476 = arith.constant 0 : index
    %swap3A_477 = vector.load %arg8[%swap3A_474, %swap3A_475, %swap3A_476] : memref<40x512x128xi32, #tpu.memory_space<vmem>>, vector<1x512x128xi32>
    %swap3A_478 = vector.shape_cast %swap3A_477 : vector<1x512x128xi32> to vector<512x128xi32>
    %swap3A_479 = vector.shape_cast %select_n3A_473 : vector<512x128xi32> to vector<1x512x128xi32>
    tpu.vector_store %arg8[%swap3A_474, %swap3A_475, %swap3A_476], %swap3A_479 {strides = array<i32>} : memref<40x512x128xi32, #tpu.memory_space<vmem>>, vector<1x512x128xi32>,
    %select_n3A_480 = arith.select %gt3A_465, %get3A_459, %slice3A_447 : vector<512x128xi1>, vector<512x128xf32>
    %select_n3A_481 = arith.select %gt3A_465, %get3A_464, %add3A_454 : vector<512x128xi1>, vector<512x128xi32>
    %get3A_482 = arith.constant 16 : index
    %get3A_483 = arith.constant 0 : index
    %get3A_484 = arith.constant 0 : index
    %get3A_485 = vector.load %arg7[%get3A_482, %get3A_483, %get3A_484] : memref<40x512x128xf32, #tpu.memory_space<vmem>>, vector<1x512x128xf32>
    %get3A_486 = vector.shape_cast %get3A_485 : vector<1x512x128xf32> to vector<512x128xf32>
    %get3A_487 = arith.constant 16 : index
    %get3A_488 = arith.constant 0 : index
    %get3A_489 = arith.constant 0 : index
    %get3A_490 = vector.load %arg8[%get3A_487, %get3A_488, %get3A_489] : memref<40x512x128xi32, #tpu.memory_space<vmem>>, vector<1x512x128xi32>
    %get3A_491 = vector.shape_cast %get3A_490 : vector<1x512x128xi32> to vector<512x128xi32>
    %gt3A_492 = arith.cmpf ogt, %select_n3A_480, %get3A_486 : vector<512x128xf32>
    %select_n3A_493 = arith.select %gt3A_492, %select_n3A_480, %get3A_486 : vector<512x128xi1>, vector<512x128xf32>
    %swap3A_494 = arith.constant 16 : index
    %swap3A_495 = arith.constant 0 : index
    %swap3A_496 = arith.constant 0 : index
    %swap3A_497 = vector.load %arg7[%swap3A_494, %swap3A_495, %swap3A_496] : memref<40x512x128xf32, #tpu.memory_space<vmem>>, vector<1x512x128xf32>
    %swap3A_498 = vector.shape_cast %swap3A_497 : vector<1x512x128xf32> to vector<512x128xf32>
    %swap3A_499 = vector.shape_cast %select_n3A_493 : vector<512x128xf32> to vector<1x512x128xf32>
    tpu.vector_store %arg7[%swap3A_494, %swap3A_495, %swap3A_496], %swap3A_499 {strides = array<i32>} : memref<40x512x128xf32, #tpu.memory_space<vmem>>, vector<1x512x128xf32>,
    %select_n3A_500 = arith.select %gt3A_492, %select_n3A_481, %get3A_491 : vector<512x128xi1>, vector<512x128xi32>
    %swap3A_501 = arith.constant 16 : index
    %swap3A_502 = arith.constant 0 : index
    %swap3A_503 = arith.constant 0 : index
    %swap3A_504 = vector.load %arg8[%swap3A_501, %swap3A_502, %swap3A_503] : memref<40x512x128xi32, #tpu.memory_space<vmem>>, vector<1x512x128xi32>
    %swap3A_505 = vector.shape_cast %swap3A_504 : vector<1x512x128xi32> to vector<512x128xi32>
    %swap3A_506 = vector.shape_cast %select_n3A_500 : vector<512x128xi32> to vector<1x512x128xi32>
    tpu.vector_store %arg8[%swap3A_501, %swap3A_502, %swap3A_503], %swap3A_506 {strides = array<i32>} : memref<40x512x128xi32, #tpu.memory_space<vmem>>, vector<1x512x128xi32>,
    %select_n3A_507 = arith.select %gt3A_492, %get3A_486, %select_n3A_480 : vector<512x128xi1>, vector<512x128xf32>
    %select_n3A_508 = arith.select %gt3A_492, %get3A_491, %select_n3A_481 : vector<512x128xi1>, vector<512x128xi32>
    %get3A_509 = arith.constant 17 : index
    %get3A_510 = arith.constant 0 : index
    %get3A_511 = arith.constant 0 : index
    %get3A_512 = vector.load %arg7[%get3A_509, %get3A_510, %get3A_511] : memref<40x512x128xf32, #tpu.memory_space<vmem>>, vector<1x512x128xf32>
    %get3A_513 = vector.shape_cast %get3A_512 : vector<1x512x128xf32> to vector<512x128xf32>
    %get3A_514 = arith.constant 17 : index
    %get3A_515 = arith.constant 0 : index
    %get3A_516 = arith.constant 0 : index
    %get3A_517 = vector.load %arg8[%get3A_514, %get3A_515, %get3A_516] : memref<40x512x128xi32, #tpu.memory_space<vmem>>, vector<1x512x128xi32>
    %get3A_518 = vector.shape_cast %get3A_517 : vector<1x512x128xi32> to vector<512x128xi32>
    %gt3A_519 = arith.cmpf ogt, %select_n3A_507, %get3A_513 : vector<512x128xf32>
    %select_n3A_520 = arith.select %gt3A_519, %select_n3A_507, %get3A_513 : vector<512x128xi1>, vector<512x128xf32>
    %swap3A_521 = arith.constant 17 : index
    %swap3A_522 = arith.constant 0 : index
    %swap3A_523 = arith.constant 0 : index
    %swap3A_524 = vector.load %arg7[%swap3A_521, %swap3A_522, %swap3A_523] : memref<40x512x128xf32, #tpu.memory_space<vmem>>, vector<1x512x128xf32>
    %swap3A_525 = vector.shape_cast %swap3A_524 : vector<1x512x128xf32> to vector<512x128xf32>
    %swap3A_526 = vector.shape_cast %select_n3A_520 : vector<512x128xf32> to vector<1x512x128xf32>
    tpu.vector_store %arg7[%swap3A_521, %swap3A_522, %swap3A_523], %swap3A_526 {strides = array<i32>} : memref<40x512x128xf32, #tpu.memory_space<vmem>>, vector<1x512x128xf32>,
    %select_n3A_527 = arith.select %gt3A_519, %select_n3A_508, %get3A_518 : vector<512x128xi1>, vector<512x128xi32>
    %swap3A_528 = arith.constant 17 : index
    %swap3A_529 = arith.constant 0 : index
    %swap3A_530 = arith.constant 0 : index
    %swap3A_531 = vector.load %arg8[%swap3A_528, %swap3A_529, %swap3A_530] : memref<40x512x128xi32, #tpu.memory_space<vmem>>, vector<1x512x128xi32>
    %swap3A_532 = vector.shape_cast %swap3A_531 : vector<1x512x128xi32> to vector<512x128xi32>
    %swap3A_533 = vector.shape_cast %select_n3A_527 : vector<512x128xi32> to vector<1x512x128xi32>
    tpu.vector_store %arg8[%swap3A_528, %swap3A_529, %swap3A_530], %swap3A_533 {strides = array<i32>} : memref<40x512x128xi32, #tpu.memory_space<vmem>>, vector<1x512x128xi32>,
    %select_n3A_534 = arith.select %gt3A_519, %get3A_513, %select_n3A_507 : vector<512x128xi1>, vector<512x128xf32>
    %select_n3A_535 = arith.select %gt3A_519, %get3A_518, %select_n3A_508 : vector<512x128xi1>, vector<512x128xi32>
    %get3A_536 = arith.constant 18 : index
    %get3A_537 = arith.constant 0 : index
    %get3A_538 = arith.constant 0 : index
    %get3A_539 = vector.load %arg7[%get3A_536, %get3A_537, %get3A_538] : memref<40x512x128xf32, #tpu.memory_space<vmem>>, vector<1x512x128xf32>
    %get3A_540 = vector.shape_cast %get3A_539 : vector<1x512x128xf32> to vector<512x128xf32>
    %get3A_541 = arith.constant 18 : index
    %get3A_542 = arith.constant 0 : index
    %get3A_543 = arith.constant 0 : index
    %get3A_544 = vector.load %arg8[%get3A_541, %get3A_542, %get3A_543] : memref<40x512x128xi32, #tpu.memory_space<vmem>>, vector<1x512x128xi32>
    %get3A_545 = vector.shape_cast %get3A_544 : vector<1x512x128xi32> to vector<512x128xi32>
    %gt3A_546 = arith.cmpf ogt, %select_n3A_534, %get3A_540 : vector<512x128xf32>
    %select_n3A_547 = arith.select %gt3A_546, %select_n3A_534, %get3A_540 : vector<512x128xi1>, vector<512x128xf32>
    %swap3A_548 = arith.constant 18 : index
    %swap3A_549 = arith.constant 0 : index
    %swap3A_550 = arith.constant 0 : index
    %swap3A_551 = vector.load %arg7[%swap3A_548, %swap3A_549, %swap3A_550] : memref<40x512x128xf32, #tpu.memory_space<vmem>>, vector<1x512x128xf32>
    %swap3A_552 = vector.shape_cast %swap3A_551 : vector<1x512x128xf32> to vector<512x128xf32>
    %swap3A_553 = vector.shape_cast %select_n3A_547 : vector<512x128xf32> to vector<1x512x128xf32>
    tpu.vector_store %arg7[%swap3A_548, %swap3A_549, %swap3A_550], %swap3A_553 {strides = array<i32>} : memref<40x512x128xf32, #tpu.memory_space<vmem>>, vector<1x512x128xf32>,
    %select_n3A_554 = arith.select %gt3A_546, %select_n3A_535, %get3A_545 : vector<512x128xi1>, vector<512x128xi32>
    %swap3A_555 = arith.constant 18 : index
    %swap3A_556 = arith.constant 0 : index
    %swap3A_557 = arith.constant 0 : index
    %swap3A_558 = vector.load %arg8[%swap3A_555, %swap3A_556, %swap3A_557] : memref<40x512x128xi32, #tpu.memory_space<vmem>>, vector<1x512x128xi32>
    %swap3A_559 = vector.shape_cast %swap3A_558 : vector<1x512x128xi32> to vector<512x128xi32>
    %swap3A_560 = vector.shape_cast %select_n3A_554 : vector<512x128xi32> to vector<1x512x128xi32>
    tpu.vector_store %arg8[%swap3A_555, %swap3A_556, %swap3A_557], %swap3A_560 {strides = array<i32>} : memref<40x512x128xi32, #tpu.memory_space<vmem>>, vector<1x512x128xi32>,
    %select_n3A_561 = arith.select %gt3A_546, %get3A_540, %select_n3A_534 : vector<512x128xi1>, vector<512x128xf32>
    %select_n3A_562 = arith.select %gt3A_546, %get3A_545, %select_n3A_535 : vector<512x128xi1>, vector<512x128xi32>
    %get3A_563 = arith.constant 19 : index
    %get3A_564 = arith.constant 0 : index
    %get3A_565 = arith.constant 0 : index
    %get3A_566 = vector.load %arg7[%get3A_563, %get3A_564, %get3A_565] : memref<40x512x128xf32, #tpu.memory_space<vmem>>, vector<1x512x128xf32>
    %get3A_567 = vector.shape_cast %get3A_566 : vector<1x512x128xf32> to vector<512x128xf32>
    %get3A_568 = arith.constant 19 : index
    %get3A_569 = arith.constant 0 : index
    %get3A_570 = arith.constant 0 : index
    %get3A_571 = vector.load %arg8[%get3A_568, %get3A_569, %get3A_570] : memref<40x512x128xi32, #tpu.memory_space<vmem>>, vector<1x512x128xi32>
    %get3A_572 = vector.shape_cast %get3A_571 : vector<1x512x128xi32> to vector<512x128xi32>
    %gt3A_573 = arith.cmpf ogt, %select_n3A_561, %get3A_567 : vector<512x128xf32>
    %select_n3A_574 = arith.select %gt3A_573, %select_n3A_561, %get3A_567 : vector<512x128xi1>, vector<512x128xf32>
    %swap3A_575 = arith.constant 19 : index
    %swap3A_576 = arith.constant 0 : index
    %swap3A_577 = arith.constant 0 : index
    %swap3A_578 = vector.load %arg7[%swap3A_575, %swap3A_576, %swap3A_577] : memref<40x512x128xf32, #tpu.memory_space<vmem>>, vector<1x512x128xf32>
    %swap3A_579 = vector.shape_cast %swap3A_578 : vector<1x512x128xf32> to vector<512x128xf32>
    %swap3A_580 = vector.shape_cast %select_n3A_574 : vector<512x128xf32> to vector<1x512x128xf32>
    tpu.vector_store %arg7[%swap3A_575, %swap3A_576, %swap3A_577], %swap3A_580 {strides = array<i32>} : memref<40x512x128xf32, #tpu.memory_space<vmem>>, vector<1x512x128xf32>,
    %select_n3A_581 = arith.select %gt3A_573, %select_n3A_562, %get3A_572 : vector<512x128xi1>, vector<512x128xi32>
    %swap3A_582 = arith.constant 19 : index
    %swap3A_583 = arith.constant 0 : index
    %swap3A_584 = arith.constant 0 : index
    %swap3A_585 = vector.load %arg8[%swap3A_582, %swap3A_583, %swap3A_584] : memref<40x512x128xi32, #tpu.memory_space<vmem>>, vector<1x512x128xi32>
    %swap3A_586 = vector.shape_cast %swap3A_585 : vector<1x512x128xi32> to vector<512x128xi32>
    %swap3A_587 = vector.shape_cast %select_n3A_581 : vector<512x128xi32> to vector<1x512x128xi32>
    tpu.vector_store %arg8[%swap3A_582, %swap3A_583, %swap3A_584], %swap3A_587 {strides = array<i32>} : memref<40x512x128xi32, #tpu.memory_space<vmem>>, vector<1x512x128xi32>,
    %slice3A_588 = vector.extract_strided_slice %select_n3A {offsets = [0, 512], sizes = [512, 128], strides = [1, 1]} : vector<512x2048xf32> to vector<512x128xf32>
    %mul3A_589 = arith.constant 2048 : i32
    %mul3A_590 = arith.muli %arg2, %mul3A_589 : i32
    %add3A_591 = arith.constant 512 : i32
    %add3A_592 = arith.addi %mul3A_590, %add3A_591 : i32
    %iota3A_593 = tpu.iota {dimensions = array<i32: 1>} : vector<512x128xi32>
    %add3A_594 = vector.broadcast %add3A_592 : i32 to vector<512x128xi32>
    %add3A_595 = arith.addi %add3A_594, %iota3A_593 : vector<512x128xi32>
    %get3A_596 = arith.constant 20 : index
    %get3A_597 = arith.constant 0 : index
    %get3A_598 = arith.constant 0 : index
    %get3A_599 = vector.load %arg7[%get3A_596, %get3A_597, %get3A_598] : memref<40x512x128xf32, #tpu.memory_space<vmem>>, vector<1x512x128xf32>
    %get3A_600 = vector.shape_cast %get3A_599 : vector<1x512x128xf32> to vector<512x128xf32>
    %get3A_601 = arith.constant 20 : index
    %get3A_602 = arith.constant 0 : index
    %get3A_603 = arith.constant 0 : index
    %get3A_604 = vector.load %arg8[%get3A_601, %get3A_602, %get3A_603] : memref<40x512x128xi32, #tpu.memory_space<vmem>>, vector<1x512x128xi32>
    %get3A_605 = vector.shape_cast %get3A_604 : vector<1x512x128xi32> to vector<512x128xi32>
    %gt3A_606 = arith.cmpf ogt, %slice3A_588, %get3A_600 : vector<512x128xf32>
    %select_n3A_607 = arith.select %gt3A_606, %slice3A_588, %get3A_600 : vector<512x128xi1>, vector<512x128xf32>
    %swap3A_608 = arith.constant 20 : index
    %swap3A_609 = arith.constant 0 : index
    %swap3A_610 = arith.constant 0 : index
    %swap3A_611 = vector.load %arg7[%swap3A_608, %swap3A_609, %swap3A_610] : memref<40x512x128xf32, #tpu.memory_space<vmem>>, vector<1x512x128xf32>
    %swap3A_612 = vector.shape_cast %swap3A_611 : vector<1x512x128xf32> to vector<512x128xf32>
    %swap3A_613 = vector.shape_cast %select_n3A_607 : vector<512x128xf32> to vector<1x512x128xf32>
    tpu.vector_store %arg7[%swap3A_608, %swap3A_609, %swap3A_610], %swap3A_613 {strides = array<i32>} : memref<40x512x128xf32, #tpu.memory_space<vmem>>, vector<1x512x128xf32>,
    %select_n3A_614 = arith.select %gt3A_606, %add3A_595, %get3A_605 : vector<512x128xi1>, vector<512x128xi32>
    %swap3A_615 = arith.constant 20 : index
    %swap3A_616 = arith.constant 0 : index
    %swap3A_617 = arith.constant 0 : index
    %swap3A_618 = vector.load %arg8[%swap3A_615, %swap3A_616, %swap3A_617] : memref<40x512x128xi32, #tpu.memory_space<vmem>>, vector<1x512x128xi32>
    %swap3A_619 = vector.shape_cast %swap3A_618 : vector<1x512x128xi32> to vector<512x128xi32>
    %swap3A_620 = vector.shape_cast %select_n3A_614 : vector<512x128xi32> to vector<1x512x128xi32>
    tpu.vector_store %arg8[%swap3A_615, %swap3A_616, %swap3A_617], %swap3A_620 {strides = array<i32>} : memref<40x512x128xi32, #tpu.memory_space<vmem>>, vector<1x512x128xi32>,
    %select_n3A_621 = arith.select %gt3A_606, %get3A_600, %slice3A_588 : vector<512x128xi1>, vector<512x128xf32>
    %select_n3A_622 = arith.select %gt3A_606, %get3A_605, %add3A_595 : vector<512x128xi1>, vector<512x128xi32>
    %get3A_623 = arith.constant 21 : index
    %get3A_624 = arith.constant 0 : index
    %get3A_625 = arith.constant 0 : index
    %get3A_626 = vector.load %arg7[%get3A_623, %get3A_624, %get3A_625] : memref<40x512x128xf32, #tpu.memory_space<vmem>>, vector<1x512x128xf32>
    %get3A_627 = vector.shape_cast %get3A_626 : vector<1x512x128xf32> to vector<512x128xf32>
    %get3A_628 = arith.constant 21 : index
    %get3A_629 = arith.constant 0 : index
    %get3A_630 = arith.constant 0 : index
    %get3A_631 = vector.load %arg8[%get3A_628, %get3A_629, %get3A_630] : memref<40x512x128xi32, #tpu.memory_space<vmem>>, vector<1x512x128xi32>
    %get3A_632 = vector.shape_cast %get3A_631 : vector<1x512x128xi32> to vector<512x128xi32>
    %gt3A_633 = arith.cmpf ogt, %select_n3A_621, %get3A_627 : vector<512x128xf32>
    %select_n3A_634 = arith.select %gt3A_633, %select_n3A_621, %get3A_627 : vector<512x128xi1>, vector<512x128xf32>
    %swap3A_635 = arith.constant 21 : index
    %swap3A_636 = arith.constant 0 : index
    %swap3A_637 = arith.constant 0 : index
    %swap3A_638 = vector.load %arg7[%swap3A_635, %swap3A_636, %swap3A_637] : memref<40x512x128xf32, #tpu.memory_space<vmem>>, vector<1x512x128xf32>
    %swap3A_639 = vector.shape_cast %swap3A_638 : vector<1x512x128xf32> to vector<512x128xf32>
    %swap3A_640 = vector.shape_cast %select_n3A_634 : vector<512x128xf32> to vector<1x512x128xf32>
    tpu.vector_store %arg7[%swap3A_635, %swap3A_636, %swap3A_637], %swap3A_640 {strides = array<i32>} : memref<40x512x128xf32, #tpu.memory_space<vmem>>, vector<1x512x128xf32>,
    %select_n3A_641 = arith.select %gt3A_633, %select_n3A_622, %get3A_632 : vector<512x128xi1>, vector<512x128xi32>
    %swap3A_642 = arith.constant 21 : index
    %swap3A_643 = arith.constant 0 : index
    %swap3A_644 = arith.constant 0 : index
    %swap3A_645 = vector.load %arg8[%swap3A_642, %swap3A_643, %swap3A_644] : memref<40x512x128xi32, #tpu.memory_space<vmem>>, vector<1x512x128xi32>
    %swap3A_646 = vector.shape_cast %swap3A_645 : vector<1x512x128xi32> to vector<512x128xi32>
    %swap3A_647 = vector.shape_cast %select_n3A_641 : vector<512x128xi32> to vector<1x512x128xi32>
    tpu.vector_store %arg8[%swap3A_642, %swap3A_643, %swap3A_644], %swap3A_647 {strides = array<i32>} : memref<40x512x128xi32, #tpu.memory_space<vmem>>, vector<1x512x128xi32>,
    %select_n3A_648 = arith.select %gt3A_633, %get3A_627, %select_n3A_621 : vector<512x128xi1>, vector<512x128xf32>
    %select_n3A_649 = arith.select %gt3A_633, %get3A_632, %select_n3A_622 : vector<512x128xi1>, vector<512x128xi32>
    %get3A_650 = arith.constant 22 : index
    %get3A_651 = arith.constant 0 : index
    %get3A_652 = arith.constant 0 : index
    %get3A_653 = vector.load %arg7[%get3A_650, %get3A_651, %get3A_652] : memref<40x512x128xf32, #tpu.memory_space<vmem>>, vector<1x512x128xf32>
    %get3A_654 = vector.shape_cast %get3A_653 : vector<1x512x128xf32> to vector<512x128xf32>
    %get3A_655 = arith.constant 22 : index
    %get3A_656 = arith.constant 0 : index
    %get3A_657 = arith.constant 0 : index
    %get3A_658 = vector.load %arg8[%get3A_655, %get3A_656, %get3A_657] : memref<40x512x128xi32, #tpu.memory_space<vmem>>, vector<1x512x128xi32>
    %get3A_659 = vector.shape_cast %get3A_658 : vector<1x512x128xi32> to vector<512x128xi32>
    %gt3A_660 = arith.cmpf ogt, %select_n3A_648, %get3A_654 : vector<512x128xf32>
    %select_n3A_661 = arith.select %gt3A_660, %select_n3A_648, %get3A_654 : vector<512x128xi1>, vector<512x128xf32>
    %swap3A_662 = arith.constant 22 : index
    %swap3A_663 = arith.constant 0 : index
    %swap3A_664 = arith.constant 0 : index
    %swap3A_665 = vector.load %arg7[%swap3A_662, %swap3A_663, %swap3A_664] : memref<40x512x128xf32, #tpu.memory_space<vmem>>, vector<1x512x128xf32>
    %swap3A_666 = vector.shape_cast %swap3A_665 : vector<1x512x128xf32> to vector<512x128xf32>
    %swap3A_667 = vector.shape_cast %select_n3A_661 : vector<512x128xf32> to vector<1x512x128xf32>
    tpu.vector_store %arg7[%swap3A_662, %swap3A_663, %swap3A_664], %swap3A_667 {strides = array<i32>} : memref<40x512x128xf32, #tpu.memory_space<vmem>>, vector<1x512x128xf32>,
    %select_n3A_668 = arith.select %gt3A_660, %select_n3A_649, %get3A_659 : vector<512x128xi1>, vector<512x128xi32>
    %swap3A_669 = arith.constant 22 : index
    %swap3A_670 = arith.constant 0 : index
    %swap3A_671 = arith.constant 0 : index
    %swap3A_672 = vector.load %arg8[%swap3A_669, %swap3A_670, %swap3A_671] : memref<40x512x128xi32, #tpu.memory_space<vmem>>, vector<1x512x128xi32>
    %swap3A_673 = vector.shape_cast %swap3A_672 : vector<1x512x128xi32> to vector<512x128xi32>
    %swap3A_674 = vector.shape_cast %select_n3A_668 : vector<512x128xi32> to vector<1x512x128xi32>
    tpu.vector_store %arg8[%swap3A_669, %swap3A_670, %swap3A_671], %swap3A_674 {strides = array<i32>} : memref<40x512x128xi32, #tpu.memory_space<vmem>>, vector<1x512x128xi32>,
    %select_n3A_675 = arith.select %gt3A_660, %get3A_654, %select_n3A_648 : vector<512x128xi1>, vector<512x128xf32>
    %select_n3A_676 = arith.select %gt3A_660, %get3A_659, %select_n3A_649 : vector<512x128xi1>, vector<512x128xi32>
    %get3A_677 = arith.constant 23 : index
    %get3A_678 = arith.constant 0 : index
    %get3A_679 = arith.constant 0 : index
    %get3A_680 = vector.load %arg7[%get3A_677, %get3A_678, %get3A_679] : memref<40x512x128xf32, #tpu.memory_space<vmem>>, vector<1x512x128xf32>
    %get3A_681 = vector.shape_cast %get3A_680 : vector<1x512x128xf32> to vector<512x128xf32>
    %get3A_682 = arith.constant 23 : index
    %get3A_683 = arith.constant 0 : index
    %get3A_684 = arith.constant 0 : index
    %get3A_685 = vector.load %arg8[%get3A_682, %get3A_683, %get3A_684] : memref<40x512x128xi32, #tpu.memory_space<vmem>>, vector<1x512x128xi32>
    %get3A_686 = vector.shape_cast %get3A_685 : vector<1x512x128xi32> to vector<512x128xi32>
    %gt3A_687 = arith.cmpf ogt, %select_n3A_675, %get3A_681 : vector<512x128xf32>
    %select_n3A_688 = arith.select %gt3A_687, %select_n3A_675, %get3A_681 : vector<512x128xi1>, vector<512x128xf32>
    %swap3A_689 = arith.constant 23 : index
    %swap3A_690 = arith.constant 0 : index
    %swap3A_691 = arith.constant 0 : index
    %swap3A_692 = vector.load %arg7[%swap3A_689, %swap3A_690, %swap3A_691] : memref<40x512x128xf32, #tpu.memory_space<vmem>>, vector<1x512x128xf32>
    %swap3A_693 = vector.shape_cast %swap3A_692 : vector<1x512x128xf32> to vector<512x128xf32>
    %swap3A_694 = vector.shape_cast %select_n3A_688 : vector<512x128xf32> to vector<1x512x128xf32>
    tpu.vector_store %arg7[%swap3A_689, %swap3A_690, %swap3A_691], %swap3A_694 {strides = array<i32>} : memref<40x512x128xf32, #tpu.memory_space<vmem>>, vector<1x512x128xf32>,
    %select_n3A_695 = arith.select %gt3A_687, %select_n3A_676, %get3A_686 : vector<512x128xi1>, vector<512x128xi32>
    %swap3A_696 = arith.constant 23 : index
    %swap3A_697 = arith.constant 0 : index
    %swap3A_698 = arith.constant 0 : index
    %swap3A_699 = vector.load %arg8[%swap3A_696, %swap3A_697, %swap3A_698] : memref<40x512x128xi32, #tpu.memory_space<vmem>>, vector<1x512x128xi32>
    %swap3A_700 = vector.shape_cast %swap3A_699 : vector<1x512x128xi32> to vector<512x128xi32>
    %swap3A_701 = vector.shape_cast %select_n3A_695 : vector<512x128xi32> to vector<1x512x128xi32>
    tpu.vector_store %arg8[%swap3A_696, %swap3A_697, %swap3A_698], %swap3A_701 {strides = array<i32>} : memref<40x512x128xi32, #tpu.memory_space<vmem>>, vector<1x512x128xi32>,
    %select_n3A_702 = arith.select %gt3A_687, %get3A_681, %select_n3A_675 : vector<512x128xi1>, vector<512x128xf32>
    %select_n3A_703 = arith.select %gt3A_687, %get3A_686, %select_n3A_676 : vector<512x128xi1>, vector<512x128xi32>
    %get3A_704 = arith.constant 24 : index
    %get3A_705 = arith.constant 0 : index
    %get3A_706 = arith.constant 0 : index
    %get3A_707 = vector.load %arg7[%get3A_704, %get3A_705, %get3A_706] : memref<40x512x128xf32, #tpu.memory_space<vmem>>, vector<1x512x128xf32>
    %get3A_708 = vector.shape_cast %get3A_707 : vector<1x512x128xf32> to vector<512x128xf32>
    %get3A_709 = arith.constant 24 : index
    %get3A_710 = arith.constant 0 : index
    %get3A_711 = arith.constant 0 : index
    %get3A_712 = vector.load %arg8[%get3A_709, %get3A_710, %get3A_711] : memref<40x512x128xi32, #tpu.memory_space<vmem>>, vector<1x512x128xi32>
    %get3A_713 = vector.shape_cast %get3A_712 : vector<1x512x128xi32> to vector<512x128xi32>
    %gt3A_714 = arith.cmpf ogt, %select_n3A_702, %get3A_708 : vector<512x128xf32>
    %select_n3A_715 = arith.select %gt3A_714, %select_n3A_702, %get3A_708 : vector<512x128xi1>, vector<512x128xf32>
    %swap3A_716 = arith.constant 24 : index
    %swap3A_717 = arith.constant 0 : index
    %swap3A_718 = arith.constant 0 : index
    %swap3A_719 = vector.load %arg7[%swap3A_716, %swap3A_717, %swap3A_718] : memref<40x512x128xf32, #tpu.memory_space<vmem>>, vector<1x512x128xf32>
    %swap3A_720 = vector.shape_cast %swap3A_719 : vector<1x512x128xf32> to vector<512x128xf32>
    %swap3A_721 = vector.shape_cast %select_n3A_715 : vector<512x128xf32> to vector<1x512x128xf32>
    tpu.vector_store %arg7[%swap3A_716, %swap3A_717, %swap3A_718], %swap3A_721 {strides = array<i32>} : memref<40x512x128xf32, #tpu.memory_space<vmem>>, vector<1x512x128xf32>,
    %select_n3A_722 = arith.select %gt3A_714, %select_n3A_703, %get3A_713 : vector<512x128xi1>, vector<512x128xi32>
    %swap3A_723 = arith.constant 24 : index
    %swap3A_724 = arith.constant 0 : index
    %swap3A_725 = arith.constant 0 : index
    %swap3A_726 = vector.load %arg8[%swap3A_723, %swap3A_724, %swap3A_725] : memref<40x512x128xi32, #tpu.memory_space<vmem>>, vector<1x512x128xi32>
    %swap3A_727 = vector.shape_cast %swap3A_726 : vector<1x512x128xi32> to vector<512x128xi32>
    %swap3A_728 = vector.shape_cast %select_n3A_722 : vector<512x128xi32> to vector<1x512x128xi32>
    tpu.vector_store %arg8[%swap3A_723, %swap3A_724, %swap3A_725], %swap3A_728 {strides = array<i32>} : memref<40x512x128xi32, #tpu.memory_space<vmem>>, vector<1x512x128xi32>,
    %slice3A_729 = vector.extract_strided_slice %select_n3A {offsets = [0, 640], sizes = [512, 128], strides = [1, 1]} : vector<512x2048xf32> to vector<512x128xf32>
    %mul3A_730 = arith.constant 2048 : i32
    %mul3A_731 = arith.muli %arg2, %mul3A_730 : i32
    %add3A_732 = arith.constant 640 : i32
    %add3A_733 = arith.addi %mul3A_731, %add3A_732 : i32
    %iota3A_734 = tpu.iota {dimensions = array<i32: 1>} : vector<512x128xi32>
    %add3A_735 = vector.broadcast %add3A_733 : i32 to vector<512x128xi32>
    %add3A_736 = arith.addi %add3A_735, %iota3A_734 : vector<512x128xi32>
    %get3A_737 = arith.constant 25 : index
    %get3A_738 = arith.constant 0 : index
    %get3A_739 = arith.constant 0 : index
    %get3A_740 = vector.load %arg7[%get3A_737, %get3A_738, %get3A_739] : memref<40x512x128xf32, #tpu.memory_space<vmem>>, vector<1x512x128xf32>
    %get3A_741 = vector.shape_cast %get3A_740 : vector<1x512x128xf32> to vector<512x128xf32>
    %get3A_742 = arith.constant 25 : index
    %get3A_743 = arith.constant 0 : index
    %get3A_744 = arith.constant 0 : index
    %get3A_745 = vector.load %arg8[%get3A_742, %get3A_743, %get3A_744] : memref<40x512x128xi32, #tpu.memory_space<vmem>>, vector<1x512x128xi32>
    %get3A_746 = vector.shape_cast %get3A_745 : vector<1x512x128xi32> to vector<512x128xi32>
    %gt3A_747 = arith.cmpf ogt, %slice3A_729, %get3A_741 : vector<512x128xf32>
    %select_n3A_748 = arith.select %gt3A_747, %slice3A_729, %get3A_741 : vector<512x128xi1>, vector<512x128xf32>
    %swap3A_749 = arith.constant 25 : index
    %swap3A_750 = arith.constant 0 : index
    %swap3A_751 = arith.constant 0 : index
    %swap3A_752 = vector.load %arg7[%swap3A_749, %swap3A_750, %swap3A_751] : memref<40x512x128xf32, #tpu.memory_space<vmem>>, vector<1x512x128xf32>
    %swap3A_753 = vector.shape_cast %swap3A_752 : vector<1x512x128xf32> to vector<512x128xf32>
    %swap3A_754 = vector.shape_cast %select_n3A_748 : vector<512x128xf32> to vector<1x512x128xf32>
    tpu.vector_store %arg7[%swap3A_749, %swap3A_750, %swap3A_751], %swap3A_754 {strides = array<i32>} : memref<40x512x128xf32, #tpu.memory_space<vmem>>, vector<1x512x128xf32>,
    %select_n3A_755 = arith.select %gt3A_747, %add3A_736, %get3A_746 : vector<512x128xi1>, vector<512x128xi32>
    %swap3A_756 = arith.constant 25 : index
    %swap3A_757 = arith.constant 0 : index
    %swap3A_758 = arith.constant 0 : index
    %swap3A_759 = vector.load %arg8[%swap3A_756, %swap3A_757, %swap3A_758] : memref<40x512x128xi32, #tpu.memory_space<vmem>>, vector<1x512x128xi32>
    %swap3A_760 = vector.shape_cast %swap3A_759 : vector<1x512x128xi32> to vector<512x128xi32>
    %swap3A_761 = vector.shape_cast %select_n3A_755 : vector<512x128xi32> to vector<1x512x128xi32>
    tpu.vector_store %arg8[%swap3A_756, %swap3A_757, %swap3A_758], %swap3A_761 {strides = array<i32>} : memref<40x512x128xi32, #tpu.memory_space<vmem>>, vector<1x512x128xi32>,
    %select_n3A_762 = arith.select %gt3A_747, %get3A_741, %slice3A_729 : vector<512x128xi1>, vector<512x128xf32>
    %select_n3A_763 = arith.select %gt3A_747, %get3A_746, %add3A_736 : vector<512x128xi1>, vector<512x128xi32>
    %get3A_764 = arith.constant 26 : index
    %get3A_765 = arith.constant 0 : index
    %get3A_766 = arith.constant 0 : index
    %get3A_767 = vector.load %arg7[%get3A_764, %get3A_765, %get3A_766] : memref<40x512x128xf32, #tpu.memory_space<vmem>>, vector<1x512x128xf32>
    %get3A_768 = vector.shape_cast %get3A_767 : vector<1x512x128xf32> to vector<512x128xf32>
    %get3A_769 = arith.constant 26 : index
    %get3A_770 = arith.constant 0 : index
    %get3A_771 = arith.constant 0 : index
    %get3A_772 = vector.load %arg8[%get3A_769, %get3A_770, %get3A_771] : memref<40x512x128xi32, #tpu.memory_space<vmem>>, vector<1x512x128xi32>
    %get3A_773 = vector.shape_cast %get3A_772 : vector<1x512x128xi32> to vector<512x128xi32>
    %gt3A_774 = arith.cmpf ogt, %select_n3A_762, %get3A_768 : vector<512x128xf32>
    %select_n3A_775 = arith.select %gt3A_774, %select_n3A_762, %get3A_768 : vector<512x128xi1>, vector<512x128xf32>
    %swap3A_776 = arith.constant 26 : index
    %swap3A_777 = arith.constant 0 : index
    %swap3A_778 = arith.constant 0 : index
    %swap3A_779 = vector.load %arg7[%swap3A_776, %swap3A_777, %swap3A_778] : memref<40x512x128xf32, #tpu.memory_space<vmem>>, vector<1x512x128xf32>
    %swap3A_780 = vector.shape_cast %swap3A_779 : vector<1x512x128xf32> to vector<512x128xf32>
    %swap3A_781 = vector.shape_cast %select_n3A_775 : vector<512x128xf32> to vector<1x512x128xf32>
    tpu.vector_store %arg7[%swap3A_776, %swap3A_777, %swap3A_778], %swap3A_781 {strides = array<i32>} : memref<40x512x128xf32, #tpu.memory_space<vmem>>, vector<1x512x128xf32>,
    %select_n3A_782 = arith.select %gt3A_774, %select_n3A_763, %get3A_773 : vector<512x128xi1>, vector<512x128xi32>
    %swap3A_783 = arith.constant 26 : index
    %swap3A_784 = arith.constant 0 : index
    %swap3A_785 = arith.constant 0 : index
    %swap3A_786 = vector.load %arg8[%swap3A_783, %swap3A_784, %swap3A_785] : memref<40x512x128xi32, #tpu.memory_space<vmem>>, vector<1x512x128xi32>
    %swap3A_787 = vector.shape_cast %swap3A_786 : vector<1x512x128xi32> to vector<512x128xi32>
    %swap3A_788 = vector.shape_cast %select_n3A_782 : vector<512x128xi32> to vector<1x512x128xi32>
    tpu.vector_store %arg8[%swap3A_783, %swap3A_784, %swap3A_785], %swap3A_788 {strides = array<i32>} : memref<40x512x128xi32, #tpu.memory_space<vmem>>, vector<1x512x128xi32>,
    %select_n3A_789 = arith.select %gt3A_774, %get3A_768, %select_n3A_762 : vector<512x128xi1>, vector<512x128xf32>
    %select_n3A_790 = arith.select %gt3A_774, %get3A_773, %select_n3A_763 : vector<512x128xi1>, vector<512x128xi32>
    %get3A_791 = arith.constant 27 : index
    %get3A_792 = arith.constant 0 : index
    %get3A_793 = arith.constant 0 : index
    %get3A_794 = vector.load %arg7[%get3A_791, %get3A_792, %get3A_793] : memref<40x512x128xf32, #tpu.memory_space<vmem>>, vector<1x512x128xf32>
    %get3A_795 = vector.shape_cast %get3A_794 : vector<1x512x128xf32> to vector<512x128xf32>
    %get3A_796 = arith.constant 27 : index
    %get3A_797 = arith.constant 0 : index
    %get3A_798 = arith.constant 0 : index
    %get3A_799 = vector.load %arg8[%get3A_796, %get3A_797, %get3A_798] : memref<40x512x128xi32, #tpu.memory_space<vmem>>, vector<1x512x128xi32>
    %get3A_800 = vector.shape_cast %get3A_799 : vector<1x512x128xi32> to vector<512x128xi32>
    %gt3A_801 = arith.cmpf ogt, %select_n3A_789, %get3A_795 : vector<512x128xf32>
    %select_n3A_802 = arith.select %gt3A_801, %select_n3A_789, %get3A_795 : vector<512x128xi1>, vector<512x128xf32>
    %swap3A_803 = arith.constant 27 : index
    %swap3A_804 = arith.constant 0 : index
    %swap3A_805 = arith.constant 0 : index
    %swap3A_806 = vector.load %arg7[%swap3A_803, %swap3A_804, %swap3A_805] : memref<40x512x128xf32, #tpu.memory_space<vmem>>, vector<1x512x128xf32>
    %swap3A_807 = vector.shape_cast %swap3A_806 : vector<1x512x128xf32> to vector<512x128xf32>
    %swap3A_808 = vector.shape_cast %select_n3A_802 : vector<512x128xf32> to vector<1x512x128xf32>
    tpu.vector_store %arg7[%swap3A_803, %swap3A_804, %swap3A_805], %swap3A_808 {strides = array<i32>} : memref<40x512x128xf32, #tpu.memory_space<vmem>>, vector<1x512x128xf32>,
    %select_n3A_809 = arith.select %gt3A_801, %select_n3A_790, %get3A_800 : vector<512x128xi1>, vector<512x128xi32>
    %swap3A_810 = arith.constant 27 : index
    %swap3A_811 = arith.constant 0 : index
    %swap3A_812 = arith.constant 0 : index
    %swap3A_813 = vector.load %arg8[%swap3A_810, %swap3A_811, %swap3A_812] : memref<40x512x128xi32, #tpu.memory_space<vmem>>, vector<1x512x128xi32>
    %swap3A_814 = vector.shape_cast %swap3A_813 : vector<1x512x128xi32> to vector<512x128xi32>
    %swap3A_815 = vector.shape_cast %select_n3A_809 : vector<512x128xi32> to vector<1x512x128xi32>
    tpu.vector_store %arg8[%swap3A_810, %swap3A_811, %swap3A_812], %swap3A_815 {strides = array<i32>} : memref<40x512x128xi32, #tpu.memory_space<vmem>>, vector<1x512x128xi32>,
    %select_n3A_816 = arith.select %gt3A_801, %get3A_795, %select_n3A_789 : vector<512x128xi1>, vector<512x128xf32>
    %select_n3A_817 = arith.select %gt3A_801, %get3A_800, %select_n3A_790 : vector<512x128xi1>, vector<512x128xi32>
    %get3A_818 = arith.constant 28 : index
    %get3A_819 = arith.constant 0 : index
    %get3A_820 = arith.constant 0 : index
    %get3A_821 = vector.load %arg7[%get3A_818, %get3A_819, %get3A_820] : memref<40x512x128xf32, #tpu.memory_space<vmem>>, vector<1x512x128xf32>
    %get3A_822 = vector.shape_cast %get3A_821 : vector<1x512x128xf32> to vector<512x128xf32>
    %get3A_823 = arith.constant 28 : index
    %get3A_824 = arith.constant 0 : index
    %get3A_825 = arith.constant 0 : index
    %get3A_826 = vector.load %arg8[%get3A_823, %get3A_824, %get3A_825] : memref<40x512x128xi32, #tpu.memory_space<vmem>>, vector<1x512x128xi32>
    %get3A_827 = vector.shape_cast %get3A_826 : vector<1x512x128xi32> to vector<512x128xi32>
    %gt3A_828 = arith.cmpf ogt, %select_n3A_816, %get3A_822 : vector<512x128xf32>
    %select_n3A_829 = arith.select %gt3A_828, %select_n3A_816, %get3A_822 : vector<512x128xi1>, vector<512x128xf32>
    %swap3A_830 = arith.constant 28 : index
    %swap3A_831 = arith.constant 0 : index
    %swap3A_832 = arith.constant 0 : index
    %swap3A_833 = vector.load %arg7[%swap3A_830, %swap3A_831, %swap3A_832] : memref<40x512x128xf32, #tpu.memory_space<vmem>>, vector<1x512x128xf32>
    %swap3A_834 = vector.shape_cast %swap3A_833 : vector<1x512x128xf32> to vector<512x128xf32>
    %swap3A_835 = vector.shape_cast %select_n3A_829 : vector<512x128xf32> to vector<1x512x128xf32>
    tpu.vector_store %arg7[%swap3A_830, %swap3A_831, %swap3A_832], %swap3A_835 {strides = array<i32>} : memref<40x512x128xf32, #tpu.memory_space<vmem>>, vector<1x512x128xf32>,
    %select_n3A_836 = arith.select %gt3A_828, %select_n3A_817, %get3A_827 : vector<512x128xi1>, vector<512x128xi32>
    %swap3A_837 = arith.constant 28 : index
    %swap3A_838 = arith.constant 0 : index
    %swap3A_839 = arith.constant 0 : index
    %swap3A_840 = vector.load %arg8[%swap3A_837, %swap3A_838, %swap3A_839] : memref<40x512x128xi32, #tpu.memory_space<vmem>>, vector<1x512x128xi32>
    %swap3A_841 = vector.shape_cast %swap3A_840 : vector<1x512x128xi32> to vector<512x128xi32>
    %swap3A_842 = vector.shape_cast %select_n3A_836 : vector<512x128xi32> to vector<1x512x128xi32>
    tpu.vector_store %arg8[%swap3A_837, %swap3A_838, %swap3A_839], %swap3A_842 {strides = array<i32>} : memref<40x512x128xi32, #tpu.memory_space<vmem>>, vector<1x512x128xi32>,
    %select_n3A_843 = arith.select %gt3A_828, %get3A_822, %select_n3A_816 : vector<512x128xi1>, vector<512x128xf32>
    %select_n3A_844 = arith.select %gt3A_828, %get3A_827, %select_n3A_817 : vector<512x128xi1>, vector<512x128xi32>
    %get3A_845 = arith.constant 29 : index
    %get3A_846 = arith.constant 0 : index
    %get3A_847 = arith.constant 0 : index
    %get3A_848 = vector.load %arg7[%get3A_845, %get3A_846, %get3A_847] : memref<40x512x128xf32, #tpu.memory_space<vmem>>, vector<1x512x128xf32>
    %get3A_849 = vector.shape_cast %get3A_848 : vector<1x512x128xf32> to vector<512x128xf32>
    %get3A_850 = arith.constant 29 : index
    %get3A_851 = arith.constant 0 : index
    %get3A_852 = arith.constant 0 : index
    %get3A_853 = vector.load %arg8[%get3A_850, %get3A_851, %get3A_852] : memref<40x512x128xi32, #tpu.memory_space<vmem>>, vector<1x512x128xi32>
    %get3A_854 = vector.shape_cast %get3A_853 : vector<1x512x128xi32> to vector<512x128xi32>
    %gt3A_855 = arith.cmpf ogt, %select_n3A_843, %get3A_849 : vector<512x128xf32>
    %select_n3A_856 = arith.select %gt3A_855, %select_n3A_843, %get3A_849 : vector<512x128xi1>, vector<512x128xf32>
    %swap3A_857 = arith.constant 29 : index
    %swap3A_858 = arith.constant 0 : index
    %swap3A_859 = arith.constant 0 : index
    %swap3A_860 = vector.load %arg7[%swap3A_857, %swap3A_858, %swap3A_859] : memref<40x512x128xf32, #tpu.memory_space<vmem>>, vector<1x512x128xf32>
    %swap3A_861 = vector.shape_cast %swap3A_860 : vector<1x512x128xf32> to vector<512x128xf32>
    %swap3A_862 = vector.shape_cast %select_n3A_856 : vector<512x128xf32> to vector<1x512x128xf32>
    tpu.vector_store %arg7[%swap3A_857, %swap3A_858, %swap3A_859], %swap3A_862 {strides = array<i32>} : memref<40x512x128xf32, #tpu.memory_space<vmem>>, vector<1x512x128xf32>,
    %select_n3A_863 = arith.select %gt3A_855, %select_n3A_844, %get3A_854 : vector<512x128xi1>, vector<512x128xi32>
    %swap3A_864 = arith.constant 29 : index
    %swap3A_865 = arith.constant 0 : index
    %swap3A_866 = arith.constant 0 : index
    %swap3A_867 = vector.load %arg8[%swap3A_864, %swap3A_865, %swap3A_866] : memref<40x512x128xi32, #tpu.memory_space<vmem>>, vector<1x512x128xi32>
    %swap3A_868 = vector.shape_cast %swap3A_867 : vector<1x512x128xi32> to vector<512x128xi32>
    %swap3A_869 = vector.shape_cast %select_n3A_863 : vector<512x128xi32> to vector<1x512x128xi32>
    tpu.vector_store %arg8[%swap3A_864, %swap3A_865, %swap3A_866], %swap3A_869 {strides = array<i32>} : memref<40x512x128xi32, #tpu.memory_space<vmem>>, vector<1x512x128xi32>,
    %slice3A_870 = vector.extract_strided_slice %select_n3A {offsets = [0, 768], sizes = [512, 128], strides = [1, 1]} : vector<512x2048xf32> to vector<512x128xf32>
    %mul3A_871 = arith.constant 2048 : i32
    %mul3A_872 = arith.muli %arg2, %mul3A_871 : i32
    %add3A_873 = arith.constant 768 : i32
    %add3A_874 = arith.addi %mul3A_872, %add3A_873 : i32
    %iota3A_875 = tpu.iota {dimensions = array<i32: 1>} : vector<512x128xi32>
    %add3A_876 = vector.broadcast %add3A_874 : i32 to vector<512x128xi32>
    %add3A_877 = arith.addi %add3A_876, %iota3A_875 : vector<512x128xi32>
    %get3A_878 = arith.constant 30 : index
    %get3A_879 = arith.constant 0 : index
    %get3A_880 = arith.constant 0 : index
    %get3A_881 = vector.load %arg7[%get3A_878, %get3A_879, %get3A_880] : memref<40x512x128xf32, #tpu.memory_space<vmem>>, vector<1x512x128xf32>
    %get3A_882 = vector.shape_cast %get3A_881 : vector<1x512x128xf32> to vector<512x128xf32>
    %get3A_883 = arith.constant 30 : index
    %get3A_884 = arith.constant 0 : index
    %get3A_885 = arith.constant 0 : index
    %get3A_886 = vector.load %arg8[%get3A_883, %get3A_884, %get3A_885] : memref<40x512x128xi32, #tpu.memory_space<vmem>>, vector<1x512x128xi32>
    %get3A_887 = vector.shape_cast %get3A_886 : vector<1x512x128xi32> to vector<512x128xi32>
    %gt3A_888 = arith.cmpf ogt, %slice3A_870, %get3A_882 : vector<512x128xf32>
    %select_n3A_889 = arith.select %gt3A_888, %slice3A_870, %get3A_882 : vector<512x128xi1>, vector<512x128xf32>
    %swap3A_890 = arith.constant 30 : index
    %swap3A_891 = arith.constant 0 : index
    %swap3A_892 = arith.constant 0 : index
    %swap3A_893 = vector.load %arg7[%swap3A_890, %swap3A_891, %swap3A_892] : memref<40x512x128xf32, #tpu.memory_space<vmem>>, vector<1x512x128xf32>
    %swap3A_894 = vector.shape_cast %swap3A_893 : vector<1x512x128xf32> to vector<512x128xf32>
    %swap3A_895 = vector.shape_cast %select_n3A_889 : vector<512x128xf32> to vector<1x512x128xf32>
    tpu.vector_store %arg7[%swap3A_890, %swap3A_891, %swap3A_892], %swap3A_895 {strides = array<i32>} : memref<40x512x128xf32, #tpu.memory_space<vmem>>, vector<1x512x128xf32>,
    %select_n3A_896 = arith.select %gt3A_888, %add3A_877, %get3A_887 : vector<512x128xi1>, vector<512x128xi32>
    %swap3A_897 = arith.constant 30 : index
    %swap3A_898 = arith.constant 0 : index
    %swap3A_899 = arith.constant 0 : index
    %swap3A_900 = vector.load %arg8[%swap3A_897, %swap3A_898, %swap3A_899] : memref<40x512x128xi32, #tpu.memory_space<vmem>>, vector<1x512x128xi32>
    %swap3A_901 = vector.shape_cast %swap3A_900 : vector<1x512x128xi32> to vector<512x128xi32>
    %swap3A_902 = vector.shape_cast %select_n3A_896 : vector<512x128xi32> to vector<1x512x128xi32>
    tpu.vector_store %arg8[%swap3A_897, %swap3A_898, %swap3A_899], %swap3A_902 {strides = array<i32>} : memref<40x512x128xi32, #tpu.memory_space<vmem>>, vector<1x512x128xi32>,
    %select_n3A_903 = arith.select %gt3A_888, %get3A_882, %slice3A_870 : vector<512x128xi1>, vector<512x128xf32>
    %select_n3A_904 = arith.select %gt3A_888, %get3A_887, %add3A_877 : vector<512x128xi1>, vector<512x128xi32>
    %get3A_905 = arith.constant 31 : index
    %get3A_906 = arith.constant 0 : index
    %get3A_907 = arith.constant 0 : index
    %get3A_908 = vector.load %arg7[%get3A_905, %get3A_906, %get3A_907] : memref<40x512x128xf32, #tpu.memory_space<vmem>>, vector<1x512x128xf32>
    %get3A_909 = vector.shape_cast %get3A_908 : vector<1x512x128xf32> to vector<512x128xf32>
    %get3A_910 = arith.constant 31 : index
    %get3A_911 = arith.constant 0 : index
    %get3A_912 = arith.constant 0 : index
    %get3A_913 = vector.load %arg8[%get3A_910, %get3A_911, %get3A_912] : memref<40x512x128xi32, #tpu.memory_space<vmem>>, vector<1x512x128xi32>
    %get3A_914 = vector.shape_cast %get3A_913 : vector<1x512x128xi32> to vector<512x128xi32>
    %gt3A_915 = arith.cmpf ogt, %select_n3A_903, %get3A_909 : vector<512x128xf32>
    %select_n3A_916 = arith.select %gt3A_915, %select_n3A_903, %get3A_909 : vector<512x128xi1>, vector<512x128xf32>
    %swap3A_917 = arith.constant 31 : index
    %swap3A_918 = arith.constant 0 : index
    %swap3A_919 = arith.constant 0 : index
    %swap3A_920 = vector.load %arg7[%swap3A_917, %swap3A_918, %swap3A_919] : memref<40x512x128xf32, #tpu.memory_space<vmem>>, vector<1x512x128xf32>
    %swap3A_921 = vector.shape_cast %swap3A_920 : vector<1x512x128xf32> to vector<512x128xf32>
    %swap3A_922 = vector.shape_cast %select_n3A_916 : vector<512x128xf32> to vector<1x512x128xf32>
    tpu.vector_store %arg7[%swap3A_917, %swap3A_918, %swap3A_919], %swap3A_922 {strides = array<i32>} : memref<40x512x128xf32, #tpu.memory_space<vmem>>, vector<1x512x128xf32>,
    %select_n3A_923 = arith.select %gt3A_915, %select_n3A_904, %get3A_914 : vector<512x128xi1>, vector<512x128xi32>
    %swap3A_924 = arith.constant 31 : index
    %swap3A_925 = arith.constant 0 : index
    %swap3A_926 = arith.constant 0 : index
    %swap3A_927 = vector.load %arg8[%swap3A_924, %swap3A_925, %swap3A_926] : memref<40x512x128xi32, #tpu.memory_space<vmem>>, vector<1x512x128xi32>
    %swap3A_928 = vector.shape_cast %swap3A_927 : vector<1x512x128xi32> to vector<512x128xi32>
    %swap3A_929 = vector.shape_cast %select_n3A_923 : vector<512x128xi32> to vector<1x512x128xi32>
    tpu.vector_store %arg8[%swap3A_924, %swap3A_925, %swap3A_926], %swap3A_929 {strides = array<i32>} : memref<40x512x128xi32, #tpu.memory_space<vmem>>, vector<1x512x128xi32>,
    %select_n3A_930 = arith.select %gt3A_915, %get3A_909, %select_n3A_903 : vector<512x128xi1>, vector<512x128xf32>
    %select_n3A_931 = arith.select %gt3A_915, %get3A_914, %select_n3A_904 : vector<512x128xi1>, vector<512x128xi32>
    %get3A_932 = arith.constant 32 : index
    %get3A_933 = arith.constant 0 : index
    %get3A_934 = arith.constant 0 : index
    %get3A_935 = vector.load %arg7[%get3A_932, %get3A_933, %get3A_934] : memref<40x512x128xf32, #tpu.memory_space<vmem>>, vector<1x512x128xf32>
    %get3A_936 = vector.shape_cast %get3A_935 : vector<1x512x128xf32> to vector<512x128xf32>
    %get3A_937 = arith.constant 32 : index
    %get3A_938 = arith.constant 0 : index
    %get3A_939 = arith.constant 0 : index
    %get3A_940 = vector.load %arg8[%get3A_937, %get3A_938, %get3A_939] : memref<40x512x128xi32, #tpu.memory_space<vmem>>, vector<1x512x128xi32>
    %get3A_941 = vector.shape_cast %get3A_940 : vector<1x512x128xi32> to vector<512x128xi32>
    %gt3A_942 = arith.cmpf ogt, %select_n3A_930, %get3A_936 : vector<512x128xf32>
    %select_n3A_943 = arith.select %gt3A_942, %select_n3A_930, %get3A_936 : vector<512x128xi1>, vector<512x128xf32>
    %swap3A_944 = arith.constant 32 : index
    %swap3A_945 = arith.constant 0 : index
    %swap3A_946 = arith.constant 0 : index
    %swap3A_947 = vector.load %arg7[%swap3A_944, %swap3A_945, %swap3A_946] : memref<40x512x128xf32, #tpu.memory_space<vmem>>, vector<1x512x128xf32>
    %swap3A_948 = vector.shape_cast %swap3A_947 : vector<1x512x128xf32> to vector<512x128xf32>
    %swap3A_949 = vector.shape_cast %select_n3A_943 : vector<512x128xf32> to vector<1x512x128xf32>
    tpu.vector_store %arg7[%swap3A_944, %swap3A_945, %swap3A_946], %swap3A_949 {strides = array<i32>} : memref<40x512x128xf32, #tpu.memory_space<vmem>>, vector<1x512x128xf32>,
    %select_n3A_950 = arith.select %gt3A_942, %select_n3A_931, %get3A_941 : vector<512x128xi1>, vector<512x128xi32>
    %swap3A_951 = arith.constant 32 : index
    %swap3A_952 = arith.constant 0 : index
    %swap3A_953 = arith.constant 0 : index
    %swap3A_954 = vector.load %arg8[%swap3A_951, %swap3A_952, %swap3A_953] : memref<40x512x128xi32, #tpu.memory_space<vmem>>, vector<1x512x128xi32>
    %swap3A_955 = vector.shape_cast %swap3A_954 : vector<1x512x128xi32> to vector<512x128xi32>
    %swap3A_956 = vector.shape_cast %select_n3A_950 : vector<512x128xi32> to vector<1x512x128xi32>
    tpu.vector_store %arg8[%swap3A_951, %swap3A_952, %swap3A_953], %swap3A_956 {strides = array<i32>} : memref<40x512x128xi32, #tpu.memory_space<vmem>>, vector<1x512x128xi32>,
    %select_n3A_957 = arith.select %gt3A_942, %get3A_936, %select_n3A_930 : vector<512x128xi1>, vector<512x128xf32>
    %select_n3A_958 = arith.select %gt3A_942, %get3A_941, %select_n3A_931 : vector<512x128xi1>, vector<512x128xi32>
    %get3A_959 = arith.constant 33 : index
    %get3A_960 = arith.constant 0 : index
    %get3A_961 = arith.constant 0 : index
    %get3A_962 = vector.load %arg7[%get3A_959, %get3A_960, %get3A_961] : memref<40x512x128xf32, #tpu.memory_space<vmem>>, vector<1x512x128xf32>
    %get3A_963 = vector.shape_cast %get3A_962 : vector<1x512x128xf32> to vector<512x128xf32>
    %get3A_964 = arith.constant 33 : index
    %get3A_965 = arith.constant 0 : index
    %get3A_966 = arith.constant 0 : index
    %get3A_967 = vector.load %arg8[%get3A_964, %get3A_965, %get3A_966] : memref<40x512x128xi32, #tpu.memory_space<vmem>>, vector<1x512x128xi32>
    %get3A_968 = vector.shape_cast %get3A_967 : vector<1x512x128xi32> to vector<512x128xi32>
    %gt3A_969 = arith.cmpf ogt, %select_n3A_957, %get3A_963 : vector<512x128xf32>
    %select_n3A_970 = arith.select %gt3A_969, %select_n3A_957, %get3A_963 : vector<512x128xi1>, vector<512x128xf32>
    %swap3A_971 = arith.constant 33 : index
    %swap3A_972 = arith.constant 0 : index
    %swap3A_973 = arith.constant 0 : index
    %swap3A_974 = vector.load %arg7[%swap3A_971, %swap3A_972, %swap3A_973] : memref<40x512x128xf32, #tpu.memory_space<vmem>>, vector<1x512x128xf32>
    %swap3A_975 = vector.shape_cast %swap3A_974 : vector<1x512x128xf32> to vector<512x128xf32>
    %swap3A_976 = vector.shape_cast %select_n3A_970 : vector<512x128xf32> to vector<1x512x128xf32>
    tpu.vector_store %arg7[%swap3A_971, %swap3A_972, %swap3A_973], %swap3A_976 {strides = array<i32>} : memref<40x512x128xf32, #tpu.memory_space<vmem>>, vector<1x512x128xf32>,
    %select_n3A_977 = arith.select %gt3A_969, %select_n3A_958, %get3A_968 : vector<512x128xi1>, vector<512x128xi32>
    %swap3A_978 = arith.constant 33 : index
    %swap3A_979 = arith.constant 0 : index
    %swap3A_980 = arith.constant 0 : index
    %swap3A_981 = vector.load %arg8[%swap3A_978, %swap3A_979, %swap3A_980] : memref<40x512x128xi32, #tpu.memory_space<vmem>>, vector<1x512x128xi32>
    %swap3A_982 = vector.shape_cast %swap3A_981 : vector<1x512x128xi32> to vector<512x128xi32>
    %swap3A_983 = vector.shape_cast %select_n3A_977 : vector<512x128xi32> to vector<1x512x128xi32>
    tpu.vector_store %arg8[%swap3A_978, %swap3A_979, %swap3A_980], %swap3A_983 {strides = array<i32>} : memref<40x512x128xi32, #tpu.memory_space<vmem>>, vector<1x512x128xi32>,
    %select_n3A_984 = arith.select %gt3A_969, %get3A_963, %select_n3A_957 : vector<512x128xi1>, vector<512x128xf32>
    %select_n3A_985 = arith.select %gt3A_969, %get3A_968, %select_n3A_958 : vector<512x128xi1>, vector<512x128xi32>
    %get3A_986 = arith.constant 34 : index
    %get3A_987 = arith.constant 0 : index
    %get3A_988 = arith.constant 0 : index
    %get3A_989 = vector.load %arg7[%get3A_986, %get3A_987, %get3A_988] : memref<40x512x128xf32, #tpu.memory_space<vmem>>, vector<1x512x128xf32>
    %get3A_990 = vector.shape_cast %get3A_989 : vector<1x512x128xf32> to vector<512x128xf32>
    %get3A_991 = arith.constant 34 : index
    %get3A_992 = arith.constant 0 : index
    %get3A_993 = arith.constant 0 : index
    %get3A_994 = vector.load %arg8[%get3A_991, %get3A_992, %get3A_993] : memref<40x512x128xi32, #tpu.memory_space<vmem>>, vector<1x512x128xi32>
    %get3A_995 = vector.shape_cast %get3A_994 : vector<1x512x128xi32> to vector<512x128xi32>
    %gt3A_996 = arith.cmpf ogt, %select_n3A_984, %get3A_990 : vector<512x128xf32>
    %select_n3A_997 = arith.select %gt3A_996, %select_n3A_984, %get3A_990 : vector<512x128xi1>, vector<512x128xf32>
    %swap3A_998 = arith.constant 34 : index
    %swap3A_999 = arith.constant 0 : index
    %swap3A_1000 = arith.constant 0 : index
    %swap3A_1001 = vector.load %arg7[%swap3A_998, %swap3A_999, %swap3A_1000] : memref<40x512x128xf32, #tpu.memory_space<vmem>>, vector<1x512x128xf32>
    %swap3A_1002 = vector.shape_cast %swap3A_1001 : vector<1x512x128xf32> to vector<512x128xf32>
    %swap3A_1003 = vector.shape_cast %select_n3A_997 : vector<512x128xf32> to vector<1x512x128xf32>
    tpu.vector_store %arg7[%swap3A_998, %swap3A_999, %swap3A_1000], %swap3A_1003 {strides = array<i32>} : memref<40x512x128xf32, #tpu.memory_space<vmem>>, vector<1x512x128xf32>,
    %select_n3A_1004 = arith.select %gt3A_996, %select_n3A_985, %get3A_995 : vector<512x128xi1>, vector<512x128xi32>
    %swap3A_1005 = arith.constant 34 : index
    %swap3A_1006 = arith.constant 0 : index
    %swap3A_1007 = arith.constant 0 : index
    %swap3A_1008 = vector.load %arg8[%swap3A_1005, %swap3A_1006, %swap3A_1007] : memref<40x512x128xi32, #tpu.memory_space<vmem>>, vector<1x512x128xi32>
    %swap3A_1009 = vector.shape_cast %swap3A_1008 : vector<1x512x128xi32> to vector<512x128xi32>
    %swap3A_1010 = vector.shape_cast %select_n3A_1004 : vector<512x128xi32> to vector<1x512x128xi32>
    tpu.vector_store %arg8[%swap3A_1005, %swap3A_1006, %swap3A_1007], %swap3A_1010 {strides = array<i32>} : memref<40x512x128xi32, #tpu.memory_space<vmem>>, vector<1x512x128xi32>,
    %slice3A_1011 = vector.extract_strided_slice %select_n3A {offsets = [0, 896], sizes = [512, 128], strides = [1, 1]} : vector<512x2048xf32> to vector<512x128xf32>
    %mul3A_1012 = arith.constant 2048 : i32
    %mul3A_1013 = arith.muli %arg2, %mul3A_1012 : i32
    %add3A_1014 = arith.constant 896 : i32
    %add3A_1015 = arith.addi %mul3A_1013, %add3A_1014 : i32
    %iota3A_1016 = tpu.iota {dimensions = array<i32: 1>} : vector<512x128xi32>
    %add3A_1017 = vector.broadcast %add3A_1015 : i32 to vector<512x128xi32>
    %add3A_1018 = arith.addi %add3A_1017, %iota3A_1016 : vector<512x128xi32>
    %get3A_1019 = arith.constant 35 : index
    %get3A_1020 = arith.constant 0 : index
    %get3A_1021 = arith.constant 0 : index
    %get3A_1022 = vector.load %arg7[%get3A_1019, %get3A_1020, %get3A_1021] : memref<40x512x128xf32, #tpu.memory_space<vmem>>, vector<1x512x128xf32>
    %get3A_1023 = vector.shape_cast %get3A_1022 : vector<1x512x128xf32> to vector<512x128xf32>
    %get3A_1024 = arith.constant 35 : index
    %get3A_1025 = arith.constant 0 : index
    %get3A_1026 = arith.constant 0 : index
    %get3A_1027 = vector.load %arg8[%get3A_1024, %get3A_1025, %get3A_1026] : memref<40x512x128xi32, #tpu.memory_space<vmem>>, vector<1x512x128xi32>
    %get3A_1028 = vector.shape_cast %get3A_1027 : vector<1x512x128xi32> to vector<512x128xi32>
    %gt3A_1029 = arith.cmpf ogt, %slice3A_1011, %get3A_1023 : vector<512x128xf32>
    %select_n3A_1030 = arith.select %gt3A_1029, %slice3A_1011, %get3A_1023 : vector<512x128xi1>, vector<512x128xf32>
    %swap3A_1031 = arith.constant 35 : index
    %swap3A_1032 = arith.constant 0 : index
    %swap3A_1033 = arith.constant 0 : index
    %swap3A_1034 = vector.load %arg7[%swap3A_1031, %swap3A_1032, %swap3A_1033] : memref<40x512x128xf32, #tpu.memory_space<vmem>>, vector<1x512x128xf32>
    %swap3A_1035 = vector.shape_cast %swap3A_1034 : vector<1x512x128xf32> to vector<512x128xf32>
    %swap3A_1036 = vector.shape_cast %select_n3A_1030 : vector<512x128xf32> to vector<1x512x128xf32>
    tpu.vector_store %arg7[%swap3A_1031, %swap3A_1032, %swap3A_1033], %swap3A_1036 {strides = array<i32>} : memref<40x512x128xf32, #tpu.memory_space<vmem>>, vector<1x512x128xf32>,
    %select_n3A_1037 = arith.select %gt3A_1029, %add3A_1018, %get3A_1028 : vector<512x128xi1>, vector<512x128xi32>
    %swap3A_1038 = arith.constant 35 : index
    %swap3A_1039 = arith.constant 0 : index
    %swap3A_1040 = arith.constant 0 : index
    %swap3A_1041 = vector.load %arg8[%swap3A_1038, %swap3A_1039, %swap3A_1040] : memref<40x512x128xi32, #tpu.memory_space<vmem>>, vector<1x512x128xi32>
    %swap3A_1042 = vector.shape_cast %swap3A_1041 : vector<1x512x128xi32> to vector<512x128xi32>
    %swap3A_1043 = vector.shape_cast %select_n3A_1037 : vector<512x128xi32> to vector<1x512x128xi32>
    tpu.vector_store %arg8[%swap3A_1038, %swap3A_1039, %swap3A_1040], %swap3A_1043 {strides = array<i32>} : memref<40x512x128xi32, #tpu.memory_space<vmem>>, vector<1x512x128xi32>,
    %select_n3A_1044 = arith.select %gt3A_1029, %get3A_1023, %slice3A_1011 : vector<512x128xi1>, vector<512x128xf32>
    %select_n3A_1045 = arith.select %gt3A_1029, %get3A_1028, %add3A_1018 : vector<512x128xi1>, vector<512x128xi32>
    %get3A_1046 = arith.constant 36 : index
    %get3A_1047 = arith.constant 0 : index
    %get3A_1048 = arith.constant 0 : index
    %get3A_1049 = vector.load %arg7[%get3A_1046, %get3A_1047, %get3A_1048] : memref<40x512x128xf32, #tpu.memory_space<vmem>>, vector<1x512x128xf32>
    %get3A_1050 = vector.shape_cast %get3A_1049 : vector<1x512x128xf32> to vector<512x128xf32>
    %get3A_1051 = arith.constant 36 : index
    %get3A_1052 = arith.constant 0 : index
    %get3A_1053 = arith.constant 0 : index
    %get3A_1054 = vector.load %arg8[%get3A_1051, %get3A_1052, %get3A_1053] : memref<40x512x128xi32, #tpu.memory_space<vmem>>, vector<1x512x128xi32>
    %get3A_1055 = vector.shape_cast %get3A_1054 : vector<1x512x128xi32> to vector<512x128xi32>
    %gt3A_1056 = arith.cmpf ogt, %select_n3A_1044, %get3A_1050 : vector<512x128xf32>
    %select_n3A_1057 = arith.select %gt3A_1056, %select_n3A_1044, %get3A_1050 : vector<512x128xi1>, vector<512x128xf32>
    %swap3A_1058 = arith.constant 36 : index
    %swap3A_1059 = arith.constant 0 : index
    %swap3A_1060 = arith.constant 0 : index
    %swap3A_1061 = vector.load %arg7[%swap3A_1058, %swap3A_1059, %swap3A_1060] : memref<40x512x128xf32, #tpu.memory_space<vmem>>, vector<1x512x128xf32>
    %swap3A_1062 = vector.shape_cast %swap3A_1061 : vector<1x512x128xf32> to vector<512x128xf32>
    %swap3A_1063 = vector.shape_cast %select_n3A_1057 : vector<512x128xf32> to vector<1x512x128xf32>
    tpu.vector_store %arg7[%swap3A_1058, %swap3A_1059, %swap3A_1060], %swap3A_1063 {strides = array<i32>} : memref<40x512x128xf32, #tpu.memory_space<vmem>>, vector<1x512x128xf32>,
    %select_n3A_1064 = arith.select %gt3A_1056, %select_n3A_1045, %get3A_1055 : vector<512x128xi1>, vector<512x128xi32>
    %swap3A_1065 = arith.constant 36 : index
    %swap3A_1066 = arith.constant 0 : index
    %swap3A_1067 = arith.constant 0 : index
    %swap3A_1068 = vector.load %arg8[%swap3A_1065, %swap3A_1066, %swap3A_1067] : memref<40x512x128xi32, #tpu.memory_space<vmem>>, vector<1x512x128xi32>
    %swap3A_1069 = vector.shape_cast %swap3A_1068 : vector<1x512x128xi32> to vector<512x128xi32>
    %swap3A_1070 = vector.shape_cast %select_n3A_1064 : vector<512x128xi32> to vector<1x512x128xi32>
    tpu.vector_store %arg8[%swap3A_1065, %swap3A_1066, %swap3A_1067], %swap3A_1070 {strides = array<i32>} : memref<40x512x128xi32, #tpu.memory_space<vmem>>, vector<1x512x128xi32>,
    %select_n3A_1071 = arith.select %gt3A_1056, %get3A_1050, %select_n3A_1044 : vector<512x128xi1>, vector<512x128xf32>
    %select_n3A_1072 = arith.select %gt3A_1056, %get3A_1055, %select_n3A_1045 : vector<512x128xi1>, vector<512x128xi32>
    %get3A_1073 = arith.constant 37 : index
    %get3A_1074 = arith.constant 0 : index
    %get3A_1075 = arith.constant 0 : index
    %get3A_1076 = vector.load %arg7[%get3A_1073, %get3A_1074, %get3A_1075] : memref<40x512x128xf32, #tpu.memory_space<vmem>>, vector<1x512x128xf32>
    %get3A_1077 = vector.shape_cast %get3A_1076 : vector<1x512x128xf32> to vector<512x128xf32>
    %get3A_1078 = arith.constant 37 : index
    %get3A_1079 = arith.constant 0 : index
    %get3A_1080 = arith.constant 0 : index
    %get3A_1081 = vector.load %arg8[%get3A_1078, %get3A_1079, %get3A_1080] : memref<40x512x128xi32, #tpu.memory_space<vmem>>, vector<1x512x128xi32>
    %get3A_1082 = vector.shape_cast %get3A_1081 : vector<1x512x128xi32> to vector<512x128xi32>
    %gt3A_1083 = arith.cmpf ogt, %select_n3A_1071, %get3A_1077 : vector<512x128xf32>
    %select_n3A_1084 = arith.select %gt3A_1083, %select_n3A_1071, %get3A_1077 : vector<512x128xi1>, vector<512x128xf32>
    %swap3A_1085 = arith.constant 37 : index
    %swap3A_1086 = arith.constant 0 : index
    %swap3A_1087 = arith.constant 0 : index
    %swap3A_1088 = vector.load %arg7[%swap3A_1085, %swap3A_1086, %swap3A_1087] : memref<40x512x128xf32, #tpu.memory_space<vmem>>, vector<1x512x128xf32>
    %swap3A_1089 = vector.shape_cast %swap3A_1088 : vector<1x512x128xf32> to vector<512x128xf32>
    %swap3A_1090 = vector.shape_cast %select_n3A_1084 : vector<512x128xf32> to vector<1x512x128xf32>
    tpu.vector_store %arg7[%swap3A_1085, %swap3A_1086, %swap3A_1087], %swap3A_1090 {strides = array<i32>} : memref<40x512x128xf32, #tpu.memory_space<vmem>>, vector<1x512x128xf32>,
    %select_n3A_1091 = arith.select %gt3A_1083, %select_n3A_1072, %get3A_1082 : vector<512x128xi1>, vector<512x128xi32>
    %swap3A_1092 = arith.constant 37 : index
    %swap3A_1093 = arith.constant 0 : index
    %swap3A_1094 = arith.constant 0 : index
    %swap3A_1095 = vector.load %arg8[%swap3A_1092, %swap3A_1093, %swap3A_1094] : memref<40x512x128xi32, #tpu.memory_space<vmem>>, vector<1x512x128xi32>
    %swap3A_1096 = vector.shape_cast %swap3A_1095 : vector<1x512x128xi32> to vector<512x128xi32>
    %swap3A_1097 = vector.shape_cast %select_n3A_1091 : vector<512x128xi32> to vector<1x512x128xi32>
    tpu.vector_store %arg8[%swap3A_1092, %swap3A_1093, %swap3A_1094], %swap3A_1097 {strides = array<i32>} : memref<40x512x128xi32, #tpu.memory_space<vmem>>, vector<1x512x128xi32>,
    %select_n3A_1098 = arith.select %gt3A_1083, %get3A_1077, %select_n3A_1071 : vector<512x128xi1>, vector<512x128xf32>
    %select_n3A_1099 = arith.select %gt3A_1083, %get3A_1082, %select_n3A_1072 : vector<512x128xi1>, vector<512x128xi32>
    %get3A_1100 = arith.constant 38 : index
    %get3A_1101 = arith.constant 0 : index
    %get3A_1102 = arith.constant 0 : index
    %get3A_1103 = vector.load %arg7[%get3A_1100, %get3A_1101, %get3A_1102] : memref<40x512x128xf32, #tpu.memory_space<vmem>>, vector<1x512x128xf32>
    %get3A_1104 = vector.shape_cast %get3A_1103 : vector<1x512x128xf32> to vector<512x128xf32>
    %get3A_1105 = arith.constant 38 : index
    %get3A_1106 = arith.constant 0 : index
    %get3A_1107 = arith.constant 0 : index
    %get3A_1108 = vector.load %arg8[%get3A_1105, %get3A_1106, %get3A_1107] : memref<40x512x128xi32, #tpu.memory_space<vmem>>, vector<1x512x128xi32>
    %get3A_1109 = vector.shape_cast %get3A_1108 : vector<1x512x128xi32> to vector<512x128xi32>
    %gt3A_1110 = arith.cmpf ogt, %select_n3A_1098, %get3A_1104 : vector<512x128xf32>
    %select_n3A_1111 = arith.select %gt3A_1110, %select_n3A_1098, %get3A_1104 : vector<512x128xi1>, vector<512x128xf32>
    %swap3A_1112 = arith.constant 38 : index
    %swap3A_1113 = arith.constant 0 : index
    %swap3A_1114 = arith.constant 0 : index
    %swap3A_1115 = vector.load %arg7[%swap3A_1112, %swap3A_1113, %swap3A_1114] : memref<40x512x128xf32, #tpu.memory_space<vmem>>, vector<1x512x128xf32>
    %swap3A_1116 = vector.shape_cast %swap3A_1115 : vector<1x512x128xf32> to vector<512x128xf32>
    %swap3A_1117 = vector.shape_cast %select_n3A_1111 : vector<512x128xf32> to vector<1x512x128xf32>
    tpu.vector_store %arg7[%swap3A_1112, %swap3A_1113, %swap3A_1114], %swap3A_1117 {strides = array<i32>} : memref<40x512x128xf32, #tpu.memory_space<vmem>>, vector<1x512x128xf32>,
    %select_n3A_1118 = arith.select %gt3A_1110, %select_n3A_1099, %get3A_1109 : vector<512x128xi1>, vector<512x128xi32>
    %swap3A_1119 = arith.constant 38 : index
    %swap3A_1120 = arith.constant 0 : index
    %swap3A_1121 = arith.constant 0 : index
    %swap3A_1122 = vector.load %arg8[%swap3A_1119, %swap3A_1120, %swap3A_1121] : memref<40x512x128xi32, #tpu.memory_space<vmem>>, vector<1x512x128xi32>
    %swap3A_1123 = vector.shape_cast %swap3A_1122 : vector<1x512x128xi32> to vector<512x128xi32>
    %swap3A_1124 = vector.shape_cast %select_n3A_1118 : vector<512x128xi32> to vector<1x512x128xi32>
    tpu.vector_store %arg8[%swap3A_1119, %swap3A_1120, %swap3A_1121], %swap3A_1124 {strides = array<i32>} : memref<40x512x128xi32, #tpu.memory_space<vmem>>, vector<1x512x128xi32>,
    %select_n3A_1125 = arith.select %gt3A_1110, %get3A_1104, %select_n3A_1098 : vector<512x128xi1>, vector<512x128xf32>
    %select_n3A_1126 = arith.select %gt3A_1110, %get3A_1109, %select_n3A_1099 : vector<512x128xi1>, vector<512x128xi32>
    %get3A_1127 = arith.constant 39 : index
    %get3A_1128 = arith.constant 0 : index
    %get3A_1129 = arith.constant 0 : index
    %get3A_1130 = vector.load %arg7[%get3A_1127, %get3A_1128, %get3A_1129] : memref<40x512x128xf32, #tpu.memory_space<vmem>>, vector<1x512x128xf32>
    %get3A_1131 = vector.shape_cast %get3A_1130 : vector<1x512x128xf32> to vector<512x128xf32>
    %get3A_1132 = arith.constant 39 : index
    %get3A_1133 = arith.constant 0 : index
    %get3A_1134 = arith.constant 0 : index
    %get3A_1135 = vector.load %arg8[%get3A_1132, %get3A_1133, %get3A_1134] : memref<40x512x128xi32, #tpu.memory_space<vmem>>, vector<1x512x128xi32>
    %get3A_1136 = vector.shape_cast %get3A_1135 : vector<1x512x128xi32> to vector<512x128xi32>
    %gt3A_1137 = arith.cmpf ogt, %select_n3A_1125, %get3A_1131 : vector<512x128xf32>
    %select_n3A_1138 = arith.select %gt3A_1137, %select_n3A_1125, %get3A_1131 : vector<512x128xi1>, vector<512x128xf32>
    %swap3A_1139 = arith.constant 39 : index
    %swap3A_1140 = arith.constant 0 : index
    %swap3A_1141 = arith.constant 0 : index
    %swap3A_1142 = vector.load %arg7[%swap3A_1139, %swap3A_1140, %swap3A_1141] : memref<40x512x128xf32, #tpu.memory_space<vmem>>, vector<1x512x128xf32>
    %swap3A_1143 = vector.shape_cast %swap3A_1142 : vector<1x512x128xf32> to vector<512x128xf32>
    %swap3A_1144 = vector.shape_cast %select_n3A_1138 : vector<512x128xf32> to vector<1x512x128xf32>
    tpu.vector_store %arg7[%swap3A_1139, %swap3A_1140, %swap3A_1141], %swap3A_1144 {strides = array<i32>} : memref<40x512x128xf32, #tpu.memory_space<vmem>>, vector<1x512x128xf32>,
    %select_n3A_1145 = arith.select %gt3A_1137, %select_n3A_1126, %get3A_1136 : vector<512x128xi1>, vector<512x128xi32>
    %swap3A_1146 = arith.constant 39 : index
    %swap3A_1147 = arith.constant 0 : index
    %swap3A_1148 = arith.constant 0 : index
    %swap3A_1149 = vector.load %arg8[%swap3A_1146, %swap3A_1147, %swap3A_1148] : memref<40x512x128xi32, #tpu.memory_space<vmem>>, vector<1x512x128xi32>
    %swap3A_1150 = vector.shape_cast %swap3A_1149 : vector<1x512x128xi32> to vector<512x128xi32>
    %swap3A_1151 = vector.shape_cast %select_n3A_1145 : vector<512x128xi32> to vector<1x512x128xi32>
    tpu.vector_store %arg8[%swap3A_1146, %swap3A_1147, %swap3A_1148], %swap3A_1151 {strides = array<i32>} : memref<40x512x128xi32, #tpu.memory_space<vmem>>, vector<1x512x128xi32>,
    %slice3A_1152 = vector.extract_strided_slice %select_n3A {offsets = [0, 1024], sizes = [512, 128], strides = [1, 1]} : vector<512x2048xf32> to vector<512x128xf32>
    %mul3A_1153 = arith.constant 2048 : i32
    %mul3A_1154 = arith.muli %arg2, %mul3A_1153 : i32
    %add3A_1155 = arith.constant 1024 : i32
    %add3A_1156 = arith.addi %mul3A_1154, %add3A_1155 : i32
    %iota3A_1157 = tpu.iota {dimensions = array<i32: 1>} : vector<512x128xi32>
    %add3A_1158 = vector.broadcast %add3A_1156 : i32 to vector<512x128xi32>
    %add3A_1159 = arith.addi %add3A_1158, %iota3A_1157 : vector<512x128xi32>
    %get3A_1160 = arith.constant 0 : index
    %get3A_1161 = arith.constant 0 : index
    %get3A_1162 = arith.constant 0 : index
    %get3A_1163 = vector.load %arg7[%get3A_1160, %get3A_1161, %get3A_1162] : memref<40x512x128xf32, #tpu.memory_space<vmem>>, vector<1x512x128xf32>
    %get3A_1164 = vector.shape_cast %get3A_1163 : vector<1x512x128xf32> to vector<512x128xf32>
    %get3A_1165 = arith.constant 0 : index
    %get3A_1166 = arith.constant 0 : index
    %get3A_1167 = arith.constant 0 : index
    %get3A_1168 = vector.load %arg8[%get3A_1165, %get3A_1166, %get3A_1167] : memref<40x512x128xi32, #tpu.memory_space<vmem>>, vector<1x512x128xi32>
    %get3A_1169 = vector.shape_cast %get3A_1168 : vector<1x512x128xi32> to vector<512x128xi32>
    %gt3A_1170 = arith.cmpf ogt, %slice3A_1152, %get3A_1164 : vector<512x128xf32>
    %select_n3A_1171 = arith.select %gt3A_1170, %slice3A_1152, %get3A_1164 : vector<512x128xi1>, vector<512x128xf32>
    %swap3A_1172 = arith.constant 0 : index
    %swap3A_1173 = arith.constant 0 : index
    %swap3A_1174 = arith.constant 0 : index
    %swap3A_1175 = vector.load %arg7[%swap3A_1172, %swap3A_1173, %swap3A_1174] : memref<40x512x128xf32, #tpu.memory_space<vmem>>, vector<1x512x128xf32>
    %swap3A_1176 = vector.shape_cast %swap3A_1175 : vector<1x512x128xf32> to vector<512x128xf32>
    %swap3A_1177 = vector.shape_cast %select_n3A_1171 : vector<512x128xf32> to vector<1x512x128xf32>
    tpu.vector_store %arg7[%swap3A_1172, %swap3A_1173, %swap3A_1174], %swap3A_1177 {strides = array<i32>} : memref<40x512x128xf32, #tpu.memory_space<vmem>>, vector<1x512x128xf32>,
    %select_n3A_1178 = arith.select %gt3A_1170, %add3A_1159, %get3A_1169 : vector<512x128xi1>, vector<512x128xi32>
    %swap3A_1179 = arith.constant 0 : index
    %swap3A_1180 = arith.constant 0 : index
    %swap3A_1181 = arith.constant 0 : index
    %swap3A_1182 = vector.load %arg8[%swap3A_1179, %swap3A_1180, %swap3A_1181] : memref<40x512x128xi32, #tpu.memory_space<vmem>>, vector<1x512x128xi32>
    %swap3A_1183 = vector.shape_cast %swap3A_1182 : vector<1x512x128xi32> to vector<512x128xi32>
    %swap3A_1184 = vector.shape_cast %select_n3A_1178 : vector<512x128xi32> to vector<1x512x128xi32>
    tpu.vector_store %arg8[%swap3A_1179, %swap3A_1180, %swap3A_1181], %swap3A_1184 {strides = array<i32>} : memref<40x512x128xi32, #tpu.memory_space<vmem>>, vector<1x512x128xi32>,
    %select_n3A_1185 = arith.select %gt3A_1170, %get3A_1164, %slice3A_1152 : vector<512x128xi1>, vector<512x128xf32>
    %select_n3A_1186 = arith.select %gt3A_1170, %get3A_1169, %add3A_1159 : vector<512x128xi1>, vector<512x128xi32>
    %get3A_1187 = arith.constant 1 : index
    %get3A_1188 = arith.constant 0 : index
    %get3A_1189 = arith.constant 0 : index
    %get3A_1190 = vector.load %arg7[%get3A_1187, %get3A_1188, %get3A_1189] : memref<40x512x128xf32, #tpu.memory_space<vmem>>, vector<1x512x128xf32>
    %get3A_1191 = vector.shape_cast %get3A_1190 : vector<1x512x128xf32> to vector<512x128xf32>
    %get3A_1192 = arith.constant 1 : index
    %get3A_1193 = arith.constant 0 : index
    %get3A_1194 = arith.constant 0 : index
    %get3A_1195 = vector.load %arg8[%get3A_1192, %get3A_1193, %get3A_1194] : memref<40x512x128xi32, #tpu.memory_space<vmem>>, vector<1x512x128xi32>
    %get3A_1196 = vector.shape_cast %get3A_1195 : vector<1x512x128xi32> to vector<512x128xi32>
    %gt3A_1197 = arith.cmpf ogt, %select_n3A_1185, %get3A_1191 : vector<512x128xf32>
    %select_n3A_1198 = arith.select %gt3A_1197, %select_n3A_1185, %get3A_1191 : vector<512x128xi1>, vector<512x128xf32>
    %swap3A_1199 = arith.constant 1 : index
    %swap3A_1200 = arith.constant 0 : index
    %swap3A_1201 = arith.constant 0 : index
    %swap3A_1202 = vector.load %arg7[%swap3A_1199, %swap3A_1200, %swap3A_1201] : memref<40x512x128xf32, #tpu.memory_space<vmem>>, vector<1x512x128xf32>
    %swap3A_1203 = vector.shape_cast %swap3A_1202 : vector<1x512x128xf32> to vector<512x128xf32>
    %swap3A_1204 = vector.shape_cast %select_n3A_1198 : vector<512x128xf32> to vector<1x512x128xf32>
    tpu.vector_store %arg7[%swap3A_1199, %swap3A_1200, %swap3A_1201], %swap3A_1204 {strides = array<i32>} : memref<40x512x128xf32, #tpu.memory_space<vmem>>, vector<1x512x128xf32>,
    %select_n3A_1205 = arith.select %gt3A_1197, %select_n3A_1186, %get3A_1196 : vector<512x128xi1>, vector<512x128xi32>
    %swap3A_1206 = arith.constant 1 : index
    %swap3A_1207 = arith.constant 0 : index
    %swap3A_1208 = arith.constant 0 : index
    %swap3A_1209 = vector.load %arg8[%swap3A_1206, %swap3A_1207, %swap3A_1208] : memref<40x512x128xi32, #tpu.memory_space<vmem>>, vector<1x512x128xi32>
    %swap3A_1210 = vector.shape_cast %swap3A_1209 : vector<1x512x128xi32> to vector<512x128xi32>
    %swap3A_1211 = vector.shape_cast %select_n3A_1205 : vector<512x128xi32> to vector<1x512x128xi32>
    tpu.vector_store %arg8[%swap3A_1206, %swap3A_1207, %swap3A_1208], %swap3A_1211 {strides = array<i32>} : memref<40x512x128xi32, #tpu.memory_space<vmem>>, vector<1x512x128xi32>,
    %select_n3A_1212 = arith.select %gt3A_1197, %get3A_1191, %select_n3A_1185 : vector<512x128xi1>, vector<512x128xf32>
    %select_n3A_1213 = arith.select %gt3A_1197, %get3A_1196, %select_n3A_1186 : vector<512x128xi1>, vector<512x128xi32>
    %get3A_1214 = arith.constant 2 : index
    %get3A_1215 = arith.constant 0 : index
    %get3A_1216 = arith.constant 0 : index
    %get3A_1217 = vector.load %arg7[%get3A_1214, %get3A_1215, %get3A_1216] : memref<40x512x128xf32, #tpu.memory_space<vmem>>, vector<1x512x128xf32>
    %get3A_1218 = vector.shape_cast %get3A_1217 : vector<1x512x128xf32> to vector<512x128xf32>
    %get3A_1219 = arith.constant 2 : index
    %get3A_1220 = arith.constant 0 : index
    %get3A_1221 = arith.constant 0 : index
    %get3A_1222 = vector.load %arg8[%get3A_1219, %get3A_1220, %get3A_1221] : memref<40x512x128xi32, #tpu.memory_space<vmem>>, vector<1x512x128xi32>
    %get3A_1223 = vector.shape_cast %get3A_1222 : vector<1x512x128xi32> to vector<512x128xi32>
    %gt3A_1224 = arith.cmpf ogt, %select_n3A_1212, %get3A_1218 : vector<512x128xf32>
    %select_n3A_1225 = arith.select %gt3A_1224, %select_n3A_1212, %get3A_1218 : vector<512x128xi1>, vector<512x128xf32>
    %swap3A_1226 = arith.constant 2 : index
    %swap3A_1227 = arith.constant 0 : index
    %swap3A_1228 = arith.constant 0 : index
    %swap3A_1229 = vector.load %arg7[%swap3A_1226, %swap3A_1227, %swap3A_1228] : memref<40x512x128xf32, #tpu.memory_space<vmem>>, vector<1x512x128xf32>
    %swap3A_1230 = vector.shape_cast %swap3A_1229 : vector<1x512x128xf32> to vector<512x128xf32>
    %swap3A_1231 = vector.shape_cast %select_n3A_1225 : vector<512x128xf32> to vector<1x512x128xf32>
    tpu.vector_store %arg7[%swap3A_1226, %swap3A_1227, %swap3A_1228], %swap3A_1231 {strides = array<i32>} : memref<40x512x128xf32, #tpu.memory_space<vmem>>, vector<1x512x128xf32>,
    %select_n3A_1232 = arith.select %gt3A_1224, %select_n3A_1213, %get3A_1223 : vector<512x128xi1>, vector<512x128xi32>
    %swap3A_1233 = arith.constant 2 : index
    %swap3A_1234 = arith.constant 0 : index
    %swap3A_1235 = arith.constant 0 : index
    %swap3A_1236 = vector.load %arg8[%swap3A_1233, %swap3A_1234, %swap3A_1235] : memref<40x512x128xi32, #tpu.memory_space<vmem>>, vector<1x512x128xi32>
    %swap3A_1237 = vector.shape_cast %swap3A_1236 : vector<1x512x128xi32> to vector<512x128xi32>
    %swap3A_1238 = vector.shape_cast %select_n3A_1232 : vector<512x128xi32> to vector<1x512x128xi32>
    tpu.vector_store %arg8[%swap3A_1233, %swap3A_1234, %swap3A_1235], %swap3A_1238 {strides = array<i32>} : memref<40x512x128xi32, #tpu.memory_space<vmem>>, vector<1x512x128xi32>,
    %select_n3A_1239 = arith.select %gt3A_1224, %get3A_1218, %select_n3A_1212 : vector<512x128xi1>, vector<512x128xf32>
    %select_n3A_1240 = arith.select %gt3A_1224, %get3A_1223, %select_n3A_1213 : vector<512x128xi1>, vector<512x128xi32>
    %get3A_1241 = arith.constant 3 : index
    %get3A_1242 = arith.constant 0 : index
    %get3A_1243 = arith.constant 0 : index
    %get3A_1244 = vector.load %arg7[%get3A_1241, %get3A_1242, %get3A_1243] : memref<40x512x128xf32, #tpu.memory_space<vmem>>, vector<1x512x128xf32>
    %get3A_1245 = vector.shape_cast %get3A_1244 : vector<1x512x128xf32> to vector<512x128xf32>
    %get3A_1246 = arith.constant 3 : index
    %get3A_1247 = arith.constant 0 : index
    %get3A_1248 = arith.constant 0 : index
    %get3A_1249 = vector.load %arg8[%get3A_1246, %get3A_1247, %get3A_1248] : memref<40x512x128xi32, #tpu.memory_space<vmem>>, vector<1x512x128xi32>
    %get3A_1250 = vector.shape_cast %get3A_1249 : vector<1x512x128xi32> to vector<512x128xi32>
    %gt3A_1251 = arith.cmpf ogt, %select_n3A_1239, %get3A_1245 : vector<512x128xf32>
    %select_n3A_1252 = arith.select %gt3A_1251, %select_n3A_1239, %get3A_1245 : vector<512x128xi1>, vector<512x128xf32>
    %swap3A_1253 = arith.constant 3 : index
    %swap3A_1254 = arith.constant 0 : index
    %swap3A_1255 = arith.constant 0 : index
    %swap3A_1256 = vector.load %arg7[%swap3A_1253, %swap3A_1254, %swap3A_1255] : memref<40x512x128xf32, #tpu.memory_space<vmem>>, vector<1x512x128xf32>
    %swap3A_1257 = vector.shape_cast %swap3A_1256 : vector<1x512x128xf32> to vector<512x128xf32>
    %swap3A_1258 = vector.shape_cast %select_n3A_1252 : vector<512x128xf32> to vector<1x512x128xf32>
    tpu.vector_store %arg7[%swap3A_1253, %swap3A_1254, %swap3A_1255], %swap3A_1258 {strides = array<i32>} : memref<40x512x128xf32, #tpu.memory_space<vmem>>, vector<1x512x128xf32>,
    %select_n3A_1259 = arith.select %gt3A_1251, %select_n3A_1240, %get3A_1250 : vector<512x128xi1>, vector<512x128xi32>
    %swap3A_1260 = arith.constant 3 : index
    %swap3A_1261 = arith.constant 0 : index
    %swap3A_1262 = arith.constant 0 : index
    %swap3A_1263 = vector.load %arg8[%swap3A_1260, %swap3A_1261, %swap3A_1262] : memref<40x512x128xi32, #tpu.memory_space<vmem>>, vector<1x512x128xi32>
    %swap3A_1264 = vector.shape_cast %swap3A_1263 : vector<1x512x128xi32> to vector<512x128xi32>
    %swap3A_1265 = vector.shape_cast %select_n3A_1259 : vector<512x128xi32> to vector<1x512x128xi32>
    tpu.vector_store %arg8[%swap3A_1260, %swap3A_1261, %swap3A_1262], %swap3A_1265 {strides = array<i32>} : memref<40x512x128xi32, #tpu.memory_space<vmem>>, vector<1x512x128xi32>,
    %select_n3A_1266 = arith.select %gt3A_1251, %get3A_1245, %select_n3A_1239 : vector<512x128xi1>, vector<512x128xf32>
    %select_n3A_1267 = arith.select %gt3A_1251, %get3A_1250, %select_n3A_1240 : vector<512x128xi1>, vector<512x128xi32>
    %get3A_1268 = arith.constant 4 : index
    %get3A_1269 = arith.constant 0 : index
    %get3A_1270 = arith.constant 0 : index
    %get3A_1271 = vector.load %arg7[%get3A_1268, %get3A_1269, %get3A_1270] : memref<40x512x128xf32, #tpu.memory_space<vmem>>, vector<1x512x128xf32>
    %get3A_1272 = vector.shape_cast %get3A_1271 : vector<1x512x128xf32> to vector<512x128xf32>
    %get3A_1273 = arith.constant 4 : index
    %get3A_1274 = arith.constant 0 : index
    %get3A_1275 = arith.constant 0 : index
    %get3A_1276 = vector.load %arg8[%get3A_1273, %get3A_1274, %get3A_1275] : memref<40x512x128xi32, #tpu.memory_space<vmem>>, vector<1x512x128xi32>
    %get3A_1277 = vector.shape_cast %get3A_1276 : vector<1x512x128xi32> to vector<512x128xi32>
    %gt3A_1278 = arith.cmpf ogt, %select_n3A_1266, %get3A_1272 : vector<512x128xf32>
    %select_n3A_1279 = arith.select %gt3A_1278, %select_n3A_1266, %get3A_1272 : vector<512x128xi1>, vector<512x128xf32>
    %swap3A_1280 = arith.constant 4 : index
    %swap3A_1281 = arith.constant 0 : index
    %swap3A_1282 = arith.constant 0 : index
    %swap3A_1283 = vector.load %arg7[%swap3A_1280, %swap3A_1281, %swap3A_1282] : memref<40x512x128xf32, #tpu.memory_space<vmem>>, vector<1x512x128xf32>
    %swap3A_1284 = vector.shape_cast %swap3A_1283 : vector<1x512x128xf32> to vector<512x128xf32>
    %swap3A_1285 = vector.shape_cast %select_n3A_1279 : vector<512x128xf32> to vector<1x512x128xf32>
    tpu.vector_store %arg7[%swap3A_1280, %swap3A_1281, %swap3A_1282], %swap3A_1285 {strides = array<i32>} : memref<40x512x128xf32, #tpu.memory_space<vmem>>, vector<1x512x128xf32>,
    %select_n3A_1286 = arith.select %gt3A_1278, %select_n3A_1267, %get3A_1277 : vector<512x128xi1>, vector<512x128xi32>
    %swap3A_1287 = arith.constant 4 : index
    %swap3A_1288 = arith.constant 0 : index
    %swap3A_1289 = arith.constant 0 : index
    %swap3A_1290 = vector.load %arg8[%swap3A_1287, %swap3A_1288, %swap3A_1289] : memref<40x512x128xi32, #tpu.memory_space<vmem>>, vector<1x512x128xi32>
    %swap3A_1291 = vector.shape_cast %swap3A_1290 : vector<1x512x128xi32> to vector<512x128xi32>
    %swap3A_1292 = vector.shape_cast %select_n3A_1286 : vector<512x128xi32> to vector<1x512x128xi32>
    tpu.vector_store %arg8[%swap3A_1287, %swap3A_1288, %swap3A_1289], %swap3A_1292 {strides = array<i32>} : memref<40x512x128xi32, #tpu.memory_space<vmem>>, vector<1x512x128xi32>,
    %slice3A_1293 = vector.extract_strided_slice %select_n3A {offsets = [0, 1152], sizes = [512, 128], strides = [1, 1]} : vector<512x2048xf32> to vector<512x128xf32>
    %mul3A_1294 = arith.constant 2048 : i32
    %mul3A_1295 = arith.muli %arg2, %mul3A_1294 : i32
    %add3A_1296 = arith.constant 1152 : i32
    %add3A_1297 = arith.addi %mul3A_1295, %add3A_1296 : i32
    %iota3A_1298 = tpu.iota {dimensions = array<i32: 1>} : vector<512x128xi32>
    %add3A_1299 = vector.broadcast %add3A_1297 : i32 to vector<512x128xi32>
    %add3A_1300 = arith.addi %add3A_1299, %iota3A_1298 : vector<512x128xi32>
    %get3A_1301 = arith.constant 5 : index
    %get3A_1302 = arith.constant 0 : index
    %get3A_1303 = arith.constant 0 : index
    %get3A_1304 = vector.load %arg7[%get3A_1301, %get3A_1302, %get3A_1303] : memref<40x512x128xf32, #tpu.memory_space<vmem>>, vector<1x512x128xf32>
    %get3A_1305 = vector.shape_cast %get3A_1304 : vector<1x512x128xf32> to vector<512x128xf32>
    %get3A_1306 = arith.constant 5 : index
    %get3A_1307 = arith.constant 0 : index
    %get3A_1308 = arith.constant 0 : index
    %get3A_1309 = vector.load %arg8[%get3A_1306, %get3A_1307, %get3A_1308] : memref<40x512x128xi32, #tpu.memory_space<vmem>>, vector<1x512x128xi32>
    %get3A_1310 = vector.shape_cast %get3A_1309 : vector<1x512x128xi32> to vector<512x128xi32>
    %gt3A_1311 = arith.cmpf ogt, %slice3A_1293, %get3A_1305 : vector<512x128xf32>
    %select_n3A_1312 = arith.select %gt3A_1311, %slice3A_1293, %get3A_1305 : vector<512x128xi1>, vector<512x128xf32>
    %swap3A_1313 = arith.constant 5 : index
    %swap3A_1314 = arith.constant 0 : index
    %swap3A_1315 = arith.constant 0 : index
    %swap3A_1316 = vector.load %arg7[%swap3A_1313, %swap3A_1314, %swap3A_1315] : memref<40x512x128xf32, #tpu.memory_space<vmem>>, vector<1x512x128xf32>
    %swap3A_1317 = vector.shape_cast %swap3A_1316 : vector<1x512x128xf32> to vector<512x128xf32>
    %swap3A_1318 = vector.shape_cast %select_n3A_1312 : vector<512x128xf32> to vector<1x512x128xf32>
    tpu.vector_store %arg7[%swap3A_1313, %swap3A_1314, %swap3A_1315], %swap3A_1318 {strides = array<i32>} : memref<40x512x128xf32, #tpu.memory_space<vmem>>, vector<1x512x128xf32>,
    %select_n3A_1319 = arith.select %gt3A_1311, %add3A_1300, %get3A_1310 : vector<512x128xi1>, vector<512x128xi32>
    %swap3A_1320 = arith.constant 5 : index
    %swap3A_1321 = arith.constant 0 : index
    %swap3A_1322 = arith.constant 0 : index
    %swap3A_1323 = vector.load %arg8[%swap3A_1320, %swap3A_1321, %swap3A_1322] : memref<40x512x128xi32, #tpu.memory_space<vmem>>, vector<1x512x128xi32>
    %swap3A_1324 = vector.shape_cast %swap3A_1323 : vector<1x512x128xi32> to vector<512x128xi32>
    %swap3A_1325 = vector.shape_cast %select_n3A_1319 : vector<512x128xi32> to vector<1x512x128xi32>
    tpu.vector_store %arg8[%swap3A_1320, %swap3A_1321, %swap3A_1322], %swap3A_1325 {strides = array<i32>} : memref<40x512x128xi32, #tpu.memory_space<vmem>>, vector<1x512x128xi32>,
    %select_n3A_1326 = arith.select %gt3A_1311, %get3A_1305, %slice3A_1293 : vector<512x128xi1>, vector<512x128xf32>
    %select_n3A_1327 = arith.select %gt3A_1311, %get3A_1310, %add3A_1300 : vector<512x128xi1>, vector<512x128xi32>
    %get3A_1328 = arith.constant 6 : index
    %get3A_1329 = arith.constant 0 : index
    %get3A_1330 = arith.constant 0 : index
    %get3A_1331 = vector.load %arg7[%get3A_1328, %get3A_1329, %get3A_1330] : memref<40x512x128xf32, #tpu.memory_space<vmem>>, vector<1x512x128xf32>
    %get3A_1332 = vector.shape_cast %get3A_1331 : vector<1x512x128xf32> to vector<512x128xf32>
    %get3A_1333 = arith.constant 6 : index
    %get3A_1334 = arith.constant 0 : index
    %get3A_1335 = arith.constant 0 : index
    %get3A_1336 = vector.load %arg8[%get3A_1333, %get3A_1334, %get3A_1335] : memref<40x512x128xi32, #tpu.memory_space<vmem>>, vector<1x512x128xi32>
    %get3A_1337 = vector.shape_cast %get3A_1336 : vector<1x512x128xi32> to vector<512x128xi32>
    %gt3A_1338 = arith.cmpf ogt, %select_n3A_1326, %get3A_1332 : vector<512x128xf32>
    %select_n3A_1339 = arith.select %gt3A_1338, %select_n3A_1326, %get3A_1332 : vector<512x128xi1>, vector<512x128xf32>
    %swap3A_1340 = arith.constant 6 : index
    %swap3A_1341 = arith.constant 0 : index
    %swap3A_1342 = arith.constant 0 : index
    %swap3A_1343 = vector.load %arg7[%swap3A_1340, %swap3A_1341, %swap3A_1342] : memref<40x512x128xf32, #tpu.memory_space<vmem>>, vector<1x512x128xf32>
    %swap3A_1344 = vector.shape_cast %swap3A_1343 : vector<1x512x128xf32> to vector<512x128xf32>
    %swap3A_1345 = vector.shape_cast %select_n3A_1339 : vector<512x128xf32> to vector<1x512x128xf32>
    tpu.vector_store %arg7[%swap3A_1340, %swap3A_1341, %swap3A_1342], %swap3A_1345 {strides = array<i32>} : memref<40x512x128xf32, #tpu.memory_space<vmem>>, vector<1x512x128xf32>,
    %select_n3A_1346 = arith.select %gt3A_1338, %select_n3A_1327, %get3A_1337 : vector<512x128xi1>, vector<512x128xi32>
    %swap3A_1347 = arith.constant 6 : index
    %swap3A_1348 = arith.constant 0 : index
    %swap3A_1349 = arith.constant 0 : index
    %swap3A_1350 = vector.load %arg8[%swap3A_1347, %swap3A_1348, %swap3A_1349] : memref<40x512x128xi32, #tpu.memory_space<vmem>>, vector<1x512x128xi32>
    %swap3A_1351 = vector.shape_cast %swap3A_1350 : vector<1x512x128xi32> to vector<512x128xi32>
    %swap3A_1352 = vector.shape_cast %select_n3A_1346 : vector<512x128xi32> to vector<1x512x128xi32>
    tpu.vector_store %arg8[%swap3A_1347, %swap3A_1348, %swap3A_1349], %swap3A_1352 {strides = array<i32>} : memref<40x512x128xi32, #tpu.memory_space<vmem>>, vector<1x512x128xi32>,
    %select_n3A_1353 = arith.select %gt3A_1338, %get3A_1332, %select_n3A_1326 : vector<512x128xi1>, vector<512x128xf32>
    %select_n3A_1354 = arith.select %gt3A_1338, %get3A_1337, %select_n3A_1327 : vector<512x128xi1>, vector<512x128xi32>
    %get3A_1355 = arith.constant 7 : index
    %get3A_1356 = arith.constant 0 : index
    %get3A_1357 = arith.constant 0 : index
    %get3A_1358 = vector.load %arg7[%get3A_1355, %get3A_1356, %get3A_1357] : memref<40x512x128xf32, #tpu.memory_space<vmem>>, vector<1x512x128xf32>
    %get3A_1359 = vector.shape_cast %get3A_1358 : vector<1x512x128xf32> to vector<512x128xf32>
    %get3A_1360 = arith.constant 7 : index
    %get3A_1361 = arith.constant 0 : index
    %get3A_1362 = arith.constant 0 : index
    %get3A_1363 = vector.load %arg8[%get3A_1360, %get3A_1361, %get3A_1362] : memref<40x512x128xi32, #tpu.memory_space<vmem>>, vector<1x512x128xi32>
    %get3A_1364 = vector.shape_cast %get3A_1363 : vector<1x512x128xi32> to vector<512x128xi32>
    %gt3A_1365 = arith.cmpf ogt, %select_n3A_1353, %get3A_1359 : vector<512x128xf32>
    %select_n3A_1366 = arith.select %gt3A_1365, %select_n3A_1353, %get3A_1359 : vector<512x128xi1>, vector<512x128xf32>
    %swap3A_1367 = arith.constant 7 : index
    %swap3A_1368 = arith.constant 0 : index
    %swap3A_1369 = arith.constant 0 : index
    %swap3A_1370 = vector.load %arg7[%swap3A_1367, %swap3A_1368, %swap3A_1369] : memref<40x512x128xf32, #tpu.memory_space<vmem>>, vector<1x512x128xf32>
    %swap3A_1371 = vector.shape_cast %swap3A_1370 : vector<1x512x128xf32> to vector<512x128xf32>
    %swap3A_1372 = vector.shape_cast %select_n3A_1366 : vector<512x128xf32> to vector<1x512x128xf32>
    tpu.vector_store %arg7[%swap3A_1367, %swap3A_1368, %swap3A_1369], %swap3A_1372 {strides = array<i32>} : memref<40x512x128xf32, #tpu.memory_space<vmem>>, vector<1x512x128xf32>,
    %select_n3A_1373 = arith.select %gt3A_1365, %select_n3A_1354, %get3A_1364 : vector<512x128xi1>, vector<512x128xi32>
    %swap3A_1374 = arith.constant 7 : index
    %swap3A_1375 = arith.constant 0 : index
    %swap3A_1376 = arith.constant 0 : index
    %swap3A_1377 = vector.load %arg8[%swap3A_1374, %swap3A_1375, %swap3A_1376] : memref<40x512x128xi32, #tpu.memory_space<vmem>>, vector<1x512x128xi32>
    %swap3A_1378 = vector.shape_cast %swap3A_1377 : vector<1x512x128xi32> to vector<512x128xi32>
    %swap3A_1379 = vector.shape_cast %select_n3A_1373 : vector<512x128xi32> to vector<1x512x128xi32>
    tpu.vector_store %arg8[%swap3A_1374, %swap3A_1375, %swap3A_1376], %swap3A_1379 {strides = array<i32>} : memref<40x512x128xi32, #tpu.memory_space<vmem>>, vector<1x512x128xi32>,
    %select_n3A_1380 = arith.select %gt3A_1365, %get3A_1359, %select_n3A_1353 : vector<512x128xi1>, vector<512x128xf32>
    %select_n3A_1381 = arith.select %gt3A_1365, %get3A_1364, %select_n3A_1354 : vector<512x128xi1>, vector<512x128xi32>
    %get3A_1382 = arith.constant 8 : index
    %get3A_1383 = arith.constant 0 : index
    %get3A_1384 = arith.constant 0 : index
    %get3A_1385 = vector.load %arg7[%get3A_1382, %get3A_1383, %get3A_1384] : memref<40x512x128xf32, #tpu.memory_space<vmem>>, vector<1x512x128xf32>
    %get3A_1386 = vector.shape_cast %get3A_1385 : vector<1x512x128xf32> to vector<512x128xf32>
    %get3A_1387 = arith.constant 8 : index
    %get3A_1388 = arith.constant 0 : index
    %get3A_1389 = arith.constant 0 : index
    %get3A_1390 = vector.load %arg8[%get3A_1387, %get3A_1388, %get3A_1389] : memref<40x512x128xi32, #tpu.memory_space<vmem>>, vector<1x512x128xi32>
    %get3A_1391 = vector.shape_cast %get3A_1390 : vector<1x512x128xi32> to vector<512x128xi32>
    %gt3A_1392 = arith.cmpf ogt, %select_n3A_1380, %get3A_1386 : vector<512x128xf32>
    %select_n3A_1393 = arith.select %gt3A_1392, %select_n3A_1380, %get3A_1386 : vector<512x128xi1>, vector<512x128xf32>
    %swap3A_1394 = arith.constant 8 : index
    %swap3A_1395 = arith.constant 0 : index
    %swap3A_1396 = arith.constant 0 : index
    %swap3A_1397 = vector.load %arg7[%swap3A_1394, %swap3A_1395, %swap3A_1396] : memref<40x512x128xf32, #tpu.memory_space<vmem>>, vector<1x512x128xf32>
    %swap3A_1398 = vector.shape_cast %swap3A_1397 : vector<1x512x128xf32> to vector<512x128xf32>
    %swap3A_1399 = vector.shape_cast %select_n3A_1393 : vector<512x128xf32> to vector<1x512x128xf32>
    tpu.vector_store %arg7[%swap3A_1394, %swap3A_1395, %swap3A_1396], %swap3A_1399 {strides = array<i32>} : memref<40x512x128xf32, #tpu.memory_space<vmem>>, vector<1x512x128xf32>,
    %select_n3A_1400 = arith.select %gt3A_1392, %select_n3A_1381, %get3A_1391 : vector<512x128xi1>, vector<512x128xi32>
    %swap3A_1401 = arith.constant 8 : index
    %swap3A_1402 = arith.constant 0 : index
    %swap3A_1403 = arith.constant 0 : index
    %swap3A_1404 = vector.load %arg8[%swap3A_1401, %swap3A_1402, %swap3A_1403] : memref<40x512x128xi32, #tpu.memory_space<vmem>>, vector<1x512x128xi32>
    %swap3A_1405 = vector.shape_cast %swap3A_1404 : vector<1x512x128xi32> to vector<512x128xi32>
    %swap3A_1406 = vector.shape_cast %select_n3A_1400 : vector<512x128xi32> to vector<1x512x128xi32>
    tpu.vector_store %arg8[%swap3A_1401, %swap3A_1402, %swap3A_1403], %swap3A_1406 {strides = array<i32>} : memref<40x512x128xi32, #tpu.memory_space<vmem>>, vector<1x512x128xi32>,
    %select_n3A_1407 = arith.select %gt3A_1392, %get3A_1386, %select_n3A_1380 : vector<512x128xi1>, vector<512x128xf32>
    %select_n3A_1408 = arith.select %gt3A_1392, %get3A_1391, %select_n3A_1381 : vector<512x128xi1>, vector<512x128xi32>
    %get3A_1409 = arith.constant 9 : index
    %get3A_1410 = arith.constant 0 : index
    %get3A_1411 = arith.constant 0 : index
    %get3A_1412 = vector.load %arg7[%get3A_1409, %get3A_1410, %get3A_1411] : memref<40x512x128xf32, #tpu.memory_space<vmem>>, vector<1x512x128xf32>
    %get3A_1413 = vector.shape_cast %get3A_1412 : vector<1x512x128xf32> to vector<512x128xf32>
    %get3A_1414 = arith.constant 9 : index
    %get3A_1415 = arith.constant 0 : index
    %get3A_1416 = arith.constant 0 : index
    %get3A_1417 = vector.load %arg8[%get3A_1414, %get3A_1415, %get3A_1416] : memref<40x512x128xi32, #tpu.memory_space<vmem>>, vector<1x512x128xi32>
    %get3A_1418 = vector.shape_cast %get3A_1417 : vector<1x512x128xi32> to vector<512x128xi32>
    %gt3A_1419 = arith.cmpf ogt, %select_n3A_1407, %get3A_1413 : vector<512x128xf32>
    %select_n3A_1420 = arith.select %gt3A_1419, %select_n3A_1407, %get3A_1413 : vector<512x128xi1>, vector<512x128xf32>
    %swap3A_1421 = arith.constant 9 : index
    %swap3A_1422 = arith.constant 0 : index
    %swap3A_1423 = arith.constant 0 : index
    %swap3A_1424 = vector.load %arg7[%swap3A_1421, %swap3A_1422, %swap3A_1423] : memref<40x512x128xf32, #tpu.memory_space<vmem>>, vector<1x512x128xf32>
    %swap3A_1425 = vector.shape_cast %swap3A_1424 : vector<1x512x128xf32> to vector<512x128xf32>
    %swap3A_1426 = vector.shape_cast %select_n3A_1420 : vector<512x128xf32> to vector<1x512x128xf32>
    tpu.vector_store %arg7[%swap3A_1421, %swap3A_1422, %swap3A_1423], %swap3A_1426 {strides = array<i32>} : memref<40x512x128xf32, #tpu.memory_space<vmem>>, vector<1x512x128xf32>,
    %select_n3A_1427 = arith.select %gt3A_1419, %select_n3A_1408, %get3A_1418 : vector<512x128xi1>, vector<512x128xi32>
    %swap3A_1428 = arith.constant 9 : index
    %swap3A_1429 = arith.constant 0 : index
    %swap3A_1430 = arith.constant 0 : index
    %swap3A_1431 = vector.load %arg8[%swap3A_1428, %swap3A_1429, %swap3A_1430] : memref<40x512x128xi32, #tpu.memory_space<vmem>>, vector<1x512x128xi32>
    %swap3A_1432 = vector.shape_cast %swap3A_1431 : vector<1x512x128xi32> to vector<512x128xi32>
    %swap3A_1433 = vector.shape_cast %select_n3A_1427 : vector<512x128xi32> to vector<1x512x128xi32>
    tpu.vector_store %arg8[%swap3A_1428, %swap3A_1429, %swap3A_1430], %swap3A_1433 {strides = array<i32>} : memref<40x512x128xi32, #tpu.memory_space<vmem>>, vector<1x512x128xi32>,
    %slice3A_1434 = vector.extract_strided_slice %select_n3A {offsets = [0, 1280], sizes = [512, 128], strides = [1, 1]} : vector<512x2048xf32> to vector<512x128xf32>
    %mul3A_1435 = arith.constant 2048 : i32
    %mul3A_1436 = arith.muli %arg2, %mul3A_1435 : i32
    %add3A_1437 = arith.constant 1280 : i32
    %add3A_1438 = arith.addi %mul3A_1436, %add3A_1437 : i32
    %iota3A_1439 = tpu.iota {dimensions = array<i32: 1>} : vector<512x128xi32>
    %add3A_1440 = vector.broadcast %add3A_1438 : i32 to vector<512x128xi32>
    %add3A_1441 = arith.addi %add3A_1440, %iota3A_1439 : vector<512x128xi32>
    %get3A_1442 = arith.constant 10 : index
    %get3A_1443 = arith.constant 0 : index
    %get3A_1444 = arith.constant 0 : index
    %get3A_1445 = vector.load %arg7[%get3A_1442, %get3A_1443, %get3A_1444] : memref<40x512x128xf32, #tpu.memory_space<vmem>>, vector<1x512x128xf32>
    %get3A_1446 = vector.shape_cast %get3A_1445 : vector<1x512x128xf32> to vector<512x128xf32>
    %get3A_1447 = arith.constant 10 : index
    %get3A_1448 = arith.constant 0 : index
    %get3A_1449 = arith.constant 0 : index
    %get3A_1450 = vector.load %arg8[%get3A_1447, %get3A_1448, %get3A_1449] : memref<40x512x128xi32, #tpu.memory_space<vmem>>, vector<1x512x128xi32>
    %get3A_1451 = vector.shape_cast %get3A_1450 : vector<1x512x128xi32> to vector<512x128xi32>
    %gt3A_1452 = arith.cmpf ogt, %slice3A_1434, %get3A_1446 : vector<512x128xf32>
    %select_n3A_1453 = arith.select %gt3A_1452, %slice3A_1434, %get3A_1446 : vector<512x128xi1>, vector<512x128xf32>
    %swap3A_1454 = arith.constant 10 : index
    %swap3A_1455 = arith.constant 0 : index
    %swap3A_1456 = arith.constant 0 : index
    %swap3A_1457 = vector.load %arg7[%swap3A_1454, %swap3A_1455, %swap3A_1456] : memref<40x512x128xf32, #tpu.memory_space<vmem>>, vector<1x512x128xf32>
    %swap3A_1458 = vector.shape_cast %swap3A_1457 : vector<1x512x128xf32> to vector<512x128xf32>
    %swap3A_1459 = vector.shape_cast %select_n3A_1453 : vector<512x128xf32> to vector<1x512x128xf32>
    tpu.vector_store %arg7[%swap3A_1454, %swap3A_1455, %swap3A_1456], %swap3A_1459 {strides = array<i32>} : memref<40x512x128xf32, #tpu.memory_space<vmem>>, vector<1x512x128xf32>,
    %select_n3A_1460 = arith.select %gt3A_1452, %add3A_1441, %get3A_1451 : vector<512x128xi1>, vector<512x128xi32>
    %swap3A_1461 = arith.constant 10 : index
    %swap3A_1462 = arith.constant 0 : index
    %swap3A_1463 = arith.constant 0 : index
    %swap3A_1464 = vector.load %arg8[%swap3A_1461, %swap3A_1462, %swap3A_1463] : memref<40x512x128xi32, #tpu.memory_space<vmem>>, vector<1x512x128xi32>
    %swap3A_1465 = vector.shape_cast %swap3A_1464 : vector<1x512x128xi32> to vector<512x128xi32>
    %swap3A_1466 = vector.shape_cast %select_n3A_1460 : vector<512x128xi32> to vector<1x512x128xi32>
    tpu.vector_store %arg8[%swap3A_1461, %swap3A_1462, %swap3A_1463], %swap3A_1466 {strides = array<i32>} : memref<40x512x128xi32, #tpu.memory_space<vmem>>, vector<1x512x128xi32>,
    %select_n3A_1467 = arith.select %gt3A_1452, %get3A_1446, %slice3A_1434 : vector<512x128xi1>, vector<512x128xf32>
    %select_n3A_1468 = arith.select %gt3A_1452, %get3A_1451, %add3A_1441 : vector<512x128xi1>, vector<512x128xi32>
    %get3A_1469 = arith.constant 11 : index
    %get3A_1470 = arith.constant 0 : index
    %get3A_1471 = arith.constant 0 : index
    %get3A_1472 = vector.load %arg7[%get3A_1469, %get3A_1470, %get3A_1471] : memref<40x512x128xf32, #tpu.memory_space<vmem>>, vector<1x512x128xf32>
    %get3A_1473 = vector.shape_cast %get3A_1472 : vector<1x512x128xf32> to vector<512x128xf32>
    %get3A_1474 = arith.constant 11 : index
    %get3A_1475 = arith.constant 0 : index
    %get3A_1476 = arith.constant 0 : index
    %get3A_1477 = vector.load %arg8[%get3A_1474, %get3A_1475, %get3A_1476] : memref<40x512x128xi32, #tpu.memory_space<vmem>>, vector<1x512x128xi32>
    %get3A_1478 = vector.shape_cast %get3A_1477 : vector<1x512x128xi32> to vector<512x128xi32>
    %gt3A_1479 = arith.cmpf ogt, %select_n3A_1467, %get3A_1473 : vector<512x128xf32>
    %select_n3A_1480 = arith.select %gt3A_1479, %select_n3A_1467, %get3A_1473 : vector<512x128xi1>, vector<512x128xf32>
    %swap3A_1481 = arith.constant 11 : index
    %swap3A_1482 = arith.constant 0 : index
    %swap3A_1483 = arith.constant 0 : index
    %swap3A_1484 = vector.load %arg7[%swap3A_1481, %swap3A_1482, %swap3A_1483] : memref<40x512x128xf32, #tpu.memory_space<vmem>>, vector<1x512x128xf32>
    %swap3A_1485 = vector.shape_cast %swap3A_1484 : vector<1x512x128xf32> to vector<512x128xf32>
    %swap3A_1486 = vector.shape_cast %select_n3A_1480 : vector<512x128xf32> to vector<1x512x128xf32>
    tpu.vector_store %arg7[%swap3A_1481, %swap3A_1482, %swap3A_1483], %swap3A_1486 {strides = array<i32>} : memref<40x512x128xf32, #tpu.memory_space<vmem>>, vector<1x512x128xf32>,
    %select_n3A_1487 = arith.select %gt3A_1479, %select_n3A_1468, %get3A_1478 : vector<512x128xi1>, vector<512x128xi32>
    %swap3A_1488 = arith.constant 11 : index
    %swap3A_1489 = arith.constant 0 : index
    %swap3A_1490 = arith.constant 0 : index
    %swap3A_1491 = vector.load %arg8[%swap3A_1488, %swap3A_1489, %swap3A_1490] : memref<40x512x128xi32, #tpu.memory_space<vmem>>, vector<1x512x128xi32>
    %swap3A_1492 = vector.shape_cast %swap3A_1491 : vector<1x512x128xi32> to vector<512x128xi32>
    %swap3A_1493 = vector.shape_cast %select_n3A_1487 : vector<512x128xi32> to vector<1x512x128xi32>
    tpu.vector_store %arg8[%swap3A_1488, %swap3A_1489, %swap3A_1490], %swap3A_1493 {strides = array<i32>} : memref<40x512x128xi32, #tpu.memory_space<vmem>>, vector<1x512x128xi32>,
    %select_n3A_1494 = arith.select %gt3A_1479, %get3A_1473, %select_n3A_1467 : vector<512x128xi1>, vector<512x128xf32>
    %select_n3A_1495 = arith.select %gt3A_1479, %get3A_1478, %select_n3A_1468 : vector<512x128xi1>, vector<512x128xi32>
    %get3A_1496 = arith.constant 12 : index
    %get3A_1497 = arith.constant 0 : index
    %get3A_1498 = arith.constant 0 : index
    %get3A_1499 = vector.load %arg7[%get3A_1496, %get3A_1497, %get3A_1498] : memref<40x512x128xf32, #tpu.memory_space<vmem>>, vector<1x512x128xf32>
    %get3A_1500 = vector.shape_cast %get3A_1499 : vector<1x512x128xf32> to vector<512x128xf32>
    %get3A_1501 = arith.constant 12 : index
    %get3A_1502 = arith.constant 0 : index
    %get3A_1503 = arith.constant 0 : index
    %get3A_1504 = vector.load %arg8[%get3A_1501, %get3A_1502, %get3A_1503] : memref<40x512x128xi32, #tpu.memory_space<vmem>>, vector<1x512x128xi32>
    %get3A_1505 = vector.shape_cast %get3A_1504 : vector<1x512x128xi32> to vector<512x128xi32>
    %gt3A_1506 = arith.cmpf ogt, %select_n3A_1494, %get3A_1500 : vector<512x128xf32>
    %select_n3A_1507 = arith.select %gt3A_1506, %select_n3A_1494, %get3A_1500 : vector<512x128xi1>, vector<512x128xf32>
    %swap3A_1508 = arith.constant 12 : index
    %swap3A_1509 = arith.constant 0 : index
    %swap3A_1510 = arith.constant 0 : index
    %swap3A_1511 = vector.load %arg7[%swap3A_1508, %swap3A_1509, %swap3A_1510] : memref<40x512x128xf32, #tpu.memory_space<vmem>>, vector<1x512x128xf32>
    %swap3A_1512 = vector.shape_cast %swap3A_1511 : vector<1x512x128xf32> to vector<512x128xf32>
    %swap3A_1513 = vector.shape_cast %select_n3A_1507 : vector<512x128xf32> to vector<1x512x128xf32>
    tpu.vector_store %arg7[%swap3A_1508, %swap3A_1509, %swap3A_1510], %swap3A_1513 {strides = array<i32>} : memref<40x512x128xf32, #tpu.memory_space<vmem>>, vector<1x512x128xf32>,
    %select_n3A_1514 = arith.select %gt3A_1506, %select_n3A_1495, %get3A_1505 : vector<512x128xi1>, vector<512x128xi32>
    %swap3A_1515 = arith.constant 12 : index
    %swap3A_1516 = arith.constant 0 : index
    %swap3A_1517 = arith.constant 0 : index
    %swap3A_1518 = vector.load %arg8[%swap3A_1515, %swap3A_1516, %swap3A_1517] : memref<40x512x128xi32, #tpu.memory_space<vmem>>, vector<1x512x128xi32>
    %swap3A_1519 = vector.shape_cast %swap3A_1518 : vector<1x512x128xi32> to vector<512x128xi32>
    %swap3A_1520 = vector.shape_cast %select_n3A_1514 : vector<512x128xi32> to vector<1x512x128xi32>
    tpu.vector_store %arg8[%swap3A_1515, %swap3A_1516, %swap3A_1517], %swap3A_1520 {strides = array<i32>} : memref<40x512x128xi32, #tpu.memory_space<vmem>>, vector<1x512x128xi32>,
    %select_n3A_1521 = arith.select %gt3A_1506, %get3A_1500, %select_n3A_1494 : vector<512x128xi1>, vector<512x128xf32>
    %select_n3A_1522 = arith.select %gt3A_1506, %get3A_1505, %select_n3A_1495 : vector<512x128xi1>, vector<512x128xi32>
    %get3A_1523 = arith.constant 13 : index
    %get3A_1524 = arith.constant 0 : index
    %get3A_1525 = arith.constant 0 : index
    %get3A_1526 = vector.load %arg7[%get3A_1523, %get3A_1524, %get3A_1525] : memref<40x512x128xf32, #tpu.memory_space<vmem>>, vector<1x512x128xf32>
    %get3A_1527 = vector.shape_cast %get3A_1526 : vector<1x512x128xf32> to vector<512x128xf32>
    %get3A_1528 = arith.constant 13 : index
    %get3A_1529 = arith.constant 0 : index
    %get3A_1530 = arith.constant 0 : index
    %get3A_1531 = vector.load %arg8[%get3A_1528, %get3A_1529, %get3A_1530] : memref<40x512x128xi32, #tpu.memory_space<vmem>>, vector<1x512x128xi32>
    %get3A_1532 = vector.shape_cast %get3A_1531 : vector<1x512x128xi32> to vector<512x128xi32>
    %gt3A_1533 = arith.cmpf ogt, %select_n3A_1521, %get3A_1527 : vector<512x128xf32>
    %select_n3A_1534 = arith.select %gt3A_1533, %select_n3A_1521, %get3A_1527 : vector<512x128xi1>, vector<512x128xf32>
    %swap3A_1535 = arith.constant 13 : index
    %swap3A_1536 = arith.constant 0 : index
    %swap3A_1537 = arith.constant 0 : index
    %swap3A_1538 = vector.load %arg7[%swap3A_1535, %swap3A_1536, %swap3A_1537] : memref<40x512x128xf32, #tpu.memory_space<vmem>>, vector<1x512x128xf32>
    %swap3A_1539 = vector.shape_cast %swap3A_1538 : vector<1x512x128xf32> to vector<512x128xf32>
    %swap3A_1540 = vector.shape_cast %select_n3A_1534 : vector<512x128xf32> to vector<1x512x128xf32>
    tpu.vector_store %arg7[%swap3A_1535, %swap3A_1536, %swap3A_1537], %swap3A_1540 {strides = array<i32>} : memref<40x512x128xf32, #tpu.memory_space<vmem>>, vector<1x512x128xf32>,
    %select_n3A_1541 = arith.select %gt3A_1533, %select_n3A_1522, %get3A_1532 : vector<512x128xi1>, vector<512x128xi32>
    %swap3A_1542 = arith.constant 13 : index
    %swap3A_1543 = arith.constant 0 : index
    %swap3A_1544 = arith.constant 0 : index
    %swap3A_1545 = vector.load %arg8[%swap3A_1542, %swap3A_1543, %swap3A_1544] : memref<40x512x128xi32, #tpu.memory_space<vmem>>, vector<1x512x128xi32>
    %swap3A_1546 = vector.shape_cast %swap3A_1545 : vector<1x512x128xi32> to vector<512x128xi32>
    %swap3A_1547 = vector.shape_cast %select_n3A_1541 : vector<512x128xi32> to vector<1x512x128xi32>
    tpu.vector_store %arg8[%swap3A_1542, %swap3A_1543, %swap3A_1544], %swap3A_1547 {strides = array<i32>} : memref<40x512x128xi32, #tpu.memory_space<vmem>>, vector<1x512x128xi32>,
    %select_n3A_1548 = arith.select %gt3A_1533, %get3A_1527, %select_n3A_1521 : vector<512x128xi1>, vector<512x128xf32>
    %select_n3A_1549 = arith.select %gt3A_1533, %get3A_1532, %select_n3A_1522 : vector<512x128xi1>, vector<512x128xi32>
    %get3A_1550 = arith.constant 14 : index
    %get3A_1551 = arith.constant 0 : index
    %get3A_1552 = arith.constant 0 : index
    %get3A_1553 = vector.load %arg7[%get3A_1550, %get3A_1551, %get3A_1552] : memref<40x512x128xf32, #tpu.memory_space<vmem>>, vector<1x512x128xf32>
    %get3A_1554 = vector.shape_cast %get3A_1553 : vector<1x512x128xf32> to vector<512x128xf32>
    %get3A_1555 = arith.constant 14 : index
    %get3A_1556 = arith.constant 0 : index
    %get3A_1557 = arith.constant 0 : index
    %get3A_1558 = vector.load %arg8[%get3A_1555, %get3A_1556, %get3A_1557] : memref<40x512x128xi32, #tpu.memory_space<vmem>>, vector<1x512x128xi32>
    %get3A_1559 = vector.shape_cast %get3A_1558 : vector<1x512x128xi32> to vector<512x128xi32>
    %gt3A_1560 = arith.cmpf ogt, %select_n3A_1548, %get3A_1554 : vector<512x128xf32>
    %select_n3A_1561 = arith.select %gt3A_1560, %select_n3A_1548, %get3A_1554 : vector<512x128xi1>, vector<512x128xf32>
    %swap3A_1562 = arith.constant 14 : index
    %swap3A_1563 = arith.constant 0 : index
    %swap3A_1564 = arith.constant 0 : index
    %swap3A_1565 = vector.load %arg7[%swap3A_1562, %swap3A_1563, %swap3A_1564] : memref<40x512x128xf32, #tpu.memory_space<vmem>>, vector<1x512x128xf32>
    %swap3A_1566 = vector.shape_cast %swap3A_1565 : vector<1x512x128xf32> to vector<512x128xf32>
    %swap3A_1567 = vector.shape_cast %select_n3A_1561 : vector<512x128xf32> to vector<1x512x128xf32>
    tpu.vector_store %arg7[%swap3A_1562, %swap3A_1563, %swap3A_1564], %swap3A_1567 {strides = array<i32>} : memref<40x512x128xf32, #tpu.memory_space<vmem>>, vector<1x512x128xf32>,
    %select_n3A_1568 = arith.select %gt3A_1560, %select_n3A_1549, %get3A_1559 : vector<512x128xi1>, vector<512x128xi32>
    %swap3A_1569 = arith.constant 14 : index
    %swap3A_1570 = arith.constant 0 : index
    %swap3A_1571 = arith.constant 0 : index
    %swap3A_1572 = vector.load %arg8[%swap3A_1569, %swap3A_1570, %swap3A_1571] : memref<40x512x128xi32, #tpu.memory_space<vmem>>, vector<1x512x128xi32>
    %swap3A_1573 = vector.shape_cast %swap3A_1572 : vector<1x512x128xi32> to vector<512x128xi32>
    %swap3A_1574 = vector.shape_cast %select_n3A_1568 : vector<512x128xi32> to vector<1x512x128xi32>
    tpu.vector_store %arg8[%swap3A_1569, %swap3A_1570, %swap3A_1571], %swap3A_1574 {strides = array<i32>} : memref<40x512x128xi32, #tpu.memory_space<vmem>>, vector<1x512x128xi32>,
    %slice3A_1575 = vector.extract_strided_slice %select_n3A {offsets = [0, 1408], sizes = [512, 128], strides = [1, 1]} : vector<512x2048xf32> to vector<512x128xf32>
    %mul3A_1576 = arith.constant 2048 : i32
    %mul3A_1577 = arith.muli %arg2, %mul3A_1576 : i32
    %add3A_1578 = arith.constant 1408 : i32
    %add3A_1579 = arith.addi %mul3A_1577, %add3A_1578 : i32
    %iota3A_1580 = tpu.iota {dimensions = array<i32: 1>} : vector<512x128xi32>
    %add3A_1581 = vector.broadcast %add3A_1579 : i32 to vector<512x128xi32>
    %add3A_1582 = arith.addi %add3A_1581, %iota3A_1580 : vector<512x128xi32>
    %get3A_1583 = arith.constant 15 : index
    %get3A_1584 = arith.constant 0 : index
    %get3A_1585 = arith.constant 0 : index
    %get3A_1586 = vector.load %arg7[%get3A_1583, %get3A_1584, %get3A_1585] : memref<40x512x128xf32, #tpu.memory_space<vmem>>, vector<1x512x128xf32>
    %get3A_1587 = vector.shape_cast %get3A_1586 : vector<1x512x128xf32> to vector<512x128xf32>
    %get3A_1588 = arith.constant 15 : index
    %get3A_1589 = arith.constant 0 : index
    %get3A_1590 = arith.constant 0 : index
    %get3A_1591 = vector.load %arg8[%get3A_1588, %get3A_1589, %get3A_1590] : memref<40x512x128xi32, #tpu.memory_space<vmem>>, vector<1x512x128xi32>
    %get3A_1592 = vector.shape_cast %get3A_1591 : vector<1x512x128xi32> to vector<512x128xi32>
    %gt3A_1593 = arith.cmpf ogt, %slice3A_1575, %get3A_1587 : vector<512x128xf32>
    %select_n3A_1594 = arith.select %gt3A_1593, %slice3A_1575, %get3A_1587 : vector<512x128xi1>, vector<512x128xf32>
    %swap3A_1595 = arith.constant 15 : index
    %swap3A_1596 = arith.constant 0 : index
    %swap3A_1597 = arith.constant 0 : index
    %swap3A_1598 = vector.load %arg7[%swap3A_1595, %swap3A_1596, %swap3A_1597] : memref<40x512x128xf32, #tpu.memory_space<vmem>>, vector<1x512x128xf32>
    %swap3A_1599 = vector.shape_cast %swap3A_1598 : vector<1x512x128xf32> to vector<512x128xf32>
    %swap3A_1600 = vector.shape_cast %select_n3A_1594 : vector<512x128xf32> to vector<1x512x128xf32>
    tpu.vector_store %arg7[%swap3A_1595, %swap3A_1596, %swap3A_1597], %swap3A_1600 {strides = array<i32>} : memref<40x512x128xf32, #tpu.memory_space<vmem>>, vector<1x512x128xf32>,
    %select_n3A_1601 = arith.select %gt3A_1593, %add3A_1582, %get3A_1592 : vector<512x128xi1>, vector<512x128xi32>
    %swap3A_1602 = arith.constant 15 : index
    %swap3A_1603 = arith.constant 0 : index
    %swap3A_1604 = arith.constant 0 : index
    %swap3A_1605 = vector.load %arg8[%swap3A_1602, %swap3A_1603, %swap3A_1604] : memref<40x512x128xi32, #tpu.memory_space<vmem>>, vector<1x512x128xi32>
    %swap3A_1606 = vector.shape_cast %swap3A_1605 : vector<1x512x128xi32> to vector<512x128xi32>
    %swap3A_1607 = vector.shape_cast %select_n3A_1601 : vector<512x128xi32> to vector<1x512x128xi32>
    tpu.vector_store %arg8[%swap3A_1602, %swap3A_1603, %swap3A_1604], %swap3A_1607 {strides = array<i32>} : memref<40x512x128xi32, #tpu.memory_space<vmem>>, vector<1x512x128xi32>,
    %select_n3A_1608 = arith.select %gt3A_1593, %get3A_1587, %slice3A_1575 : vector<512x128xi1>, vector<512x128xf32>
    %select_n3A_1609 = arith.select %gt3A_1593, %get3A_1592, %add3A_1582 : vector<512x128xi1>, vector<512x128xi32>
    %get3A_1610 = arith.constant 16 : index
    %get3A_1611 = arith.constant 0 : index
    %get3A_1612 = arith.constant 0 : index
    %get3A_1613 = vector.load %arg7[%get3A_1610, %get3A_1611, %get3A_1612] : memref<40x512x128xf32, #tpu.memory_space<vmem>>, vector<1x512x128xf32>
    %get3A_1614 = vector.shape_cast %get3A_1613 : vector<1x512x128xf32> to vector<512x128xf32>
    %get3A_1615 = arith.constant 16 : index
    %get3A_1616 = arith.constant 0 : index
    %get3A_1617 = arith.constant 0 : index
    %get3A_1618 = vector.load %arg8[%get3A_1615, %get3A_1616, %get3A_1617] : memref<40x512x128xi32, #tpu.memory_space<vmem>>, vector<1x512x128xi32>
    %get3A_1619 = vector.shape_cast %get3A_1618 : vector<1x512x128xi32> to vector<512x128xi32>
    %gt3A_1620 = arith.cmpf ogt, %select_n3A_1608, %get3A_1614 : vector<512x128xf32>
    %select_n3A_1621 = arith.select %gt3A_1620, %select_n3A_1608, %get3A_1614 : vector<512x128xi1>, vector<512x128xf32>
    %swap3A_1622 = arith.constant 16 : index
    %swap3A_1623 = arith.constant 0 : index
    %swap3A_1624 = arith.constant 0 : index
    %swap3A_1625 = vector.load %arg7[%swap3A_1622, %swap3A_1623, %swap3A_1624] : memref<40x512x128xf32, #tpu.memory_space<vmem>>, vector<1x512x128xf32>
    %swap3A_1626 = vector.shape_cast %swap3A_1625 : vector<1x512x128xf32> to vector<512x128xf32>
    %swap3A_1627 = vector.shape_cast %select_n3A_1621 : vector<512x128xf32> to vector<1x512x128xf32>
    tpu.vector_store %arg7[%swap3A_1622, %swap3A_1623, %swap3A_1624], %swap3A_1627 {strides = array<i32>} : memref<40x512x128xf32, #tpu.memory_space<vmem>>, vector<1x512x128xf32>,
    %select_n3A_1628 = arith.select %gt3A_1620, %select_n3A_1609, %get3A_1619 : vector<512x128xi1>, vector<512x128xi32>
    %swap3A_1629 = arith.constant 16 : index
    %swap3A_1630 = arith.constant 0 : index
    %swap3A_1631 = arith.constant 0 : index
    %swap3A_1632 = vector.load %arg8[%swap3A_1629, %swap3A_1630, %swap3A_1631] : memref<40x512x128xi32, #tpu.memory_space<vmem>>, vector<1x512x128xi32>
    %swap3A_1633 = vector.shape_cast %swap3A_1632 : vector<1x512x128xi32> to vector<512x128xi32>
    %swap3A_1634 = vector.shape_cast %select_n3A_1628 : vector<512x128xi32> to vector<1x512x128xi32>
    tpu.vector_store %arg8[%swap3A_1629, %swap3A_1630, %swap3A_1631], %swap3A_1634 {strides = array<i32>} : memref<40x512x128xi32, #tpu.memory_space<vmem>>, vector<1x512x128xi32>,
    %select_n3A_1635 = arith.select %gt3A_1620, %get3A_1614, %select_n3A_1608 : vector<512x128xi1>, vector<512x128xf32>
    %select_n3A_1636 = arith.select %gt3A_1620, %get3A_1619, %select_n3A_1609 : vector<512x128xi1>, vector<512x128xi32>
    %get3A_1637 = arith.constant 17 : index
    %get3A_1638 = arith.constant 0 : index
    %get3A_1639 = arith.constant 0 : index
    %get3A_1640 = vector.load %arg7[%get3A_1637, %get3A_1638, %get3A_1639] : memref<40x512x128xf32, #tpu.memory_space<vmem>>, vector<1x512x128xf32>
    %get3A_1641 = vector.shape_cast %get3A_1640 : vector<1x512x128xf32> to vector<512x128xf32>
    %get3A_1642 = arith.constant 17 : index
    %get3A_1643 = arith.constant 0 : index
    %get3A_1644 = arith.constant 0 : index
    %get3A_1645 = vector.load %arg8[%get3A_1642, %get3A_1643, %get3A_1644] : memref<40x512x128xi32, #tpu.memory_space<vmem>>, vector<1x512x128xi32>
    %get3A_1646 = vector.shape_cast %get3A_1645 : vector<1x512x128xi32> to vector<512x128xi32>
    %gt3A_1647 = arith.cmpf ogt, %select_n3A_1635, %get3A_1641 : vector<512x128xf32>
    %select_n3A_1648 = arith.select %gt3A_1647, %select_n3A_1635, %get3A_1641 : vector<512x128xi1>, vector<512x128xf32>
    %swap3A_1649 = arith.constant 17 : index
    %swap3A_1650 = arith.constant 0 : index
    %swap3A_1651 = arith.constant 0 : index
    %swap3A_1652 = vector.load %arg7[%swap3A_1649, %swap3A_1650, %swap3A_1651] : memref<40x512x128xf32, #tpu.memory_space<vmem>>, vector<1x512x128xf32>
    %swap3A_1653 = vector.shape_cast %swap3A_1652 : vector<1x512x128xf32> to vector<512x128xf32>
    %swap3A_1654 = vector.shape_cast %select_n3A_1648 : vector<512x128xf32> to vector<1x512x128xf32>
    tpu.vector_store %arg7[%swap3A_1649, %swap3A_1650, %swap3A_1651], %swap3A_1654 {strides = array<i32>} : memref<40x512x128xf32, #tpu.memory_space<vmem>>, vector<1x512x128xf32>,
    %select_n3A_1655 = arith.select %gt3A_1647, %select_n3A_1636, %get3A_1646 : vector<512x128xi1>, vector<512x128xi32>
    %swap3A_1656 = arith.constant 17 : index
    %swap3A_1657 = arith.constant 0 : index
    %swap3A_1658 = arith.constant 0 : index
    %swap3A_1659 = vector.load %arg8[%swap3A_1656, %swap3A_1657, %swap3A_1658] : memref<40x512x128xi32, #tpu.memory_space<vmem>>, vector<1x512x128xi32>
    %swap3A_1660 = vector.shape_cast %swap3A_1659 : vector<1x512x128xi32> to vector<512x128xi32>
    %swap3A_1661 = vector.shape_cast %select_n3A_1655 : vector<512x128xi32> to vector<1x512x128xi32>
    tpu.vector_store %arg8[%swap3A_1656, %swap3A_1657, %swap3A_1658], %swap3A_1661 {strides = array<i32>} : memref<40x512x128xi32, #tpu.memory_space<vmem>>, vector<1x512x128xi32>,
    %select_n3A_1662 = arith.select %gt3A_1647, %get3A_1641, %select_n3A_1635 : vector<512x128xi1>, vector<512x128xf32>
    %select_n3A_1663 = arith.select %gt3A_1647, %get3A_1646, %select_n3A_1636 : vector<512x128xi1>, vector<512x128xi32>
    %get3A_1664 = arith.constant 18 : index
    %get3A_1665 = arith.constant 0 : index
    %get3A_1666 = arith.constant 0 : index
    %get3A_1667 = vector.load %arg7[%get3A_1664, %get3A_1665, %get3A_1666] : memref<40x512x128xf32, #tpu.memory_space<vmem>>, vector<1x512x128xf32>
    %get3A_1668 = vector.shape_cast %get3A_1667 : vector<1x512x128xf32> to vector<512x128xf32>
    %get3A_1669 = arith.constant 18 : index
    %get3A_1670 = arith.constant 0 : index
    %get3A_1671 = arith.constant 0 : index
    %get3A_1672 = vector.load %arg8[%get3A_1669, %get3A_1670, %get3A_1671] : memref<40x512x128xi32, #tpu.memory_space<vmem>>, vector<1x512x128xi32>
    %get3A_1673 = vector.shape_cast %get3A_1672 : vector<1x512x128xi32> to vector<512x128xi32>
    %gt3A_1674 = arith.cmpf ogt, %select_n3A_1662, %get3A_1668 : vector<512x128xf32>
    %select_n3A_1675 = arith.select %gt3A_1674, %select_n3A_1662, %get3A_1668 : vector<512x128xi1>, vector<512x128xf32>
    %swap3A_1676 = arith.constant 18 : index
    %swap3A_1677 = arith.constant 0 : index
    %swap3A_1678 = arith.constant 0 : index
    %swap3A_1679 = vector.load %arg7[%swap3A_1676, %swap3A_1677, %swap3A_1678] : memref<40x512x128xf32, #tpu.memory_space<vmem>>, vector<1x512x128xf32>
    %swap3A_1680 = vector.shape_cast %swap3A_1679 : vector<1x512x128xf32> to vector<512x128xf32>
    %swap3A_1681 = vector.shape_cast %select_n3A_1675 : vector<512x128xf32> to vector<1x512x128xf32>
    tpu.vector_store %arg7[%swap3A_1676, %swap3A_1677, %swap3A_1678], %swap3A_1681 {strides = array<i32>} : memref<40x512x128xf32, #tpu.memory_space<vmem>>, vector<1x512x128xf32>,
    %select_n3A_1682 = arith.select %gt3A_1674, %select_n3A_1663, %get3A_1673 : vector<512x128xi1>, vector<512x128xi32>
    %swap3A_1683 = arith.constant 18 : index
    %swap3A_1684 = arith.constant 0 : index
    %swap3A_1685 = arith.constant 0 : index
    %swap3A_1686 = vector.load %arg8[%swap3A_1683, %swap3A_1684, %swap3A_1685] : memref<40x512x128xi32, #tpu.memory_space<vmem>>, vector<1x512x128xi32>
    %swap3A_1687 = vector.shape_cast %swap3A_1686 : vector<1x512x128xi32> to vector<512x128xi32>
    %swap3A_1688 = vector.shape_cast %select_n3A_1682 : vector<512x128xi32> to vector<1x512x128xi32>
    tpu.vector_store %arg8[%swap3A_1683, %swap3A_1684, %swap3A_1685], %swap3A_1688 {strides = array<i32>} : memref<40x512x128xi32, #tpu.memory_space<vmem>>, vector<1x512x128xi32>,
    %select_n3A_1689 = arith.select %gt3A_1674, %get3A_1668, %select_n3A_1662 : vector<512x128xi1>, vector<512x128xf32>
    %select_n3A_1690 = arith.select %gt3A_1674, %get3A_1673, %select_n3A_1663 : vector<512x128xi1>, vector<512x128xi32>
    %get3A_1691 = arith.constant 19 : index
    %get3A_1692 = arith.constant 0 : index
    %get3A_1693 = arith.constant 0 : index
    %get3A_1694 = vector.load %arg7[%get3A_1691, %get3A_1692, %get3A_1693] : memref<40x512x128xf32, #tpu.memory_space<vmem>>, vector<1x512x128xf32>
    %get3A_1695 = vector.shape_cast %get3A_1694 : vector<1x512x128xf32> to vector<512x128xf32>
    %get3A_1696 = arith.constant 19 : index
    %get3A_1697 = arith.constant 0 : index
    %get3A_1698 = arith.constant 0 : index
    %get3A_1699 = vector.load %arg8[%get3A_1696, %get3A_1697, %get3A_1698] : memref<40x512x128xi32, #tpu.memory_space<vmem>>, vector<1x512x128xi32>
    %get3A_1700 = vector.shape_cast %get3A_1699 : vector<1x512x128xi32> to vector<512x128xi32>
    %gt3A_1701 = arith.cmpf ogt, %select_n3A_1689, %get3A_1695 : vector<512x128xf32>
    %select_n3A_1702 = arith.select %gt3A_1701, %select_n3A_1689, %get3A_1695 : vector<512x128xi1>, vector<512x128xf32>
    %swap3A_1703 = arith.constant 19 : index
    %swap3A_1704 = arith.constant 0 : index
    %swap3A_1705 = arith.constant 0 : index
    %swap3A_1706 = vector.load %arg7[%swap3A_1703, %swap3A_1704, %swap3A_1705] : memref<40x512x128xf32, #tpu.memory_space<vmem>>, vector<1x512x128xf32>
    %swap3A_1707 = vector.shape_cast %swap3A_1706 : vector<1x512x128xf32> to vector<512x128xf32>
    %swap3A_1708 = vector.shape_cast %select_n3A_1702 : vector<512x128xf32> to vector<1x512x128xf32>
    tpu.vector_store %arg7[%swap3A_1703, %swap3A_1704, %swap3A_1705], %swap3A_1708 {strides = array<i32>} : memref<40x512x128xf32, #tpu.memory_space<vmem>>, vector<1x512x128xf32>,
    %select_n3A_1709 = arith.select %gt3A_1701, %select_n3A_1690, %get3A_1700 : vector<512x128xi1>, vector<512x128xi32>
    %swap3A_1710 = arith.constant 19 : index
    %swap3A_1711 = arith.constant 0 : index
    %swap3A_1712 = arith.constant 0 : index
    %swap3A_1713 = vector.load %arg8[%swap3A_1710, %swap3A_1711, %swap3A_1712] : memref<40x512x128xi32, #tpu.memory_space<vmem>>, vector<1x512x128xi32>
    %swap3A_1714 = vector.shape_cast %swap3A_1713 : vector<1x512x128xi32> to vector<512x128xi32>
    %swap3A_1715 = vector.shape_cast %select_n3A_1709 : vector<512x128xi32> to vector<1x512x128xi32>
    tpu.vector_store %arg8[%swap3A_1710, %swap3A_1711, %swap3A_1712], %swap3A_1715 {strides = array<i32>} : memref<40x512x128xi32, #tpu.memory_space<vmem>>, vector<1x512x128xi32>,
    %slice3A_1716 = vector.extract_strided_slice %select_n3A {offsets = [0, 1536], sizes = [512, 128], strides = [1, 1]} : vector<512x2048xf32> to vector<512x128xf32>
    %mul3A_1717 = arith.constant 2048 : i32
    %mul3A_1718 = arith.muli %arg2, %mul3A_1717 : i32
    %add3A_1719 = arith.constant 1536 : i32
    %add3A_1720 = arith.addi %mul3A_1718, %add3A_1719 : i32
    %iota3A_1721 = tpu.iota {dimensions = array<i32: 1>} : vector<512x128xi32>
    %add3A_1722 = vector.broadcast %add3A_1720 : i32 to vector<512x128xi32>
    %add3A_1723 = arith.addi %add3A_1722, %iota3A_1721 : vector<512x128xi32>
    %get3A_1724 = arith.constant 20 : index
    %get3A_1725 = arith.constant 0 : index
    %get3A_1726 = arith.constant 0 : index
    %get3A_1727 = vector.load %arg7[%get3A_1724, %get3A_1725, %get3A_1726] : memref<40x512x128xf32, #tpu.memory_space<vmem>>, vector<1x512x128xf32>
    %get3A_1728 = vector.shape_cast %get3A_1727 : vector<1x512x128xf32> to vector<512x128xf32>
    %get3A_1729 = arith.constant 20 : index
    %get3A_1730 = arith.constant 0 : index
    %get3A_1731 = arith.constant 0 : index
    %get3A_1732 = vector.load %arg8[%get3A_1729, %get3A_1730, %get3A_1731] : memref<40x512x128xi32, #tpu.memory_space<vmem>>, vector<1x512x128xi32>
    %get3A_1733 = vector.shape_cast %get3A_1732 : vector<1x512x128xi32> to vector<512x128xi32>
    %gt3A_1734 = arith.cmpf ogt, %slice3A_1716, %get3A_1728 : vector<512x128xf32>
    %select_n3A_1735 = arith.select %gt3A_1734, %slice3A_1716, %get3A_1728 : vector<512x128xi1>, vector<512x128xf32>
    %swap3A_1736 = arith.constant 20 : index
    %swap3A_1737 = arith.constant 0 : index
    %swap3A_1738 = arith.constant 0 : index
    %swap3A_1739 = vector.load %arg7[%swap3A_1736, %swap3A_1737, %swap3A_1738] : memref<40x512x128xf32, #tpu.memory_space<vmem>>, vector<1x512x128xf32>
    %swap3A_1740 = vector.shape_cast %swap3A_1739 : vector<1x512x128xf32> to vector<512x128xf32>
    %swap3A_1741 = vector.shape_cast %select_n3A_1735 : vector<512x128xf32> to vector<1x512x128xf32>
    tpu.vector_store %arg7[%swap3A_1736, %swap3A_1737, %swap3A_1738], %swap3A_1741 {strides = array<i32>} : memref<40x512x128xf32, #tpu.memory_space<vmem>>, vector<1x512x128xf32>,
    %select_n3A_1742 = arith.select %gt3A_1734, %add3A_1723, %get3A_1733 : vector<512x128xi1>, vector<512x128xi32>
    %swap3A_1743 = arith.constant 20 : index
    %swap3A_1744 = arith.constant 0 : index
    %swap3A_1745 = arith.constant 0 : index
    %swap3A_1746 = vector.load %arg8[%swap3A_1743, %swap3A_1744, %swap3A_1745] : memref<40x512x128xi32, #tpu.memory_space<vmem>>, vector<1x512x128xi32>
    %swap3A_1747 = vector.shape_cast %swap3A_1746 : vector<1x512x128xi32> to vector<512x128xi32>
    %swap3A_1748 = vector.shape_cast %select_n3A_1742 : vector<512x128xi32> to vector<1x512x128xi32>
    tpu.vector_store %arg8[%swap3A_1743, %swap3A_1744, %swap3A_1745], %swap3A_1748 {strides = array<i32>} : memref<40x512x128xi32, #tpu.memory_space<vmem>>, vector<1x512x128xi32>,
    %select_n3A_1749 = arith.select %gt3A_1734, %get3A_1728, %slice3A_1716 : vector<512x128xi1>, vector<512x128xf32>
    %select_n3A_1750 = arith.select %gt3A_1734, %get3A_1733, %add3A_1723 : vector<512x128xi1>, vector<512x128xi32>
    %get3A_1751 = arith.constant 21 : index
    %get3A_1752 = arith.constant 0 : index
    %get3A_1753 = arith.constant 0 : index
    %get3A_1754 = vector.load %arg7[%get3A_1751, %get3A_1752, %get3A_1753] : memref<40x512x128xf32, #tpu.memory_space<vmem>>, vector<1x512x128xf32>
    %get3A_1755 = vector.shape_cast %get3A_1754 : vector<1x512x128xf32> to vector<512x128xf32>
    %get3A_1756 = arith.constant 21 : index
    %get3A_1757 = arith.constant 0 : index
    %get3A_1758 = arith.constant 0 : index
    %get3A_1759 = vector.load %arg8[%get3A_1756, %get3A_1757, %get3A_1758] : memref<40x512x128xi32, #tpu.memory_space<vmem>>, vector<1x512x128xi32>
    %get3A_1760 = vector.shape_cast %get3A_1759 : vector<1x512x128xi32> to vector<512x128xi32>
    %gt3A_1761 = arith.cmpf ogt, %select_n3A_1749, %get3A_1755 : vector<512x128xf32>
    %select_n3A_1762 = arith.select %gt3A_1761, %select_n3A_1749, %get3A_1755 : vector<512x128xi1>, vector<512x128xf32>
    %swap3A_1763 = arith.constant 21 : index
    %swap3A_1764 = arith.constant 0 : index
    %swap3A_1765 = arith.constant 0 : index
    %swap3A_1766 = vector.load %arg7[%swap3A_1763, %swap3A_1764, %swap3A_1765] : memref<40x512x128xf32, #tpu.memory_space<vmem>>, vector<1x512x128xf32>
    %swap3A_1767 = vector.shape_cast %swap3A_1766 : vector<1x512x128xf32> to vector<512x128xf32>
    %swap3A_1768 = vector.shape_cast %select_n3A_1762 : vector<512x128xf32> to vector<1x512x128xf32>
    tpu.vector_store %arg7[%swap3A_1763, %swap3A_1764, %swap3A_1765], %swap3A_1768 {strides = array<i32>} : memref<40x512x128xf32, #tpu.memory_space<vmem>>, vector<1x512x128xf32>,
    %select_n3A_1769 = arith.select %gt3A_1761, %select_n3A_1750, %get3A_1760 : vector<512x128xi1>, vector<512x128xi32>
    %swap3A_1770 = arith.constant 21 : index
    %swap3A_1771 = arith.constant 0 : index
    %swap3A_1772 = arith.constant 0 : index
    %swap3A_1773 = vector.load %arg8[%swap3A_1770, %swap3A_1771, %swap3A_1772] : memref<40x512x128xi32, #tpu.memory_space<vmem>>, vector<1x512x128xi32>
    %swap3A_1774 = vector.shape_cast %swap3A_1773 : vector<1x512x128xi32> to vector<512x128xi32>
    %swap3A_1775 = vector.shape_cast %select_n3A_1769 : vector<512x128xi32> to vector<1x512x128xi32>
    tpu.vector_store %arg8[%swap3A_1770, %swap3A_1771, %swap3A_1772], %swap3A_1775 {strides = array<i32>} : memref<40x512x128xi32, #tpu.memory_space<vmem>>, vector<1x512x128xi32>,
    %select_n3A_1776 = arith.select %gt3A_1761, %get3A_1755, %select_n3A_1749 : vector<512x128xi1>, vector<512x128xf32>
    %select_n3A_1777 = arith.select %gt3A_1761, %get3A_1760, %select_n3A_1750 : vector<512x128xi1>, vector<512x128xi32>
    %get3A_1778 = arith.constant 22 : index
    %get3A_1779 = arith.constant 0 : index
    %get3A_1780 = arith.constant 0 : index
    %get3A_1781 = vector.load %arg7[%get3A_1778, %get3A_1779, %get3A_1780] : memref<40x512x128xf32, #tpu.memory_space<vmem>>, vector<1x512x128xf32>
    %get3A_1782 = vector.shape_cast %get3A_1781 : vector<1x512x128xf32> to vector<512x128xf32>
    %get3A_1783 = arith.constant 22 : index
    %get3A_1784 = arith.constant 0 : index
    %get3A_1785 = arith.constant 0 : index
    %get3A_1786 = vector.load %arg8[%get3A_1783, %get3A_1784, %get3A_1785] : memref<40x512x128xi32, #tpu.memory_space<vmem>>, vector<1x512x128xi32>
    %get3A_1787 = vector.shape_cast %get3A_1786 : vector<1x512x128xi32> to vector<512x128xi32>
    %gt3A_1788 = arith.cmpf ogt, %select_n3A_1776, %get3A_1782 : vector<512x128xf32>
    %select_n3A_1789 = arith.select %gt3A_1788, %select_n3A_1776, %get3A_1782 : vector<512x128xi1>, vector<512x128xf32>
    %swap3A_1790 = arith.constant 22 : index
    %swap3A_1791 = arith.constant 0 : index
    %swap3A_1792 = arith.constant 0 : index
    %swap3A_1793 = vector.load %arg7[%swap3A_1790, %swap3A_1791, %swap3A_1792] : memref<40x512x128xf32, #tpu.memory_space<vmem>>, vector<1x512x128xf32>
    %swap3A_1794 = vector.shape_cast %swap3A_1793 : vector<1x512x128xf32> to vector<512x128xf32>
    %swap3A_1795 = vector.shape_cast %select_n3A_1789 : vector<512x128xf32> to vector<1x512x128xf32>
    tpu.vector_store %arg7[%swap3A_1790, %swap3A_1791, %swap3A_1792], %swap3A_1795 {strides = array<i32>} : memref<40x512x128xf32, #tpu.memory_space<vmem>>, vector<1x512x128xf32>,
    %select_n3A_1796 = arith.select %gt3A_1788, %select_n3A_1777, %get3A_1787 : vector<512x128xi1>, vector<512x128xi32>
    %swap3A_1797 = arith.constant 22 : index
    %swap3A_1798 = arith.constant 0 : index
    %swap3A_1799 = arith.constant 0 : index
    %swap3A_1800 = vector.load %arg8[%swap3A_1797, %swap3A_1798, %swap3A_1799] : memref<40x512x128xi32, #tpu.memory_space<vmem>>, vector<1x512x128xi32>
    %swap3A_1801 = vector.shape_cast %swap3A_1800 : vector<1x512x128xi32> to vector<512x128xi32>
    %swap3A_1802 = vector.shape_cast %select_n3A_1796 : vector<512x128xi32> to vector<1x512x128xi32>
    tpu.vector_store %arg8[%swap3A_1797, %swap3A_1798, %swap3A_1799], %swap3A_1802 {strides = array<i32>} : memref<40x512x128xi32, #tpu.memory_space<vmem>>, vector<1x512x128xi32>,
    %select_n3A_1803 = arith.select %gt3A_1788, %get3A_1782, %select_n3A_1776 : vector<512x128xi1>, vector<512x128xf32>
    %select_n3A_1804 = arith.select %gt3A_1788, %get3A_1787, %select_n3A_1777 : vector<512x128xi1>, vector<512x128xi32>
    %get3A_1805 = arith.constant 23 : index
    %get3A_1806 = arith.constant 0 : index
    %get3A_1807 = arith.constant 0 : index
    %get3A_1808 = vector.load %arg7[%get3A_1805, %get3A_1806, %get3A_1807] : memref<40x512x128xf32, #tpu.memory_space<vmem>>, vector<1x512x128xf32>
    %get3A_1809 = vector.shape_cast %get3A_1808 : vector<1x512x128xf32> to vector<512x128xf32>
    %get3A_1810 = arith.constant 23 : index
    %get3A_1811 = arith.constant 0 : index
    %get3A_1812 = arith.constant 0 : index
    %get3A_1813 = vector.load %arg8[%get3A_1810, %get3A_1811, %get3A_1812] : memref<40x512x128xi32, #tpu.memory_space<vmem>>, vector<1x512x128xi32>
    %get3A_1814 = vector.shape_cast %get3A_1813 : vector<1x512x128xi32> to vector<512x128xi32>
    %gt3A_1815 = arith.cmpf ogt, %select_n3A_1803, %get3A_1809 : vector<512x128xf32>
    %select_n3A_1816 = arith.select %gt3A_1815, %select_n3A_1803, %get3A_1809 : vector<512x128xi1>, vector<512x128xf32>
    %swap3A_1817 = arith.constant 23 : index
    %swap3A_1818 = arith.constant 0 : index
    %swap3A_1819 = arith.constant 0 : index
    %swap3A_1820 = vector.load %arg7[%swap3A_1817, %swap3A_1818, %swap3A_1819] : memref<40x512x128xf32, #tpu.memory_space<vmem>>, vector<1x512x128xf32>
    %swap3A_1821 = vector.shape_cast %swap3A_1820 : vector<1x512x128xf32> to vector<512x128xf32>
    %swap3A_1822 = vector.shape_cast %select_n3A_1816 : vector<512x128xf32> to vector<1x512x128xf32>
    tpu.vector_store %arg7[%swap3A_1817, %swap3A_1818, %swap3A_1819], %swap3A_1822 {strides = array<i32>} : memref<40x512x128xf32, #tpu.memory_space<vmem>>, vector<1x512x128xf32>,
    %select_n3A_1823 = arith.select %gt3A_1815, %select_n3A_1804, %get3A_1814 : vector<512x128xi1>, vector<512x128xi32>
    %swap3A_1824 = arith.constant 23 : index
    %swap3A_1825 = arith.constant 0 : index
    %swap3A_1826 = arith.constant 0 : index
    %swap3A_1827 = vector.load %arg8[%swap3A_1824, %swap3A_1825, %swap3A_1826] : memref<40x512x128xi32, #tpu.memory_space<vmem>>, vector<1x512x128xi32>
    %swap3A_1828 = vector.shape_cast %swap3A_1827 : vector<1x512x128xi32> to vector<512x128xi32>
    %swap3A_1829 = vector.shape_cast %select_n3A_1823 : vector<512x128xi32> to vector<1x512x128xi32>
    tpu.vector_store %arg8[%swap3A_1824, %swap3A_1825, %swap3A_1826], %swap3A_1829 {strides = array<i32>} : memref<40x512x128xi32, #tpu.memory_space<vmem>>, vector<1x512x128xi32>,
    %select_n3A_1830 = arith.select %gt3A_1815, %get3A_1809, %select_n3A_1803 : vector<512x128xi1>, vector<512x128xf32>
    %select_n3A_1831 = arith.select %gt3A_1815, %get3A_1814, %select_n3A_1804 : vector<512x128xi1>, vector<512x128xi32>
    %get3A_1832 = arith.constant 24 : index
    %get3A_1833 = arith.constant 0 : index
    %get3A_1834 = arith.constant 0 : index
    %get3A_1835 = vector.load %arg7[%get3A_1832, %get3A_1833, %get3A_1834] : memref<40x512x128xf32, #tpu.memory_space<vmem>>, vector<1x512x128xf32>
    %get3A_1836 = vector.shape_cast %get3A_1835 : vector<1x512x128xf32> to vector<512x128xf32>
    %get3A_1837 = arith.constant 24 : index
    %get3A_1838 = arith.constant 0 : index
    %get3A_1839 = arith.constant 0 : index
    %get3A_1840 = vector.load %arg8[%get3A_1837, %get3A_1838, %get3A_1839] : memref<40x512x128xi32, #tpu.memory_space<vmem>>, vector<1x512x128xi32>
    %get3A_1841 = vector.shape_cast %get3A_1840 : vector<1x512x128xi32> to vector<512x128xi32>
    %gt3A_1842 = arith.cmpf ogt, %select_n3A_1830, %get3A_1836 : vector<512x128xf32>
    %select_n3A_1843 = arith.select %gt3A_1842, %select_n3A_1830, %get3A_1836 : vector<512x128xi1>, vector<512x128xf32>
    %swap3A_1844 = arith.constant 24 : index
    %swap3A_1845 = arith.constant 0 : index
    %swap3A_1846 = arith.constant 0 : index
    %swap3A_1847 = vector.load %arg7[%swap3A_1844, %swap3A_1845, %swap3A_1846] : memref<40x512x128xf32, #tpu.memory_space<vmem>>, vector<1x512x128xf32>
    %swap3A_1848 = vector.shape_cast %swap3A_1847 : vector<1x512x128xf32> to vector<512x128xf32>
    %swap3A_1849 = vector.shape_cast %select_n3A_1843 : vector<512x128xf32> to vector<1x512x128xf32>
    tpu.vector_store %arg7[%swap3A_1844, %swap3A_1845, %swap3A_1846], %swap3A_1849 {strides = array<i32>} : memref<40x512x128xf32, #tpu.memory_space<vmem>>, vector<1x512x128xf32>,
    %select_n3A_1850 = arith.select %gt3A_1842, %select_n3A_1831, %get3A_1841 : vector<512x128xi1>, vector<512x128xi32>
    %swap3A_1851 = arith.constant 24 : index
    %swap3A_1852 = arith.constant 0 : index
    %swap3A_1853 = arith.constant 0 : index
    %swap3A_1854 = vector.load %arg8[%swap3A_1851, %swap3A_1852, %swap3A_1853] : memref<40x512x128xi32, #tpu.memory_space<vmem>>, vector<1x512x128xi32>
    %swap3A_1855 = vector.shape_cast %swap3A_1854 : vector<1x512x128xi32> to vector<512x128xi32>
    %swap3A_1856 = vector.shape_cast %select_n3A_1850 : vector<512x128xi32> to vector<1x512x128xi32>
    tpu.vector_store %arg8[%swap3A_1851, %swap3A_1852, %swap3A_1853], %swap3A_1856 {strides = array<i32>} : memref<40x512x128xi32, #tpu.memory_space<vmem>>, vector<1x512x128xi32>,
    %slice3A_1857 = vector.extract_strided_slice %select_n3A {offsets = [0, 1664], sizes = [512, 128], strides = [1, 1]} : vector<512x2048xf32> to vector<512x128xf32>
    %mul3A_1858 = arith.constant 2048 : i32
    %mul3A_1859 = arith.muli %arg2, %mul3A_1858 : i32
    %add3A_1860 = arith.constant 1664 : i32
    %add3A_1861 = arith.addi %mul3A_1859, %add3A_1860 : i32
    %iota3A_1862 = tpu.iota {dimensions = array<i32: 1>} : vector<512x128xi32>
    %add3A_1863 = vector.broadcast %add3A_1861 : i32 to vector<512x128xi32>
    %add3A_1864 = arith.addi %add3A_1863, %iota3A_1862 : vector<512x128xi32>
    %get3A_1865 = arith.constant 25 : index
    %get3A_1866 = arith.constant 0 : index
    %get3A_1867 = arith.constant 0 : index
    %get3A_1868 = vector.load %arg7[%get3A_1865, %get3A_1866, %get3A_1867] : memref<40x512x128xf32, #tpu.memory_space<vmem>>, vector<1x512x128xf32>
    %get3A_1869 = vector.shape_cast %get3A_1868 : vector<1x512x128xf32> to vector<512x128xf32>
    %get3A_1870 = arith.constant 25 : index
    %get3A_1871 = arith.constant 0 : index
    %get3A_1872 = arith.constant 0 : index
    %get3A_1873 = vector.load %arg8[%get3A_1870, %get3A_1871, %get3A_1872] : memref<40x512x128xi32, #tpu.memory_space<vmem>>, vector<1x512x128xi32>
    %get3A_1874 = vector.shape_cast %get3A_1873 : vector<1x512x128xi32> to vector<512x128xi32>
    %gt3A_1875 = arith.cmpf ogt, %slice3A_1857, %get3A_1869 : vector<512x128xf32>
    %select_n3A_1876 = arith.select %gt3A_1875, %slice3A_1857, %get3A_1869 : vector<512x128xi1>, vector<512x128xf32>
    %swap3A_1877 = arith.constant 25 : index
    %swap3A_1878 = arith.constant 0 : index
    %swap3A_1879 = arith.constant 0 : index
    %swap3A_1880 = vector.load %arg7[%swap3A_1877, %swap3A_1878, %swap3A_1879] : memref<40x512x128xf32, #tpu.memory_space<vmem>>, vector<1x512x128xf32>
    %swap3A_1881 = vector.shape_cast %swap3A_1880 : vector<1x512x128xf32> to vector<512x128xf32>
    %swap3A_1882 = vector.shape_cast %select_n3A_1876 : vector<512x128xf32> to vector<1x512x128xf32>
    tpu.vector_store %arg7[%swap3A_1877, %swap3A_1878, %swap3A_1879], %swap3A_1882 {strides = array<i32>} : memref<40x512x128xf32, #tpu.memory_space<vmem>>, vector<1x512x128xf32>,
    %select_n3A_1883 = arith.select %gt3A_1875, %add3A_1864, %get3A_1874 : vector<512x128xi1>, vector<512x128xi32>
    %swap3A_1884 = arith.constant 25 : index
    %swap3A_1885 = arith.constant 0 : index
    %swap3A_1886 = arith.constant 0 : index
    %swap3A_1887 = vector.load %arg8[%swap3A_1884, %swap3A_1885, %swap3A_1886] : memref<40x512x128xi32, #tpu.memory_space<vmem>>, vector<1x512x128xi32>
    %swap3A_1888 = vector.shape_cast %swap3A_1887 : vector<1x512x128xi32> to vector<512x128xi32>
    %swap3A_1889 = vector.shape_cast %select_n3A_1883 : vector<512x128xi32> to vector<1x512x128xi32>
    tpu.vector_store %arg8[%swap3A_1884, %swap3A_1885, %swap3A_1886], %swap3A_1889 {strides = array<i32>} : memref<40x512x128xi32, #tpu.memory_space<vmem>>, vector<1x512x128xi32>,
    %select_n3A_1890 = arith.select %gt3A_1875, %get3A_1869, %slice3A_1857 : vector<512x128xi1>, vector<512x128xf32>
    %select_n3A_1891 = arith.select %gt3A_1875, %get3A_1874, %add3A_1864 : vector<512x128xi1>, vector<512x128xi32>
    %get3A_1892 = arith.constant 26 : index
    %get3A_1893 = arith.constant 0 : index
    %get3A_1894 = arith.constant 0 : index
    %get3A_1895 = vector.load %arg7[%get3A_1892, %get3A_1893, %get3A_1894] : memref<40x512x128xf32, #tpu.memory_space<vmem>>, vector<1x512x128xf32>
    %get3A_1896 = vector.shape_cast %get3A_1895 : vector<1x512x128xf32> to vector<512x128xf32>
    %get3A_1897 = arith.constant 26 : index
    %get3A_1898 = arith.constant 0 : index
    %get3A_1899 = arith.constant 0 : index
    %get3A_1900 = vector.load %arg8[%get3A_1897, %get3A_1898, %get3A_1899] : memref<40x512x128xi32, #tpu.memory_space<vmem>>, vector<1x512x128xi32>
    %get3A_1901 = vector.shape_cast %get3A_1900 : vector<1x512x128xi32> to vector<512x128xi32>
    %gt3A_1902 = arith.cmpf ogt, %select_n3A_1890, %get3A_1896 : vector<512x128xf32>
    %select_n3A_1903 = arith.select %gt3A_1902, %select_n3A_1890, %get3A_1896 : vector<512x128xi1>, vector<512x128xf32>
    %swap3A_1904 = arith.constant 26 : index
    %swap3A_1905 = arith.constant 0 : index
    %swap3A_1906 = arith.constant 0 : index
    %swap3A_1907 = vector.load %arg7[%swap3A_1904, %swap3A_1905, %swap3A_1906] : memref<40x512x128xf32, #tpu.memory_space<vmem>>, vector<1x512x128xf32>
    %swap3A_1908 = vector.shape_cast %swap3A_1907 : vector<1x512x128xf32> to vector<512x128xf32>
    %swap3A_1909 = vector.shape_cast %select_n3A_1903 : vector<512x128xf32> to vector<1x512x128xf32>
    tpu.vector_store %arg7[%swap3A_1904, %swap3A_1905, %swap3A_1906], %swap3A_1909 {strides = array<i32>} : memref<40x512x128xf32, #tpu.memory_space<vmem>>, vector<1x512x128xf32>,
    %select_n3A_1910 = arith.select %gt3A_1902, %select_n3A_1891, %get3A_1901 : vector<512x128xi1>, vector<512x128xi32>
    %swap3A_1911 = arith.constant 26 : index
    %swap3A_1912 = arith.constant 0 : index
    %swap3A_1913 = arith.constant 0 : index
    %swap3A_1914 = vector.load %arg8[%swap3A_1911, %swap3A_1912, %swap3A_1913] : memref<40x512x128xi32, #tpu.memory_space<vmem>>, vector<1x512x128xi32>
    %swap3A_1915 = vector.shape_cast %swap3A_1914 : vector<1x512x128xi32> to vector<512x128xi32>
    %swap3A_1916 = vector.shape_cast %select_n3A_1910 : vector<512x128xi32> to vector<1x512x128xi32>
    tpu.vector_store %arg8[%swap3A_1911, %swap3A_1912, %swap3A_1913], %swap3A_1916 {strides = array<i32>} : memref<40x512x128xi32, #tpu.memory_space<vmem>>, vector<1x512x128xi32>,
    %select_n3A_1917 = arith.select %gt3A_1902, %get3A_1896, %select_n3A_1890 : vector<512x128xi1>, vector<512x128xf32>
    %select_n3A_1918 = arith.select %gt3A_1902, %get3A_1901, %select_n3A_1891 : vector<512x128xi1>, vector<512x128xi32>
    %get3A_1919 = arith.constant 27 : index
    %get3A_1920 = arith.constant 0 : index
    %get3A_1921 = arith.constant 0 : index
    %get3A_1922 = vector.load %arg7[%get3A_1919, %get3A_1920, %get3A_1921] : memref<40x512x128xf32, #tpu.memory_space<vmem>>, vector<1x512x128xf32>
    %get3A_1923 = vector.shape_cast %get3A_1922 : vector<1x512x128xf32> to vector<512x128xf32>
    %get3A_1924 = arith.constant 27 : index
    %get3A_1925 = arith.constant 0 : index
    %get3A_1926 = arith.constant 0 : index
    %get3A_1927 = vector.load %arg8[%get3A_1924, %get3A_1925, %get3A_1926] : memref<40x512x128xi32, #tpu.memory_space<vmem>>, vector<1x512x128xi32>
    %get3A_1928 = vector.shape_cast %get3A_1927 : vector<1x512x128xi32> to vector<512x128xi32>
    %gt3A_1929 = arith.cmpf ogt, %select_n3A_1917, %get3A_1923 : vector<512x128xf32>
    %select_n3A_1930 = arith.select %gt3A_1929, %select_n3A_1917, %get3A_1923 : vector<512x128xi1>, vector<512x128xf32>
    %swap3A_1931 = arith.constant 27 : index
    %swap3A_1932 = arith.constant 0 : index
    %swap3A_1933 = arith.constant 0 : index
    %swap3A_1934 = vector.load %arg7[%swap3A_1931, %swap3A_1932, %swap3A_1933] : memref<40x512x128xf32, #tpu.memory_space<vmem>>, vector<1x512x128xf32>
    %swap3A_1935 = vector.shape_cast %swap3A_1934 : vector<1x512x128xf32> to vector<512x128xf32>
    %swap3A_1936 = vector.shape_cast %select_n3A_1930 : vector<512x128xf32> to vector<1x512x128xf32>
    tpu.vector_store %arg7[%swap3A_1931, %swap3A_1932, %swap3A_1933], %swap3A_1936 {strides = array<i32>} : memref<40x512x128xf32, #tpu.memory_space<vmem>>, vector<1x512x128xf32>,
    %select_n3A_1937 = arith.select %gt3A_1929, %select_n3A_1918, %get3A_1928 : vector<512x128xi1>, vector<512x128xi32>
    %swap3A_1938 = arith.constant 27 : index
    %swap3A_1939 = arith.constant 0 : index
    %swap3A_1940 = arith.constant 0 : index
    %swap3A_1941 = vector.load %arg8[%swap3A_1938, %swap3A_1939, %swap3A_1940] : memref<40x512x128xi32, #tpu.memory_space<vmem>>, vector<1x512x128xi32>
    %swap3A_1942 = vector.shape_cast %swap3A_1941 : vector<1x512x128xi32> to vector<512x128xi32>
    %swap3A_1943 = vector.shape_cast %select_n3A_1937 : vector<512x128xi32> to vector<1x512x128xi32>
    tpu.vector_store %arg8[%swap3A_1938, %swap3A_1939, %swap3A_1940], %swap3A_1943 {strides = array<i32>} : memref<40x512x128xi32, #tpu.memory_space<vmem>>, vector<1x512x128xi32>,
    %select_n3A_1944 = arith.select %gt3A_1929, %get3A_1923, %select_n3A_1917 : vector<512x128xi1>, vector<512x128xf32>
    %select_n3A_1945 = arith.select %gt3A_1929, %get3A_1928, %select_n3A_1918 : vector<512x128xi1>, vector<512x128xi32>
    %get3A_1946 = arith.constant 28 : index
    %get3A_1947 = arith.constant 0 : index
    %get3A_1948 = arith.constant 0 : index
    %get3A_1949 = vector.load %arg7[%get3A_1946, %get3A_1947, %get3A_1948] : memref<40x512x128xf32, #tpu.memory_space<vmem>>, vector<1x512x128xf32>
    %get3A_1950 = vector.shape_cast %get3A_1949 : vector<1x512x128xf32> to vector<512x128xf32>
    %get3A_1951 = arith.constant 28 : index
    %get3A_1952 = arith.constant 0 : index
    %get3A_1953 = arith.constant 0 : index
    %get3A_1954 = vector.load %arg8[%get3A_1951, %get3A_1952, %get3A_1953] : memref<40x512x128xi32, #tpu.memory_space<vmem>>, vector<1x512x128xi32>
    %get3A_1955 = vector.shape_cast %get3A_1954 : vector<1x512x128xi32> to vector<512x128xi32>
    %gt3A_1956 = arith.cmpf ogt, %select_n3A_1944, %get3A_1950 : vector<512x128xf32>
    %select_n3A_1957 = arith.select %gt3A_1956, %select_n3A_1944, %get3A_1950 : vector<512x128xi1>, vector<512x128xf32>
    %swap3A_1958 = arith.constant 28 : index
    %swap3A_1959 = arith.constant 0 : index
    %swap3A_1960 = arith.constant 0 : index
    %swap3A_1961 = vector.load %arg7[%swap3A_1958, %swap3A_1959, %swap3A_1960] : memref<40x512x128xf32, #tpu.memory_space<vmem>>, vector<1x512x128xf32>
    %swap3A_1962 = vector.shape_cast %swap3A_1961 : vector<1x512x128xf32> to vector<512x128xf32>
    %swap3A_1963 = vector.shape_cast %select_n3A_1957 : vector<512x128xf32> to vector<1x512x128xf32>
    tpu.vector_store %arg7[%swap3A_1958, %swap3A_1959, %swap3A_1960], %swap3A_1963 {strides = array<i32>} : memref<40x512x128xf32, #tpu.memory_space<vmem>>, vector<1x512x128xf32>,
    %select_n3A_1964 = arith.select %gt3A_1956, %select_n3A_1945, %get3A_1955 : vector<512x128xi1>, vector<512x128xi32>
    %swap3A_1965 = arith.constant 28 : index
    %swap3A_1966 = arith.constant 0 : index
    %swap3A_1967 = arith.constant 0 : index
    %swap3A_1968 = vector.load %arg8[%swap3A_1965, %swap3A_1966, %swap3A_1967] : memref<40x512x128xi32, #tpu.memory_space<vmem>>, vector<1x512x128xi32>
    %swap3A_1969 = vector.shape_cast %swap3A_1968 : vector<1x512x128xi32> to vector<512x128xi32>
    %swap3A_1970 = vector.shape_cast %select_n3A_1964 : vector<512x128xi32> to vector<1x512x128xi32>
    tpu.vector_store %arg8[%swap3A_1965, %swap3A_1966, %swap3A_1967], %swap3A_1970 {strides = array<i32>} : memref<40x512x128xi32, #tpu.memory_space<vmem>>, vector<1x512x128xi32>,
    %select_n3A_1971 = arith.select %gt3A_1956, %get3A_1950, %select_n3A_1944 : vector<512x128xi1>, vector<512x128xf32>
    %select_n3A_1972 = arith.select %gt3A_1956, %get3A_1955, %select_n3A_1945 : vector<512x128xi1>, vector<512x128xi32>
    %get3A_1973 = arith.constant 29 : index
    %get3A_1974 = arith.constant 0 : index
    %get3A_1975 = arith.constant 0 : index
    %get3A_1976 = vector.load %arg7[%get3A_1973, %get3A_1974, %get3A_1975] : memref<40x512x128xf32, #tpu.memory_space<vmem>>, vector<1x512x128xf32>
    %get3A_1977 = vector.shape_cast %get3A_1976 : vector<1x512x128xf32> to vector<512x128xf32>
    %get3A_1978 = arith.constant 29 : index
    %get3A_1979 = arith.constant 0 : index
    %get3A_1980 = arith.constant 0 : index
    %get3A_1981 = vector.load %arg8[%get3A_1978, %get3A_1979, %get3A_1980] : memref<40x512x128xi32, #tpu.memory_space<vmem>>, vector<1x512x128xi32>
    %get3A_1982 = vector.shape_cast %get3A_1981 : vector<1x512x128xi32> to vector<512x128xi32>
    %gt3A_1983 = arith.cmpf ogt, %select_n3A_1971, %get3A_1977 : vector<512x128xf32>
    %select_n3A_1984 = arith.select %gt3A_1983, %select_n3A_1971, %get3A_1977 : vector<512x128xi1>, vector<512x128xf32>
    %swap3A_1985 = arith.constant 29 : index
    %swap3A_1986 = arith.constant 0 : index
    %swap3A_1987 = arith.constant 0 : index
    %swap3A_1988 = vector.load %arg7[%swap3A_1985, %swap3A_1986, %swap3A_1987] : memref<40x512x128xf32, #tpu.memory_space<vmem>>, vector<1x512x128xf32>
    %swap3A_1989 = vector.shape_cast %swap3A_1988 : vector<1x512x128xf32> to vector<512x128xf32>
    %swap3A_1990 = vector.shape_cast %select_n3A_1984 : vector<512x128xf32> to vector<1x512x128xf32>
    tpu.vector_store %arg7[%swap3A_1985, %swap3A_1986, %swap3A_1987], %swap3A_1990 {strides = array<i32>} : memref<40x512x128xf32, #tpu.memory_space<vmem>>, vector<1x512x128xf32>,
    %select_n3A_1991 = arith.select %gt3A_1983, %select_n3A_1972, %get3A_1982 : vector<512x128xi1>, vector<512x128xi32>
    %swap3A_1992 = arith.constant 29 : index
    %swap3A_1993 = arith.constant 0 : index
    %swap3A_1994 = arith.constant 0 : index
    %swap3A_1995 = vector.load %arg8[%swap3A_1992, %swap3A_1993, %swap3A_1994] : memref<40x512x128xi32, #tpu.memory_space<vmem>>, vector<1x512x128xi32>
    %swap3A_1996 = vector.shape_cast %swap3A_1995 : vector<1x512x128xi32> to vector<512x128xi32>
    %swap3A_1997 = vector.shape_cast %select_n3A_1991 : vector<512x128xi32> to vector<1x512x128xi32>
    tpu.vector_store %arg8[%swap3A_1992, %swap3A_1993, %swap3A_1994], %swap3A_1997 {strides = array<i32>} : memref<40x512x128xi32, #tpu.memory_space<vmem>>, vector<1x512x128xi32>,
    %slice3A_1998 = vector.extract_strided_slice %select_n3A {offsets = [0, 1792], sizes = [512, 128], strides = [1, 1]} : vector<512x2048xf32> to vector<512x128xf32>
    %mul3A_1999 = arith.constant 2048 : i32
    %mul3A_2000 = arith.muli %arg2, %mul3A_1999 : i32
    %add3A_2001 = arith.constant 1792 : i32
    %add3A_2002 = arith.addi %mul3A_2000, %add3A_2001 : i32
    %iota3A_2003 = tpu.iota {dimensions = array<i32: 1>} : vector<512x128xi32>
    %add3A_2004 = vector.broadcast %add3A_2002 : i32 to vector<512x128xi32>
    %add3A_2005 = arith.addi %add3A_2004, %iota3A_2003 : vector<512x128xi32>
    %get3A_2006 = arith.constant 30 : index
    %get3A_2007 = arith.constant 0 : index
    %get3A_2008 = arith.constant 0 : index
    %get3A_2009 = vector.load %arg7[%get3A_2006, %get3A_2007, %get3A_2008] : memref<40x512x128xf32, #tpu.memory_space<vmem>>, vector<1x512x128xf32>
    %get3A_2010 = vector.shape_cast %get3A_2009 : vector<1x512x128xf32> to vector<512x128xf32>
    %get3A_2011 = arith.constant 30 : index
    %get3A_2012 = arith.constant 0 : index
    %get3A_2013 = arith.constant 0 : index
    %get3A_2014 = vector.load %arg8[%get3A_2011, %get3A_2012, %get3A_2013] : memref<40x512x128xi32, #tpu.memory_space<vmem>>, vector<1x512x128xi32>
    %get3A_2015 = vector.shape_cast %get3A_2014 : vector<1x512x128xi32> to vector<512x128xi32>
    %gt3A_2016 = arith.cmpf ogt, %slice3A_1998, %get3A_2010 : vector<512x128xf32>
    %select_n3A_2017 = arith.select %gt3A_2016, %slice3A_1998, %get3A_2010 : vector<512x128xi1>, vector<512x128xf32>
    %swap3A_2018 = arith.constant 30 : index
    %swap3A_2019 = arith.constant 0 : index
    %swap3A_2020 = arith.constant 0 : index
    %swap3A_2021 = vector.load %arg7[%swap3A_2018, %swap3A_2019, %swap3A_2020] : memref<40x512x128xf32, #tpu.memory_space<vmem>>, vector<1x512x128xf32>
    %swap3A_2022 = vector.shape_cast %swap3A_2021 : vector<1x512x128xf32> to vector<512x128xf32>
    %swap3A_2023 = vector.shape_cast %select_n3A_2017 : vector<512x128xf32> to vector<1x512x128xf32>
    tpu.vector_store %arg7[%swap3A_2018, %swap3A_2019, %swap3A_2020], %swap3A_2023 {strides = array<i32>} : memref<40x512x128xf32, #tpu.memory_space<vmem>>, vector<1x512x128xf32>,
    %select_n3A_2024 = arith.select %gt3A_2016, %add3A_2005, %get3A_2015 : vector<512x128xi1>, vector<512x128xi32>
    %swap3A_2025 = arith.constant 30 : index
    %swap3A_2026 = arith.constant 0 : index
    %swap3A_2027 = arith.constant 0 : index
    %swap3A_2028 = vector.load %arg8[%swap3A_2025, %swap3A_2026, %swap3A_2027] : memref<40x512x128xi32, #tpu.memory_space<vmem>>, vector<1x512x128xi32>
    %swap3A_2029 = vector.shape_cast %swap3A_2028 : vector<1x512x128xi32> to vector<512x128xi32>
    %swap3A_2030 = vector.shape_cast %select_n3A_2024 : vector<512x128xi32> to vector<1x512x128xi32>
    tpu.vector_store %arg8[%swap3A_2025, %swap3A_2026, %swap3A_2027], %swap3A_2030 {strides = array<i32>} : memref<40x512x128xi32, #tpu.memory_space<vmem>>, vector<1x512x128xi32>,
    %select_n3A_2031 = arith.select %gt3A_2016, %get3A_2010, %slice3A_1998 : vector<512x128xi1>, vector<512x128xf32>
    %select_n3A_2032 = arith.select %gt3A_2016, %get3A_2015, %add3A_2005 : vector<512x128xi1>, vector<512x128xi32>
    %get3A_2033 = arith.constant 31 : index
    %get3A_2034 = arith.constant 0 : index
    %get3A_2035 = arith.constant 0 : index
    %get3A_2036 = vector.load %arg7[%get3A_2033, %get3A_2034, %get3A_2035] : memref<40x512x128xf32, #tpu.memory_space<vmem>>, vector<1x512x128xf32>
    %get3A_2037 = vector.shape_cast %get3A_2036 : vector<1x512x128xf32> to vector<512x128xf32>
    %get3A_2038 = arith.constant 31 : index
    %get3A_2039 = arith.constant 0 : index
    %get3A_2040 = arith.constant 0 : index
    %get3A_2041 = vector.load %arg8[%get3A_2038, %get3A_2039, %get3A_2040] : memref<40x512x128xi32, #tpu.memory_space<vmem>>, vector<1x512x128xi32>
    %get3A_2042 = vector.shape_cast %get3A_2041 : vector<1x512x128xi32> to vector<512x128xi32>
    %gt3A_2043 = arith.cmpf ogt, %select_n3A_2031, %get3A_2037 : vector<512x128xf32>
    %select_n3A_2044 = arith.select %gt3A_2043, %select_n3A_2031, %get3A_2037 : vector<512x128xi1>, vector<512x128xf32>
    %swap3A_2045 = arith.constant 31 : index
    %swap3A_2046 = arith.constant 0 : index
    %swap3A_2047 = arith.constant 0 : index
    %swap3A_2048 = vector.load %arg7[%swap3A_2045, %swap3A_2046, %swap3A_2047] : memref<40x512x128xf32, #tpu.memory_space<vmem>>, vector<1x512x128xf32>
    %swap3A_2049 = vector.shape_cast %swap3A_2048 : vector<1x512x128xf32> to vector<512x128xf32>
    %swap3A_2050 = vector.shape_cast %select_n3A_2044 : vector<512x128xf32> to vector<1x512x128xf32>
    tpu.vector_store %arg7[%swap3A_2045, %swap3A_2046, %swap3A_2047], %swap3A_2050 {strides = array<i32>} : memref<40x512x128xf32, #tpu.memory_space<vmem>>, vector<1x512x128xf32>,
    %select_n3A_2051 = arith.select %gt3A_2043, %select_n3A_2032, %get3A_2042 : vector<512x128xi1>, vector<512x128xi32>
    %swap3A_2052 = arith.constant 31 : index
    %swap3A_2053 = arith.constant 0 : index
    %swap3A_2054 = arith.constant 0 : index
    %swap3A_2055 = vector.load %arg8[%swap3A_2052, %swap3A_2053, %swap3A_2054] : memref<40x512x128xi32, #tpu.memory_space<vmem>>, vector<1x512x128xi32>
    %swap3A_2056 = vector.shape_cast %swap3A_2055 : vector<1x512x128xi32> to vector<512x128xi32>
    %swap3A_2057 = vector.shape_cast %select_n3A_2051 : vector<512x128xi32> to vector<1x512x128xi32>
    tpu.vector_store %arg8[%swap3A_2052, %swap3A_2053, %swap3A_2054], %swap3A_2057 {strides = array<i32>} : memref<40x512x128xi32, #tpu.memory_space<vmem>>, vector<1x512x128xi32>,
    %select_n3A_2058 = arith.select %gt3A_2043, %get3A_2037, %select_n3A_2031 : vector<512x128xi1>, vector<512x128xf32>
    %select_n3A_2059 = arith.select %gt3A_2043, %get3A_2042, %select_n3A_2032 : vector<512x128xi1>, vector<512x128xi32>
    %get3A_2060 = arith.constant 32 : index
    %get3A_2061 = arith.constant 0 : index
    %get3A_2062 = arith.constant 0 : index
    %get3A_2063 = vector.load %arg7[%get3A_2060, %get3A_2061, %get3A_2062] : memref<40x512x128xf32, #tpu.memory_space<vmem>>, vector<1x512x128xf32>
    %get3A_2064 = vector.shape_cast %get3A_2063 : vector<1x512x128xf32> to vector<512x128xf32>
    %get3A_2065 = arith.constant 32 : index
    %get3A_2066 = arith.constant 0 : index
    %get3A_2067 = arith.constant 0 : index
    %get3A_2068 = vector.load %arg8[%get3A_2065, %get3A_2066, %get3A_2067] : memref<40x512x128xi32, #tpu.memory_space<vmem>>, vector<1x512x128xi32>
    %get3A_2069 = vector.shape_cast %get3A_2068 : vector<1x512x128xi32> to vector<512x128xi32>
    %gt3A_2070 = arith.cmpf ogt, %select_n3A_2058, %get3A_2064 : vector<512x128xf32>
    %select_n3A_2071 = arith.select %gt3A_2070, %select_n3A_2058, %get3A_2064 : vector<512x128xi1>, vector<512x128xf32>
    %swap3A_2072 = arith.constant 32 : index
    %swap3A_2073 = arith.constant 0 : index
    %swap3A_2074 = arith.constant 0 : index
    %swap3A_2075 = vector.load %arg7[%swap3A_2072, %swap3A_2073, %swap3A_2074] : memref<40x512x128xf32, #tpu.memory_space<vmem>>, vector<1x512x128xf32>
    %swap3A_2076 = vector.shape_cast %swap3A_2075 : vector<1x512x128xf32> to vector<512x128xf32>
    %swap3A_2077 = vector.shape_cast %select_n3A_2071 : vector<512x128xf32> to vector<1x512x128xf32>
    tpu.vector_store %arg7[%swap3A_2072, %swap3A_2073, %swap3A_2074], %swap3A_2077 {strides = array<i32>} : memref<40x512x128xf32, #tpu.memory_space<vmem>>, vector<1x512x128xf32>,
    %select_n3A_2078 = arith.select %gt3A_2070, %select_n3A_2059, %get3A_2069 : vector<512x128xi1>, vector<512x128xi32>
    %swap3A_2079 = arith.constant 32 : index
    %swap3A_2080 = arith.constant 0 : index
    %swap3A_2081 = arith.constant 0 : index
    %swap3A_2082 = vector.load %arg8[%swap3A_2079, %swap3A_2080, %swap3A_2081] : memref<40x512x128xi32, #tpu.memory_space<vmem>>, vector<1x512x128xi32>
    %swap3A_2083 = vector.shape_cast %swap3A_2082 : vector<1x512x128xi32> to vector<512x128xi32>
    %swap3A_2084 = vector.shape_cast %select_n3A_2078 : vector<512x128xi32> to vector<1x512x128xi32>
    tpu.vector_store %arg8[%swap3A_2079, %swap3A_2080, %swap3A_2081], %swap3A_2084 {strides = array<i32>} : memref<40x512x128xi32, #tpu.memory_space<vmem>>, vector<1x512x128xi32>,
    %select_n3A_2085 = arith.select %gt3A_2070, %get3A_2064, %select_n3A_2058 : vector<512x128xi1>, vector<512x128xf32>
    %select_n3A_2086 = arith.select %gt3A_2070, %get3A_2069, %select_n3A_2059 : vector<512x128xi1>, vector<512x128xi32>
    %get3A_2087 = arith.constant 33 : index
    %get3A_2088 = arith.constant 0 : index
    %get3A_2089 = arith.constant 0 : index
    %get3A_2090 = vector.load %arg7[%get3A_2087, %get3A_2088, %get3A_2089] : memref<40x512x128xf32, #tpu.memory_space<vmem>>, vector<1x512x128xf32>
    %get3A_2091 = vector.shape_cast %get3A_2090 : vector<1x512x128xf32> to vector<512x128xf32>
    %get3A_2092 = arith.constant 33 : index
    %get3A_2093 = arith.constant 0 : index
    %get3A_2094 = arith.constant 0 : index
    %get3A_2095 = vector.load %arg8[%get3A_2092, %get3A_2093, %get3A_2094] : memref<40x512x128xi32, #tpu.memory_space<vmem>>, vector<1x512x128xi32>
    %get3A_2096 = vector.shape_cast %get3A_2095 : vector<1x512x128xi32> to vector<512x128xi32>
    %gt3A_2097 = arith.cmpf ogt, %select_n3A_2085, %get3A_2091 : vector<512x128xf32>
    %select_n3A_2098 = arith.select %gt3A_2097, %select_n3A_2085, %get3A_2091 : vector<512x128xi1>, vector<512x128xf32>
    %swap3A_2099 = arith.constant 33 : index
    %swap3A_2100 = arith.constant 0 : index
    %swap3A_2101 = arith.constant 0 : index
    %swap3A_2102 = vector.load %arg7[%swap3A_2099, %swap3A_2100, %swap3A_2101] : memref<40x512x128xf32, #tpu.memory_space<vmem>>, vector<1x512x128xf32>
    %swap3A_2103 = vector.shape_cast %swap3A_2102 : vector<1x512x128xf32> to vector<512x128xf32>
    %swap3A_2104 = vector.shape_cast %select_n3A_2098 : vector<512x128xf32> to vector<1x512x128xf32>
    tpu.vector_store %arg7[%swap3A_2099, %swap3A_2100, %swap3A_2101], %swap3A_2104 {strides = array<i32>} : memref<40x512x128xf32, #tpu.memory_space<vmem>>, vector<1x512x128xf32>,
    %select_n3A_2105 = arith.select %gt3A_2097, %select_n3A_2086, %get3A_2096 : vector<512x128xi1>, vector<512x128xi32>
    %swap3A_2106 = arith.constant 33 : index
    %swap3A_2107 = arith.constant 0 : index
    %swap3A_2108 = arith.constant 0 : index
    %swap3A_2109 = vector.load %arg8[%swap3A_2106, %swap3A_2107, %swap3A_2108] : memref<40x512x128xi32, #tpu.memory_space<vmem>>, vector<1x512x128xi32>
    %swap3A_2110 = vector.shape_cast %swap3A_2109 : vector<1x512x128xi32> to vector<512x128xi32>
    %swap3A_2111 = vector.shape_cast %select_n3A_2105 : vector<512x128xi32> to vector<1x512x128xi32>
    tpu.vector_store %arg8[%swap3A_2106, %swap3A_2107, %swap3A_2108], %swap3A_2111 {strides = array<i32>} : memref<40x512x128xi32, #tpu.memory_space<vmem>>, vector<1x512x128xi32>,
    %select_n3A_2112 = arith.select %gt3A_2097, %get3A_2091, %select_n3A_2085 : vector<512x128xi1>, vector<512x128xf32>
    %select_n3A_2113 = arith.select %gt3A_2097, %get3A_2096, %select_n3A_2086 : vector<512x128xi1>, vector<512x128xi32>
    %get3A_2114 = arith.constant 34 : index
    %get3A_2115 = arith.constant 0 : index
    %get3A_2116 = arith.constant 0 : index
    %get3A_2117 = vector.load %arg7[%get3A_2114, %get3A_2115, %get3A_2116] : memref<40x512x128xf32, #tpu.memory_space<vmem>>, vector<1x512x128xf32>
    %get3A_2118 = vector.shape_cast %get3A_2117 : vector<1x512x128xf32> to vector<512x128xf32>
    %get3A_2119 = arith.constant 34 : index
    %get3A_2120 = arith.constant 0 : index
    %get3A_2121 = arith.constant 0 : index
    %get3A_2122 = vector.load %arg8[%get3A_2119, %get3A_2120, %get3A_2121] : memref<40x512x128xi32, #tpu.memory_space<vmem>>, vector<1x512x128xi32>
    %get3A_2123 = vector.shape_cast %get3A_2122 : vector<1x512x128xi32> to vector<512x128xi32>
    %gt3A_2124 = arith.cmpf ogt, %select_n3A_2112, %get3A_2118 : vector<512x128xf32>
    %select_n3A_2125 = arith.select %gt3A_2124, %select_n3A_2112, %get3A_2118 : vector<512x128xi1>, vector<512x128xf32>
    %swap3A_2126 = arith.constant 34 : index
    %swap3A_2127 = arith.constant 0 : index
    %swap3A_2128 = arith.constant 0 : index
    %swap3A_2129 = vector.load %arg7[%swap3A_2126, %swap3A_2127, %swap3A_2128] : memref<40x512x128xf32, #tpu.memory_space<vmem>>, vector<1x512x128xf32>
    %swap3A_2130 = vector.shape_cast %swap3A_2129 : vector<1x512x128xf32> to vector<512x128xf32>
    %swap3A_2131 = vector.shape_cast %select_n3A_2125 : vector<512x128xf32> to vector<1x512x128xf32>
    tpu.vector_store %arg7[%swap3A_2126, %swap3A_2127, %swap3A_2128], %swap3A_2131 {strides = array<i32>} : memref<40x512x128xf32, #tpu.memory_space<vmem>>, vector<1x512x128xf32>,
    %select_n3A_2132 = arith.select %gt3A_2124, %select_n3A_2113, %get3A_2123 : vector<512x128xi1>, vector<512x128xi32>
    %swap3A_2133 = arith.constant 34 : index
    %swap3A_2134 = arith.constant 0 : index
    %swap3A_2135 = arith.constant 0 : index
    %swap3A_2136 = vector.load %arg8[%swap3A_2133, %swap3A_2134, %swap3A_2135] : memref<40x512x128xi32, #tpu.memory_space<vmem>>, vector<1x512x128xi32>
    %swap3A_2137 = vector.shape_cast %swap3A_2136 : vector<1x512x128xi32> to vector<512x128xi32>
    %swap3A_2138 = vector.shape_cast %select_n3A_2132 : vector<512x128xi32> to vector<1x512x128xi32>
    tpu.vector_store %arg8[%swap3A_2133, %swap3A_2134, %swap3A_2135], %swap3A_2138 {strides = array<i32>} : memref<40x512x128xi32, #tpu.memory_space<vmem>>, vector<1x512x128xi32>,
    %slice3A_2139 = vector.extract_strided_slice %select_n3A {offsets = [0, 1920], sizes = [512, 128], strides = [1, 1]} : vector<512x2048xf32> to vector<512x128xf32>
    %mul3A_2140 = arith.constant 2048 : i32
    %mul3A_2141 = arith.muli %arg2, %mul3A_2140 : i32
    %add3A_2142 = arith.constant 1920 : i32
    %add3A_2143 = arith.addi %mul3A_2141, %add3A_2142 : i32
    %iota3A_2144 = tpu.iota {dimensions = array<i32: 1>} : vector<512x128xi32>
    %add3A_2145 = vector.broadcast %add3A_2143 : i32 to vector<512x128xi32>
    %add3A_2146 = arith.addi %add3A_2145, %iota3A_2144 : vector<512x128xi32>
    %get3A_2147 = arith.constant 35 : index
    %get3A_2148 = arith.constant 0 : index
    %get3A_2149 = arith.constant 0 : index
    %get3A_2150 = vector.load %arg7[%get3A_2147, %get3A_2148, %get3A_2149] : memref<40x512x128xf32, #tpu.memory_space<vmem>>, vector<1x512x128xf32>
    %get3A_2151 = vector.shape_cast %get3A_2150 : vector<1x512x128xf32> to vector<512x128xf32>
    %get3A_2152 = arith.constant 35 : index
    %get3A_2153 = arith.constant 0 : index
    %get3A_2154 = arith.constant 0 : index
    %get3A_2155 = vector.load %arg8[%get3A_2152, %get3A_2153, %get3A_2154] : memref<40x512x128xi32, #tpu.memory_space<vmem>>, vector<1x512x128xi32>
    %get3A_2156 = vector.shape_cast %get3A_2155 : vector<1x512x128xi32> to vector<512x128xi32>
    %gt3A_2157 = arith.cmpf ogt, %slice3A_2139, %get3A_2151 : vector<512x128xf32>
    %select_n3A_2158 = arith.select %gt3A_2157, %slice3A_2139, %get3A_2151 : vector<512x128xi1>, vector<512x128xf32>
    %swap3A_2159 = arith.constant 35 : index
    %swap3A_2160 = arith.constant 0 : index
    %swap3A_2161 = arith.constant 0 : index
    %swap3A_2162 = vector.load %arg7[%swap3A_2159, %swap3A_2160, %swap3A_2161] : memref<40x512x128xf32, #tpu.memory_space<vmem>>, vector<1x512x128xf32>
    %swap3A_2163 = vector.shape_cast %swap3A_2162 : vector<1x512x128xf32> to vector<512x128xf32>
    %swap3A_2164 = vector.shape_cast %select_n3A_2158 : vector<512x128xf32> to vector<1x512x128xf32>
    tpu.vector_store %arg7[%swap3A_2159, %swap3A_2160, %swap3A_2161], %swap3A_2164 {strides = array<i32>} : memref<40x512x128xf32, #tpu.memory_space<vmem>>, vector<1x512x128xf32>,
    %select_n3A_2165 = arith.select %gt3A_2157, %add3A_2146, %get3A_2156 : vector<512x128xi1>, vector<512x128xi32>
    %swap3A_2166 = arith.constant 35 : index
    %swap3A_2167 = arith.constant 0 : index
    %swap3A_2168 = arith.constant 0 : index
    %swap3A_2169 = vector.load %arg8[%swap3A_2166, %swap3A_2167, %swap3A_2168] : memref<40x512x128xi32, #tpu.memory_space<vmem>>, vector<1x512x128xi32>
    %swap3A_2170 = vector.shape_cast %swap3A_2169 : vector<1x512x128xi32> to vector<512x128xi32>
    %swap3A_2171 = vector.shape_cast %select_n3A_2165 : vector<512x128xi32> to vector<1x512x128xi32>
    tpu.vector_store %arg8[%swap3A_2166, %swap3A_2167, %swap3A_2168], %swap3A_2171 {strides = array<i32>} : memref<40x512x128xi32, #tpu.memory_space<vmem>>, vector<1x512x128xi32>,
    %select_n3A_2172 = arith.select %gt3A_2157, %get3A_2151, %slice3A_2139 : vector<512x128xi1>, vector<512x128xf32>
    %select_n3A_2173 = arith.select %gt3A_2157, %get3A_2156, %add3A_2146 : vector<512x128xi1>, vector<512x128xi32>
    %get3A_2174 = arith.constant 36 : index
    %get3A_2175 = arith.constant 0 : index
    %get3A_2176 = arith.constant 0 : index
    %get3A_2177 = vector.load %arg7[%get3A_2174, %get3A_2175, %get3A_2176] : memref<40x512x128xf32, #tpu.memory_space<vmem>>, vector<1x512x128xf32>
    %get3A_2178 = vector.shape_cast %get3A_2177 : vector<1x512x128xf32> to vector<512x128xf32>
    %get3A_2179 = arith.constant 36 : index
    %get3A_2180 = arith.constant 0 : index
    %get3A_2181 = arith.constant 0 : index
    %get3A_2182 = vector.load %arg8[%get3A_2179, %get3A_2180, %get3A_2181] : memref<40x512x128xi32, #tpu.memory_space<vmem>>, vector<1x512x128xi32>
    %get3A_2183 = vector.shape_cast %get3A_2182 : vector<1x512x128xi32> to vector<512x128xi32>
    %gt3A_2184 = arith.cmpf ogt, %select_n3A_2172, %get3A_2178 : vector<512x128xf32>
    %select_n3A_2185 = arith.select %gt3A_2184, %select_n3A_2172, %get3A_2178 : vector<512x128xi1>, vector<512x128xf32>
    %swap3A_2186 = arith.constant 36 : index
    %swap3A_2187 = arith.constant 0 : index
    %swap3A_2188 = arith.constant 0 : index
    %swap3A_2189 = vector.load %arg7[%swap3A_2186, %swap3A_2187, %swap3A_2188] : memref<40x512x128xf32, #tpu.memory_space<vmem>>, vector<1x512x128xf32>
    %swap3A_2190 = vector.shape_cast %swap3A_2189 : vector<1x512x128xf32> to vector<512x128xf32>
    %swap3A_2191 = vector.shape_cast %select_n3A_2185 : vector<512x128xf32> to vector<1x512x128xf32>
    tpu.vector_store %arg7[%swap3A_2186, %swap3A_2187, %swap3A_2188], %swap3A_2191 {strides = array<i32>} : memref<40x512x128xf32, #tpu.memory_space<vmem>>, vector<1x512x128xf32>,
    %select_n3A_2192 = arith.select %gt3A_2184, %select_n3A_2173, %get3A_2183 : vector<512x128xi1>, vector<512x128xi32>
    %swap3A_2193 = arith.constant 36 : index
    %swap3A_2194 = arith.constant 0 : index
    %swap3A_2195 = arith.constant 0 : index
    %swap3A_2196 = vector.load %arg8[%swap3A_2193, %swap3A_2194, %swap3A_2195] : memref<40x512x128xi32, #tpu.memory_space<vmem>>, vector<1x512x128xi32>
    %swap3A_2197 = vector.shape_cast %swap3A_2196 : vector<1x512x128xi32> to vector<512x128xi32>
    %swap3A_2198 = vector.shape_cast %select_n3A_2192 : vector<512x128xi32> to vector<1x512x128xi32>
    tpu.vector_store %arg8[%swap3A_2193, %swap3A_2194, %swap3A_2195], %swap3A_2198 {strides = array<i32>} : memref<40x512x128xi32, #tpu.memory_space<vmem>>, vector<1x512x128xi32>,
    %select_n3A_2199 = arith.select %gt3A_2184, %get3A_2178, %select_n3A_2172 : vector<512x128xi1>, vector<512x128xf32>
    %select_n3A_2200 = arith.select %gt3A_2184, %get3A_2183, %select_n3A_2173 : vector<512x128xi1>, vector<512x128xi32>
    %get3A_2201 = arith.constant 37 : index
    %get3A_2202 = arith.constant 0 : index
    %get3A_2203 = arith.constant 0 : index
    %get3A_2204 = vector.load %arg7[%get3A_2201, %get3A_2202, %get3A_2203] : memref<40x512x128xf32, #tpu.memory_space<vmem>>, vector<1x512x128xf32>
    %get3A_2205 = vector.shape_cast %get3A_2204 : vector<1x512x128xf32> to vector<512x128xf32>
    %get3A_2206 = arith.constant 37 : index
    %get3A_2207 = arith.constant 0 : index
    %get3A_2208 = arith.constant 0 : index
    %get3A_2209 = vector.load %arg8[%get3A_2206, %get3A_2207, %get3A_2208] : memref<40x512x128xi32, #tpu.memory_space<vmem>>, vector<1x512x128xi32>
    %get3A_2210 = vector.shape_cast %get3A_2209 : vector<1x512x128xi32> to vector<512x128xi32>
    %gt3A_2211 = arith.cmpf ogt, %select_n3A_2199, %get3A_2205 : vector<512x128xf32>
    %select_n3A_2212 = arith.select %gt3A_2211, %select_n3A_2199, %get3A_2205 : vector<512x128xi1>, vector<512x128xf32>
    %swap3A_2213 = arith.constant 37 : index
    %swap3A_2214 = arith.constant 0 : index
    %swap3A_2215 = arith.constant 0 : index
    %swap3A_2216 = vector.load %arg7[%swap3A_2213, %swap3A_2214, %swap3A_2215] : memref<40x512x128xf32, #tpu.memory_space<vmem>>, vector<1x512x128xf32>
    %swap3A_2217 = vector.shape_cast %swap3A_2216 : vector<1x512x128xf32> to vector<512x128xf32>
    %swap3A_2218 = vector.shape_cast %select_n3A_2212 : vector<512x128xf32> to vector<1x512x128xf32>
    tpu.vector_store %arg7[%swap3A_2213, %swap3A_2214, %swap3A_2215], %swap3A_2218 {strides = array<i32>} : memref<40x512x128xf32, #tpu.memory_space<vmem>>, vector<1x512x128xf32>,
    %select_n3A_2219 = arith.select %gt3A_2211, %select_n3A_2200, %get3A_2210 : vector<512x128xi1>, vector<512x128xi32>
    %swap3A_2220 = arith.constant 37 : index
    %swap3A_2221 = arith.constant 0 : index
    %swap3A_2222 = arith.constant 0 : index
    %swap3A_2223 = vector.load %arg8[%swap3A_2220, %swap3A_2221, %swap3A_2222] : memref<40x512x128xi32, #tpu.memory_space<vmem>>, vector<1x512x128xi32>
    %swap3A_2224 = vector.shape_cast %swap3A_2223 : vector<1x512x128xi32> to vector<512x128xi32>
    %swap3A_2225 = vector.shape_cast %select_n3A_2219 : vector<512x128xi32> to vector<1x512x128xi32>
    tpu.vector_store %arg8[%swap3A_2220, %swap3A_2221, %swap3A_2222], %swap3A_2225 {strides = array<i32>} : memref<40x512x128xi32, #tpu.memory_space<vmem>>, vector<1x512x128xi32>,
    %select_n3A_2226 = arith.select %gt3A_2211, %get3A_2205, %select_n3A_2199 : vector<512x128xi1>, vector<512x128xf32>
    %select_n3A_2227 = arith.select %gt3A_2211, %get3A_2210, %select_n3A_2200 : vector<512x128xi1>, vector<512x128xi32>
    %get3A_2228 = arith.constant 38 : index
    %get3A_2229 = arith.constant 0 : index
    %get3A_2230 = arith.constant 0 : index
    %get3A_2231 = vector.load %arg7[%get3A_2228, %get3A_2229, %get3A_2230] : memref<40x512x128xf32, #tpu.memory_space<vmem>>, vector<1x512x128xf32>
    %get3A_2232 = vector.shape_cast %get3A_2231 : vector<1x512x128xf32> to vector<512x128xf32>
    %get3A_2233 = arith.constant 38 : index
    %get3A_2234 = arith.constant 0 : index
    %get3A_2235 = arith.constant 0 : index
    %get3A_2236 = vector.load %arg8[%get3A_2233, %get3A_2234, %get3A_2235] : memref<40x512x128xi32, #tpu.memory_space<vmem>>, vector<1x512x128xi32>
    %get3A_2237 = vector.shape_cast %get3A_2236 : vector<1x512x128xi32> to vector<512x128xi32>
    %gt3A_2238 = arith.cmpf ogt, %select_n3A_2226, %get3A_2232 : vector<512x128xf32>
    %select_n3A_2239 = arith.select %gt3A_2238, %select_n3A_2226, %get3A_2232 : vector<512x128xi1>, vector<512x128xf32>
    %swap3A_2240 = arith.constant 38 : index
    %swap3A_2241 = arith.constant 0 : index
    %swap3A_2242 = arith.constant 0 : index
    %swap3A_2243 = vector.load %arg7[%swap3A_2240, %swap3A_2241, %swap3A_2242] : memref<40x512x128xf32, #tpu.memory_space<vmem>>, vector<1x512x128xf32>
    %swap3A_2244 = vector.shape_cast %swap3A_2243 : vector<1x512x128xf32> to vector<512x128xf32>
    %swap3A_2245 = vector.shape_cast %select_n3A_2239 : vector<512x128xf32> to vector<1x512x128xf32>
    tpu.vector_store %arg7[%swap3A_2240, %swap3A_2241, %swap3A_2242], %swap3A_2245 {strides = array<i32>} : memref<40x512x128xf32, #tpu.memory_space<vmem>>, vector<1x512x128xf32>,
    %select_n3A_2246 = arith.select %gt3A_2238, %select_n3A_2227, %get3A_2237 : vector<512x128xi1>, vector<512x128xi32>
    %swap3A_2247 = arith.constant 38 : index
    %swap3A_2248 = arith.constant 0 : index
    %swap3A_2249 = arith.constant 0 : index
    %swap3A_2250 = vector.load %arg8[%swap3A_2247, %swap3A_2248, %swap3A_2249] : memref<40x512x128xi32, #tpu.memory_space<vmem>>, vector<1x512x128xi32>
    %swap3A_2251 = vector.shape_cast %swap3A_2250 : vector<1x512x128xi32> to vector<512x128xi32>
    %swap3A_2252 = vector.shape_cast %select_n3A_2246 : vector<512x128xi32> to vector<1x512x128xi32>
    tpu.vector_store %arg8[%swap3A_2247, %swap3A_2248, %swap3A_2249], %swap3A_2252 {strides = array<i32>} : memref<40x512x128xi32, #tpu.memory_space<vmem>>, vector<1x512x128xi32>,
    %select_n3A_2253 = arith.select %gt3A_2238, %get3A_2232, %select_n3A_2226 : vector<512x128xi1>, vector<512x128xf32>
    %select_n3A_2254 = arith.select %gt3A_2238, %get3A_2237, %select_n3A_2227 : vector<512x128xi1>, vector<512x128xi32>
    %get3A_2255 = arith.constant 39 : index
    %get3A_2256 = arith.constant 0 : index
    %get3A_2257 = arith.constant 0 : index
    %get3A_2258 = vector.load %arg7[%get3A_2255, %get3A_2256, %get3A_2257] : memref<40x512x128xf32, #tpu.memory_space<vmem>>, vector<1x512x128xf32>
    %get3A_2259 = vector.shape_cast %get3A_2258 : vector<1x512x128xf32> to vector<512x128xf32>
    %get3A_2260 = arith.constant 39 : index
    %get3A_2261 = arith.constant 0 : index
    %get3A_2262 = arith.constant 0 : index
    %get3A_2263 = vector.load %arg8[%get3A_2260, %get3A_2261, %get3A_2262] : memref<40x512x128xi32, #tpu.memory_space<vmem>>, vector<1x512x128xi32>
    %get3A_2264 = vector.shape_cast %get3A_2263 : vector<1x512x128xi32> to vector<512x128xi32>
    %gt3A_2265 = arith.cmpf ogt, %select_n3A_2253, %get3A_2259 : vector<512x128xf32>
    %select_n3A_2266 = arith.select %gt3A_2265, %select_n3A_2253, %get3A_2259 : vector<512x128xi1>, vector<512x128xf32>
    %swap3A_2267 = arith.constant 39 : index
    %swap3A_2268 = arith.constant 0 : index
    %swap3A_2269 = arith.constant 0 : index
    %swap3A_2270 = vector.load %arg7[%swap3A_2267, %swap3A_2268, %swap3A_2269] : memref<40x512x128xf32, #tpu.memory_space<vmem>>, vector<1x512x128xf32>
    %swap3A_2271 = vector.shape_cast %swap3A_2270 : vector<1x512x128xf32> to vector<512x128xf32>
    %swap3A_2272 = vector.shape_cast %select_n3A_2266 : vector<512x128xf32> to vector<1x512x128xf32>
    tpu.vector_store %arg7[%swap3A_2267, %swap3A_2268, %swap3A_2269], %swap3A_2272 {strides = array<i32>} : memref<40x512x128xf32, #tpu.memory_space<vmem>>, vector<1x512x128xf32>,
    %select_n3A_2273 = arith.select %gt3A_2265, %select_n3A_2254, %get3A_2264 : vector<512x128xi1>, vector<512x128xi32>
    %swap3A_2274 = arith.constant 39 : index
    %swap3A_2275 = arith.constant 0 : index
    %swap3A_2276 = arith.constant 0 : index
    %swap3A_2277 = vector.load %arg8[%swap3A_2274, %swap3A_2275, %swap3A_2276] : memref<40x512x128xi32, #tpu.memory_space<vmem>>, vector<1x512x128xi32>
    %swap3A_2278 = vector.shape_cast %swap3A_2277 : vector<1x512x128xi32> to vector<512x128xi32>
    %swap3A_2279 = vector.shape_cast %select_n3A_2273 : vector<512x128xi32> to vector<1x512x128xi32>
    tpu.vector_store %arg8[%swap3A_2274, %swap3A_2275, %swap3A_2276], %swap3A_2279 {strides = array<i32>} : memref<40x512x128xi32, #tpu.memory_space<vmem>>, vector<1x512x128xi32>,
    %eq3A_2280 = arith.constant 48 : i32
    %eq3A_2281 = arith.cmpi eq, %arg2, %eq3A_2280 : i32
    %convert_element_type3A_2282 = arith.extui %eq3A_2281 : i1 to i32
    %cond3A_2283 = arith.constant 0 : i32
    %cond3A_2284 = arith.cmpi ne, %convert_element_type3A_2282, %cond3A_2283 : i32
    scf.if %cond3A_2284 {
      %broadcast_in_dim3A_2285 = arith.constant 0xFF800000 : f32
      %broadcast_in_dim3A_2286 = vector.broadcast %broadcast_in_dim3A_2285 : f32 to vector<512x1280xf32>
      %swap3A_2287 = arith.constant 0 : index
      %swap3A_2288 = arith.constant 0 : index
      %swap3A_2289 = vector.load %arg9[%swap3A_2287, %swap3A_2288] : memref<512x1280xf32, #tpu.memory_space<vmem>>, vector<512x1280xf32>
      tpu.vector_store %arg9[%swap3A_2287, %swap3A_2288], %broadcast_in_dim3A_2286 {strides = array<i32>} : memref<512x1280xf32, #tpu.memory_space<vmem>>, vector<512x1280xf32>,
      %broadcast_in_dim3A_2290 = arith.constant 0 : i32
      %broadcast_in_dim3A_2291 = vector.broadcast %broadcast_in_dim3A_2290 : i32 to vector<512x1280xi32>
      %swap3A_2292 = arith.constant 0 : index
      %swap3A_2293 = arith.constant 0 : index
      %swap3A_2294 = vector.load %arg10[%swap3A_2292, %swap3A_2293] : memref<512x1280xi32, #tpu.memory_space<vmem>>, vector<512x1280xi32>
      tpu.vector_store %arg10[%swap3A_2292, %swap3A_2293], %broadcast_in_dim3A_2291 {strides = array<i32>} : memref<512x1280xi32, #tpu.memory_space<vmem>>, vector<512x1280xi32>,
      %scan3A = arith.constant 0 : i32
      %scan3A_2295 = arith.constant 40 : i32
      %scan3A_2296 = arith.addi %scan3A, %scan3A_2295 : i32
      %scan3A_2297 = arith.constant 1 : i32
      scf.for %scan3A_2306 = %scan3A to %scan3A_2296 step %scan3A_2297  : i32 {
        %get3A_2307 = arith.index_cast %scan3A_2306 : i32 to index
        %get3A_2308 = arith.constant 0 : index
        %get3A_2309 = arith.constant 0 : index
        %get3A_2310 = vector.load %arg7[%get3A_2307, %get3A_2308, %get3A_2309] : memref<40x512x128xf32, #tpu.memory_space<vmem>>, vector<1x512x128xf32>
        %get3A_2311 = vector.shape_cast %get3A_2310 : vector<1x512x128xf32> to vector<512x128xf32>
        %get3A_2312 = arith.index_cast %scan3A_2306 : i32 to index
        %get3A_2313 = arith.constant 0 : index
        %get3A_2314 = arith.constant 0 : index
        %get3A_2315 = vector.load %arg8[%get3A_2312, %get3A_2313, %get3A_2314] : memref<40x512x128xi32, #tpu.memory_space<vmem>>, vector<1x512x128xi32>
        %get3A_2316 = vector.shape_cast %get3A_2315 : vector<1x512x128xi32> to vector<512x128xi32>
        %get3A_2317 = arith.constant 0 : index
        %get3A_2318 = arith.constant 0 : index
        %get3A_2319 = vector.load %arg9[%get3A_2317, %get3A_2318] : memref<512x1280xf32, #tpu.memory_space<vmem>>, vector<512x128xf32>
        %get3A_2320 = arith.constant 0 : index
        %get3A_2321 = arith.constant 0 : index
        %get3A_2322 = vector.load %arg10[%get3A_2320, %get3A_2321] : memref<512x1280xi32, #tpu.memory_space<vmem>>, vector<512x128xi32>
        %gt3A_2323 = arith.cmpf ogt, %get3A_2311, %get3A_2319 : vector<512x128xf32>
        %select_n3A_2324 = arith.select %gt3A_2323, %get3A_2311, %get3A_2319 : vector<512x128xi1>, vector<512x128xf32>
        %swap3A_2325 = arith.constant 0 : index
        %swap3A_2326 = arith.constant 0 : index
        %swap3A_2327 = vector.load %arg9[%swap3A_2325, %swap3A_2326] : memref<512x1280xf32, #tpu.memory_space<vmem>>, vector<512x128xf32>
        tpu.vector_store %arg9[%swap3A_2325, %swap3A_2326], %select_n3A_2324 {strides = array<i32>} : memref<512x1280xf32, #tpu.memory_space<vmem>>, vector<512x128xf32>,
        %select_n3A_2328 = arith.select %gt3A_2323, %get3A_2316, %get3A_2322 : vector<512x128xi1>, vector<512x128xi32>
        %swap3A_2329 = arith.constant 0 : index
        %swap3A_2330 = arith.constant 0 : index
        %swap3A_2331 = vector.load %arg10[%swap3A_2329, %swap3A_2330] : memref<512x1280xi32, #tpu.memory_space<vmem>>, vector<512x128xi32>
        tpu.vector_store %arg10[%swap3A_2329, %swap3A_2330], %select_n3A_2328 {strides = array<i32>} : memref<512x1280xi32, #tpu.memory_space<vmem>>, vector<512x128xi32>,
        %select_n3A_2332 = arith.select %gt3A_2323, %get3A_2319, %get3A_2311 : vector<512x128xi1>, vector<512x128xf32>
        %select_n3A_2333 = arith.select %gt3A_2323, %get3A_2322, %get3A_2316 : vector<512x128xi1>, vector<512x128xi32>
        %get3A_2334 = arith.constant 0 : index
        %get3A_2335 = arith.constant 128 : index
        %get3A_2336 = vector.load %arg9[%get3A_2334, %get3A_2335] : memref<512x1280xf32, #tpu.memory_space<vmem>>, vector<512x128xf32>
        %get3A_2337 = arith.constant 0 : index
        %get3A_2338 = arith.constant 128 : index
        %get3A_2339 = vector.load %arg10[%get3A_2337, %get3A_2338] : memref<512x1280xi32, #tpu.memory_space<vmem>>, vector<512x128xi32>
        %gt3A_2340 = arith.cmpf ogt, %select_n3A_2332, %get3A_2336 : vector<512x128xf32>
        %select_n3A_2341 = arith.select %gt3A_2340, %select_n3A_2332, %get3A_2336 : vector<512x128xi1>, vector<512x128xf32>
        %swap3A_2342 = arith.constant 0 : index
        %swap3A_2343 = arith.constant 128 : index
        %swap3A_2344 = vector.load %arg9[%swap3A_2342, %swap3A_2343] : memref<512x1280xf32, #tpu.memory_space<vmem>>, vector<512x128xf32>
        tpu.vector_store %arg9[%swap3A_2342, %swap3A_2343], %select_n3A_2341 {strides = array<i32>} : memref<512x1280xf32, #tpu.memory_space<vmem>>, vector<512x128xf32>,
        %select_n3A_2345 = arith.select %gt3A_2340, %select_n3A_2333, %get3A_2339 : vector<512x128xi1>, vector<512x128xi32>
        %swap3A_2346 = arith.constant 0 : index
        %swap3A_2347 = arith.constant 128 : index
        %swap3A_2348 = vector.load %arg10[%swap3A_2346, %swap3A_2347] : memref<512x1280xi32, #tpu.memory_space<vmem>>, vector<512x128xi32>
        tpu.vector_store %arg10[%swap3A_2346, %swap3A_2347], %select_n3A_2345 {strides = array<i32>} : memref<512x1280xi32, #tpu.memory_space<vmem>>, vector<512x128xi32>,
        %select_n3A_2349 = arith.select %gt3A_2340, %get3A_2336, %select_n3A_2332 : vector<512x128xi1>, vector<512x128xf32>
        %select_n3A_2350 = arith.select %gt3A_2340, %get3A_2339, %select_n3A_2333 : vector<512x128xi1>, vector<512x128xi32>
        %get3A_2351 = arith.constant 0 : index
        %get3A_2352 = arith.constant 256 : index
        %get3A_2353 = vector.load %arg9[%get3A_2351, %get3A_2352] : memref<512x1280xf32, #tpu.memory_space<vmem>>, vector<512x128xf32>
        %get3A_2354 = arith.constant 0 : index
        %get3A_2355 = arith.constant 256 : index
        %get3A_2356 = vector.load %arg10[%get3A_2354, %get3A_2355] : memref<512x1280xi32, #tpu.memory_space<vmem>>, vector<512x128xi32>
        %gt3A_2357 = arith.cmpf ogt, %select_n3A_2349, %get3A_2353 : vector<512x128xf32>
        %select_n3A_2358 = arith.select %gt3A_2357, %select_n3A_2349, %get3A_2353 : vector<512x128xi1>, vector<512x128xf32>
        %swap3A_2359 = arith.constant 0 : index
        %swap3A_2360 = arith.constant 256 : index
        %swap3A_2361 = vector.load %arg9[%swap3A_2359, %swap3A_2360] : memref<512x1280xf32, #tpu.memory_space<vmem>>, vector<512x128xf32>
        tpu.vector_store %arg9[%swap3A_2359, %swap3A_2360], %select_n3A_2358 {strides = array<i32>} : memref<512x1280xf32, #tpu.memory_space<vmem>>, vector<512x128xf32>,
        %select_n3A_2362 = arith.select %gt3A_2357, %select_n3A_2350, %get3A_2356 : vector<512x128xi1>, vector<512x128xi32>
        %swap3A_2363 = arith.constant 0 : index
        %swap3A_2364 = arith.constant 256 : index
        %swap3A_2365 = vector.load %arg10[%swap3A_2363, %swap3A_2364] : memref<512x1280xi32, #tpu.memory_space<vmem>>, vector<512x128xi32>
        tpu.vector_store %arg10[%swap3A_2363, %swap3A_2364], %select_n3A_2362 {strides = array<i32>} : memref<512x1280xi32, #tpu.memory_space<vmem>>, vector<512x128xi32>,
        %select_n3A_2366 = arith.select %gt3A_2357, %get3A_2353, %select_n3A_2349 : vector<512x128xi1>, vector<512x128xf32>
        %select_n3A_2367 = arith.select %gt3A_2357, %get3A_2356, %select_n3A_2350 : vector<512x128xi1>, vector<512x128xi32>
        %get3A_2368 = arith.constant 0 : index
        %get3A_2369 = arith.constant 384 : index
        %get3A_2370 = vector.load %arg9[%get3A_2368, %get3A_2369] : memref<512x1280xf32, #tpu.memory_space<vmem>>, vector<512x128xf32>
        %get3A_2371 = arith.constant 0 : index
        %get3A_2372 = arith.constant 384 : index
        %get3A_2373 = vector.load %arg10[%get3A_2371, %get3A_2372] : memref<512x1280xi32, #tpu.memory_space<vmem>>, vector<512x128xi32>
        %gt3A_2374 = arith.cmpf ogt, %select_n3A_2366, %get3A_2370 : vector<512x128xf32>
        %select_n3A_2375 = arith.select %gt3A_2374, %select_n3A_2366, %get3A_2370 : vector<512x128xi1>, vector<512x128xf32>
        %swap3A_2376 = arith.constant 0 : index
        %swap3A_2377 = arith.constant 384 : index
        %swap3A_2378 = vector.load %arg9[%swap3A_2376, %swap3A_2377] : memref<512x1280xf32, #tpu.memory_space<vmem>>, vector<512x128xf32>
        tpu.vector_store %arg9[%swap3A_2376, %swap3A_2377], %select_n3A_2375 {strides = array<i32>} : memref<512x1280xf32, #tpu.memory_space<vmem>>, vector<512x128xf32>,
        %select_n3A_2379 = arith.select %gt3A_2374, %select_n3A_2367, %get3A_2373 : vector<512x128xi1>, vector<512x128xi32>
        %swap3A_2380 = arith.constant 0 : index
        %swap3A_2381 = arith.constant 384 : index
        %swap3A_2382 = vector.load %arg10[%swap3A_2380, %swap3A_2381] : memref<512x1280xi32, #tpu.memory_space<vmem>>, vector<512x128xi32>
        tpu.vector_store %arg10[%swap3A_2380, %swap3A_2381], %select_n3A_2379 {strides = array<i32>} : memref<512x1280xi32, #tpu.memory_space<vmem>>, vector<512x128xi32>,
        %select_n3A_2383 = arith.select %gt3A_2374, %get3A_2370, %select_n3A_2366 : vector<512x128xi1>, vector<512x128xf32>
        %select_n3A_2384 = arith.select %gt3A_2374, %get3A_2373, %select_n3A_2367 : vector<512x128xi1>, vector<512x128xi32>
        %get3A_2385 = arith.constant 0 : index
        %get3A_2386 = arith.constant 512 : index
        %get3A_2387 = vector.load %arg9[%get3A_2385, %get3A_2386] : memref<512x1280xf32, #tpu.memory_space<vmem>>, vector<512x128xf32>
        %get3A_2388 = arith.constant 0 : index
        %get3A_2389 = arith.constant 512 : index
        %get3A_2390 = vector.load %arg10[%get3A_2388, %get3A_2389] : memref<512x1280xi32, #tpu.memory_space<vmem>>, vector<512x128xi32>
        %gt3A_2391 = arith.cmpf ogt, %select_n3A_2383, %get3A_2387 : vector<512x128xf32>
        %select_n3A_2392 = arith.select %gt3A_2391, %select_n3A_2383, %get3A_2387 : vector<512x128xi1>, vector<512x128xf32>
        %swap3A_2393 = arith.constant 0 : index
        %swap3A_2394 = arith.constant 512 : index
        %swap3A_2395 = vector.load %arg9[%swap3A_2393, %swap3A_2394] : memref<512x1280xf32, #tpu.memory_space<vmem>>, vector<512x128xf32>
        tpu.vector_store %arg9[%swap3A_2393, %swap3A_2394], %select_n3A_2392 {strides = array<i32>} : memref<512x1280xf32, #tpu.memory_space<vmem>>, vector<512x128xf32>,
        %select_n3A_2396 = arith.select %gt3A_2391, %select_n3A_2384, %get3A_2390 : vector<512x128xi1>, vector<512x128xi32>
        %swap3A_2397 = arith.constant 0 : index
        %swap3A_2398 = arith.constant 512 : index
        %swap3A_2399 = vector.load %arg10[%swap3A_2397, %swap3A_2398] : memref<512x1280xi32, #tpu.memory_space<vmem>>, vector<512x128xi32>
        tpu.vector_store %arg10[%swap3A_2397, %swap3A_2398], %select_n3A_2396 {strides = array<i32>} : memref<512x1280xi32, #tpu.memory_space<vmem>>, vector<512x128xi32>,
        %select_n3A_2400 = arith.select %gt3A_2391, %get3A_2387, %select_n3A_2383 : vector<512x128xi1>, vector<512x128xf32>
        %select_n3A_2401 = arith.select %gt3A_2391, %get3A_2390, %select_n3A_2384 : vector<512x128xi1>, vector<512x128xi32>
        %get3A_2402 = arith.constant 0 : index
        %get3A_2403 = arith.constant 640 : index
        %get3A_2404 = vector.load %arg9[%get3A_2402, %get3A_2403] : memref<512x1280xf32, #tpu.memory_space<vmem>>, vector<512x128xf32>
        %get3A_2405 = arith.constant 0 : index
        %get3A_2406 = arith.constant 640 : index
        %get3A_2407 = vector.load %arg10[%get3A_2405, %get3A_2406] : memref<512x1280xi32, #tpu.memory_space<vmem>>, vector<512x128xi32>
        %gt3A_2408 = arith.cmpf ogt, %select_n3A_2400, %get3A_2404 : vector<512x128xf32>
        %select_n3A_2409 = arith.select %gt3A_2408, %select_n3A_2400, %get3A_2404 : vector<512x128xi1>, vector<512x128xf32>
        %swap3A_2410 = arith.constant 0 : index
        %swap3A_2411 = arith.constant 640 : index
        %swap3A_2412 = vector.load %arg9[%swap3A_2410, %swap3A_2411] : memref<512x1280xf32, #tpu.memory_space<vmem>>, vector<512x128xf32>
        tpu.vector_store %arg9[%swap3A_2410, %swap3A_2411], %select_n3A_2409 {strides = array<i32>} : memref<512x1280xf32, #tpu.memory_space<vmem>>, vector<512x128xf32>,
        %select_n3A_2413 = arith.select %gt3A_2408, %select_n3A_2401, %get3A_2407 : vector<512x128xi1>, vector<512x128xi32>
        %swap3A_2414 = arith.constant 0 : index
        %swap3A_2415 = arith.constant 640 : index
        %swap3A_2416 = vector.load %arg10[%swap3A_2414, %swap3A_2415] : memref<512x1280xi32, #tpu.memory_space<vmem>>, vector<512x128xi32>
        tpu.vector_store %arg10[%swap3A_2414, %swap3A_2415], %select_n3A_2413 {strides = array<i32>} : memref<512x1280xi32, #tpu.memory_space<vmem>>, vector<512x128xi32>,
        %select_n3A_2417 = arith.select %gt3A_2408, %get3A_2404, %select_n3A_2400 : vector<512x128xi1>, vector<512x128xf32>
        %select_n3A_2418 = arith.select %gt3A_2408, %get3A_2407, %select_n3A_2401 : vector<512x128xi1>, vector<512x128xi32>
        %get3A_2419 = arith.constant 0 : index
        %get3A_2420 = arith.constant 768 : index
        %get3A_2421 = vector.load %arg9[%get3A_2419, %get3A_2420] : memref<512x1280xf32, #tpu.memory_space<vmem>>, vector<512x128xf32>
        %get3A_2422 = arith.constant 0 : index
        %get3A_2423 = arith.constant 768 : index
        %get3A_2424 = vector.load %arg10[%get3A_2422, %get3A_2423] : memref<512x1280xi32, #tpu.memory_space<vmem>>, vector<512x128xi32>
        %gt3A_2425 = arith.cmpf ogt, %select_n3A_2417, %get3A_2421 : vector<512x128xf32>
        %select_n3A_2426 = arith.select %gt3A_2425, %select_n3A_2417, %get3A_2421 : vector<512x128xi1>, vector<512x128xf32>
        %swap3A_2427 = arith.constant 0 : index
        %swap3A_2428 = arith.constant 768 : index
        %swap3A_2429 = vector.load %arg9[%swap3A_2427, %swap3A_2428] : memref<512x1280xf32, #tpu.memory_space<vmem>>, vector<512x128xf32>
        tpu.vector_store %arg9[%swap3A_2427, %swap3A_2428], %select_n3A_2426 {strides = array<i32>} : memref<512x1280xf32, #tpu.memory_space<vmem>>, vector<512x128xf32>,
        %select_n3A_2430 = arith.select %gt3A_2425, %select_n3A_2418, %get3A_2424 : vector<512x128xi1>, vector<512x128xi32>
        %swap3A_2431 = arith.constant 0 : index
        %swap3A_2432 = arith.constant 768 : index
        %swap3A_2433 = vector.load %arg10[%swap3A_2431, %swap3A_2432] : memref<512x1280xi32, #tpu.memory_space<vmem>>, vector<512x128xi32>
        tpu.vector_store %arg10[%swap3A_2431, %swap3A_2432], %select_n3A_2430 {strides = array<i32>} : memref<512x1280xi32, #tpu.memory_space<vmem>>, vector<512x128xi32>,
        %select_n3A_2434 = arith.select %gt3A_2425, %get3A_2421, %select_n3A_2417 : vector<512x128xi1>, vector<512x128xf32>
        %select_n3A_2435 = arith.select %gt3A_2425, %get3A_2424, %select_n3A_2418 : vector<512x128xi1>, vector<512x128xi32>
        %get3A_2436 = arith.constant 0 : index
        %get3A_2437 = arith.constant 896 : index
        %get3A_2438 = vector.load %arg9[%get3A_2436, %get3A_2437] : memref<512x1280xf32, #tpu.memory_space<vmem>>, vector<512x128xf32>
        %get3A_2439 = arith.constant 0 : index
        %get3A_2440 = arith.constant 896 : index
        %get3A_2441 = vector.load %arg10[%get3A_2439, %get3A_2440] : memref<512x1280xi32, #tpu.memory_space<vmem>>, vector<512x128xi32>
        %gt3A_2442 = arith.cmpf ogt, %select_n3A_2434, %get3A_2438 : vector<512x128xf32>
        %select_n3A_2443 = arith.select %gt3A_2442, %select_n3A_2434, %get3A_2438 : vector<512x128xi1>, vector<512x128xf32>
        %swap3A_2444 = arith.constant 0 : index
        %swap3A_2445 = arith.constant 896 : index
        %swap3A_2446 = vector.load %arg9[%swap3A_2444, %swap3A_2445] : memref<512x1280xf32, #tpu.memory_space<vmem>>, vector<512x128xf32>
        tpu.vector_store %arg9[%swap3A_2444, %swap3A_2445], %select_n3A_2443 {strides = array<i32>} : memref<512x1280xf32, #tpu.memory_space<vmem>>, vector<512x128xf32>,
        %select_n3A_2447 = arith.select %gt3A_2442, %select_n3A_2435, %get3A_2441 : vector<512x128xi1>, vector<512x128xi32>
        %swap3A_2448 = arith.constant 0 : index
        %swap3A_2449 = arith.constant 896 : index
        %swap3A_2450 = vector.load %arg10[%swap3A_2448, %swap3A_2449] : memref<512x1280xi32, #tpu.memory_space<vmem>>, vector<512x128xi32>
        tpu.vector_store %arg10[%swap3A_2448, %swap3A_2449], %select_n3A_2447 {strides = array<i32>} : memref<512x1280xi32, #tpu.memory_space<vmem>>, vector<512x128xi32>,
        %select_n3A_2451 = arith.select %gt3A_2442, %get3A_2438, %select_n3A_2434 : vector<512x128xi1>, vector<512x128xf32>
        %select_n3A_2452 = arith.select %gt3A_2442, %get3A_2441, %select_n3A_2435 : vector<512x128xi1>, vector<512x128xi32>
        %get3A_2453 = arith.constant 0 : index
        %get3A_2454 = arith.constant 1024 : index
        %get3A_2455 = vector.load %arg9[%get3A_2453, %get3A_2454] : memref<512x1280xf32, #tpu.memory_space<vmem>>, vector<512x128xf32>
        %get3A_2456 = arith.constant 0 : index
        %get3A_2457 = arith.constant 1024 : index
        %get3A_2458 = vector.load %arg10[%get3A_2456, %get3A_2457] : memref<512x1280xi32, #tpu.memory_space<vmem>>, vector<512x128xi32>
        %gt3A_2459 = arith.cmpf ogt, %select_n3A_2451, %get3A_2455 : vector<512x128xf32>
        %select_n3A_2460 = arith.select %gt3A_2459, %select_n3A_2451, %get3A_2455 : vector<512x128xi1>, vector<512x128xf32>
        %swap3A_2461 = arith.constant 0 : index
        %swap3A_2462 = arith.constant 1024 : index
        %swap3A_2463 = vector.load %arg9[%swap3A_2461, %swap3A_2462] : memref<512x1280xf32, #tpu.memory_space<vmem>>, vector<512x128xf32>
        tpu.vector_store %arg9[%swap3A_2461, %swap3A_2462], %select_n3A_2460 {strides = array<i32>} : memref<512x1280xf32, #tpu.memory_space<vmem>>, vector<512x128xf32>,
        %select_n3A_2464 = arith.select %gt3A_2459, %select_n3A_2452, %get3A_2458 : vector<512x128xi1>, vector<512x128xi32>
        %swap3A_2465 = arith.constant 0 : index
        %swap3A_2466 = arith.constant 1024 : index
        %swap3A_2467 = vector.load %arg10[%swap3A_2465, %swap3A_2466] : memref<512x1280xi32, #tpu.memory_space<vmem>>, vector<512x128xi32>
        tpu.vector_store %arg10[%swap3A_2465, %swap3A_2466], %select_n3A_2464 {strides = array<i32>} : memref<512x1280xi32, #tpu.memory_space<vmem>>, vector<512x128xi32>,
        %select_n3A_2468 = arith.select %gt3A_2459, %get3A_2455, %select_n3A_2451 : vector<512x128xi1>, vector<512x128xf32>
        %select_n3A_2469 = arith.select %gt3A_2459, %get3A_2458, %select_n3A_2452 : vector<512x128xi1>, vector<512x128xi32>
        %get3A_2470 = arith.constant 0 : index
        %get3A_2471 = arith.constant 1152 : index
        %get3A_2472 = vector.load %arg9[%get3A_2470, %get3A_2471] : memref<512x1280xf32, #tpu.memory_space<vmem>>, vector<512x128xf32>
        %get3A_2473 = arith.constant 0 : index
        %get3A_2474 = arith.constant 1152 : index
        %get3A_2475 = vector.load %arg10[%get3A_2473, %get3A_2474] : memref<512x1280xi32, #tpu.memory_space<vmem>>, vector<512x128xi32>
        %gt3A_2476 = arith.cmpf ogt, %select_n3A_2468, %get3A_2472 : vector<512x128xf32>
        %select_n3A_2477 = arith.select %gt3A_2476, %select_n3A_2468, %get3A_2472 : vector<512x128xi1>, vector<512x128xf32>
        %swap3A_2478 = arith.constant 0 : index
        %swap3A_2479 = arith.constant 1152 : index
        %swap3A_2480 = vector.load %arg9[%swap3A_2478, %swap3A_2479] : memref<512x1280xf32, #tpu.memory_space<vmem>>, vector<512x128xf32>
        tpu.vector_store %arg9[%swap3A_2478, %swap3A_2479], %select_n3A_2477 {strides = array<i32>} : memref<512x1280xf32, #tpu.memory_space<vmem>>, vector<512x128xf32>,
        %select_n3A_2481 = arith.select %gt3A_2476, %select_n3A_2469, %get3A_2475 : vector<512x128xi1>, vector<512x128xi32>
        %swap3A_2482 = arith.constant 0 : index
        %swap3A_2483 = arith.constant 1152 : index
        %swap3A_2484 = vector.load %arg10[%swap3A_2482, %swap3A_2483] : memref<512x1280xi32, #tpu.memory_space<vmem>>, vector<512x128xi32>
        tpu.vector_store %arg10[%swap3A_2482, %swap3A_2483], %select_n3A_2481 {strides = array<i32>} : memref<512x1280xi32, #tpu.memory_space<vmem>>, vector<512x128xi32>,
      }
      %scan3A_2298 = arith.constant 40 : i32
      %iota3A_2299 = tpu.iota {dimensions = array<i32: 1>} : vector<512x1280xi32>
      %iota3A_2300 = tpu.iota {dimensions = array<i32: 1>} : vector<512x64xi32>
      %scan3A_2301 = arith.constant 0 : i32
      %scan3A_2302 = arith.constant 50 : i32
      %scan3A_2303 = arith.addi %scan3A_2301, %scan3A_2302 : i32
      %scan3A_2304 = arith.constant 1 : i32
      scf.for %scan3A_2306 = %scan3A_2301 to %scan3A_2303 step %scan3A_2304  : i32 {
        %get3A_2307 = arith.constant 0 : index
        %get3A_2308 = arith.constant 0 : index
        %get3A_2309 = vector.load %arg9[%get3A_2307, %get3A_2308] : memref<512x1280xf32, #tpu.memory_space<vmem>>, vector<512x1280xf32>
        %reduce_max3A = arith.constant dense<0xFF800000> : vector<512xf32>
        %reduce_max3A_2310 = vector.multi_reduction <maximumf>, %get3A_2309, %reduce_max3A [1] : vector<512x1280xf32> to vector<512xf32>
        %broadcast_in_dim3A_2311 = vector.shape_cast %reduce_max3A_2310 : vector<512xf32> to vector<512x1xf32>
        %argmax3A = tpu.reduce_index %get3A_2309 {axis = 1 : i32, kind = #tpu.reduction_kind<arg_max>} : vector<512x1280xf32> -> vector<512xi32>
        %broadcast_in_dim3A_2312 = vector.shape_cast %argmax3A : vector<512xi32> to vector<512x1xi32>
        %eq3A_2313 = vector.broadcast %broadcast_in_dim3A_2312 : vector<512x1xi32> to vector<512x1280xi32>
        %eq3A_2314 = arith.cmpi eq, %iota3A_2299, %eq3A_2313 : vector<512x1280xi32>
        %get3A_2315 = arith.constant 0 : index
        %get3A_2316 = arith.constant 0 : index
        %get3A_2317 = vector.load %arg10[%get3A_2315, %get3A_2316] : memref<512x1280xi32, #tpu.memory_space<vmem>>, vector<512x1280xi32>
        %jit3A_2318 = arith.constant 0 : i32
        %broadcast_in_dim3A_2319 = vector.broadcast %jit3A_2318 : i32 to vector<512x1280xi32>
        %select_n3A_2320 = arith.select %eq3A_2314, %get3A_2317, %broadcast_in_dim3A_2319 : vector<512x1280xi1>, vector<512x1280xi32>
        %reduce_sum3A_2321 = arith.constant dense<0> : vector<512xi32>
        %reduce_sum3A_2322 = vector.multi_reduction <add>, %select_n3A_2320, %reduce_sum3A_2321 [1] : vector<512x1280xi32> to vector<512xi32>
        %broadcast_in_dim3A_2323 = vector.shape_cast %reduce_sum3A_2322 : vector<512xi32> to vector<512x1xi32>
        %jit3A_2324 = arith.constant 0xFF800000 : f32
        %broadcast_in_dim3A_2325 = vector.broadcast %jit3A_2324 : f32 to vector<512x1280xf32>
        %select_n3A_2326 = arith.select %eq3A_2314, %broadcast_in_dim3A_2325, %get3A_2309 : vector<512x1280xi1>, vector<512x1280xf32>
        %swap3A_2327 = arith.constant 0 : index
        %swap3A_2328 = arith.constant 0 : index
        %swap3A_2329 = vector.load %arg9[%swap3A_2327, %swap3A_2328] : memref<512x1280xf32, #tpu.memory_space<vmem>>, vector<512x1280xf32>
        tpu.vector_store %arg9[%swap3A_2327, %swap3A_2328], %select_n3A_2326 {strides = array<i32>} : memref<512x1280xf32, #tpu.memory_space<vmem>>, vector<512x1280xf32>,
        %eq3A_2330 = vector.broadcast %scan3A_2306 : i32 to vector<512x64xi32>
        %eq3A_2331 = arith.cmpi eq, %iota3A_2300, %eq3A_2330 : vector<512x64xi32>
        %get3A_2332 = arith.constant 0 : index
        %get3A_2333 = arith.constant 0 : index
        %get3A_2334 = arith.constant 0 : index
        %get3A_2335 = vector.load %arg5[%get3A_2332, %get3A_2333, %get3A_2334] : memref<1x512x64xf32, #tpu.memory_space<vmem>>, vector<1x512x64xf32>
        %get3A_2336 = vector.shape_cast %get3A_2335 : vector<1x512x64xf32> to vector<512x64xf32>
        %broadcast_in_dim3A_2337 = vector.shape_cast %broadcast_in_dim3A_2311 : vector<512x1xf32> to vector<512x1xf32>
        %broadcast_in_dim3A_2338 = vector.broadcast %broadcast_in_dim3A_2337 : vector<512x1xf32> to vector<512x64xf32>
        %select_n3A_2339 = arith.select %eq3A_2331, %broadcast_in_dim3A_2338, %get3A_2336 : vector<512x64xi1>, vector<512x64xf32>
        %swap3A_2340 = arith.constant 0 : index
        %swap3A_2341 = arith.constant 0 : index
        %swap3A_2342 = arith.constant 0 : index
        %swap3A_2343 = vector.load %arg5[%swap3A_2340, %swap3A_2341, %swap3A_2342] : memref<1x512x64xf32, #tpu.memory_space<vmem>>, vector<1x512x64xf32>
        %swap3A_2344 = vector.shape_cast %swap3A_2343 : vector<1x512x64xf32> to vector<512x64xf32>
        %swap3A_2345 = vector.shape_cast %select_n3A_2339 : vector<512x64xf32> to vector<1x512x64xf32>
        tpu.vector_store %arg5[%swap3A_2340, %swap3A_2341, %swap3A_2342], %swap3A_2345 {strides = array<i32>} : memref<1x512x64xf32, #tpu.memory_space<vmem>>, vector<1x512x64xf32>,
        %get3A_2346 = arith.constant 0 : index
        %get3A_2347 = arith.constant 0 : index
        %get3A_2348 = arith.constant 0 : index
        %get3A_2349 = vector.load %arg6[%get3A_2346, %get3A_2347, %get3A_2348] : memref<1x512x64xi32, #tpu.memory_space<vmem>>, vector<1x512x64xi32>
        %get3A_2350 = vector.shape_cast %get3A_2349 : vector<1x512x64xi32> to vector<512x64xi32>
        %broadcast_in_dim3A_2351 = vector.shape_cast %broadcast_in_dim3A_2323 : vector<512x1xi32> to vector<512x1xi32>
        %broadcast_in_dim3A_2352 = vector.broadcast %broadcast_in_dim3A_2351 : vector<512x1xi32> to vector<512x64xi32>
        %select_n3A_2353 = arith.select %eq3A_2331, %broadcast_in_dim3A_2352, %get3A_2350 : vector<512x64xi1>, vector<512x64xi32>
        %swap3A_2354 = arith.constant 0 : index
        %swap3A_2355 = arith.constant 0 : index
        %swap3A_2356 = arith.constant 0 : index
        %swap3A_2357 = vector.load %arg6[%swap3A_2354, %swap3A_2355, %swap3A_2356] : memref<1x512x64xi32, #tpu.memory_space<vmem>>, vector<1x512x64xi32>
        %swap3A_2358 = vector.shape_cast %swap3A_2357 : vector<1x512x64xi32> to vector<512x64xi32>
        %swap3A_2359 = vector.shape_cast %select_n3A_2353 : vector<512x64xi32> to vector<1x512x64xi32>
        tpu.vector_store %arg6[%swap3A_2354, %swap3A_2355, %swap3A_2356], %swap3A_2359 {strides = array<i32>} : memref<1x512x64xi32, #tpu.memory_space<vmem>>, vector<1x512x64xi32>,
      }
      %scan3A_2305 = arith.constant 50 : i32
    } else {
    }
    return
  }
  func.func @transform_0(%arg0: i32, %arg1: i32, %arg2: i32) -> (i32, i32) {
    %c0_i32 = arith.constant 0 : i32
    %c0_i32_0 = arith.constant 0 : i32
    return %arg1, %c0_i32 : i32, i32
  }
  func.func @transform_1(%arg0: i32, %arg1: i32, %arg2: i32) -> (i32, i32, i32) {
    %c0_i32 = arith.constant 0 : i32
    %c0_i32_0 = arith.constant 0 : i32
    return %arg0, %arg2, %c0_i32 : i32, i32, i32
  }
  func.func @transform_2(%arg0: i32, %arg1: i32, %arg2: i32) -> (i32, i32, i32) {
    %c0_i32 = arith.constant 0 : i32
    %c0_i32_0 = arith.constant 0 : i32
    return %arg0, %arg1, %c0_i32 : i32, i32, i32
  }
  func.func @transform_3(%arg0: i32, %arg1: i32, %arg2: i32) -> (i32, i32, i32) {
    %c0_i32 = arith.constant 0 : i32
    %c0_i32_0 = arith.constant 0 : i32
    return %arg0, %arg1, %c0_i32 : i32, i32, i32
  }
}

</mosaic_0001>

<sc_bundles>
// kernel: gather_offload_async_start
scs
__scs_entry_jumppad:
0x0: {  	(pc) =	sbr.rel $0x88, $3  }
0x1: {  	(tag) =	ssettag $0x0;
	lr =	simm.s32 $0x1  }
0x2: {  	[smem:$0x3F9A] =	sst lr;
	_ =	strace $0xD0000000  }
0x3: {  	_ = 	snop  }
0x4: {  	_ = 	snop  }
0x5: {  	_ = 	snop  }
0x6: {  	_ = 	snop  }
0x7: {  	_ = 	snop  }
__scs_overlays_trampoline_lowered:
0x8: {  	[smem:$0x3FA9] =	sst s0  }
0x9: {  	[smem:$0x3FAA] =	sst s1  }
0xa: {  	[smem:$0x3FAB] =	sst s2  }
0xb: {  	[smem:$0x3FAC] =	sst s3  }
0xc: {  	[smem:$0x3FAD] =	sst s4  }
0xd: {  	[smem:$0x3FAE] =	sst s5  }
0xe: {  	[smem:$0x3FAF] =	sst s6  }
0xf: {  	[smem:$0x3FB0] =	sst s7  }
0x10: {  	[smem:$0x3FB1] =	sst s8  }
0x11: {  	[smem:$0x3FB2] =	sst s9;
	s0 =	simm.s32 @!p0 $0x0  }
0x12: {  	s1 =	sld [smem:$0x3F98];
	s0 =	simm.s32 @p0 $0x1  }
0x13: {  	[smem:$0x3FB3] =	sst s0;
	s0 =	simm.s32 @!p1 $0x0  }
0x14: {  	s2 =	sld [smem:$0x3F97];
	s0 =	simm.s32 @p1 $0x1  }
0x15: {  	[smem:$0x3FB4] =	sst s0;
	s0 =	simm.s32 @!p2 $0x0  }
0x16: {  	s3 =	sld [smem:$0x3FDB];
	s0 =	simm.s32 @p2 $0x1  }
0x17: {  	s4 =	simm.s32 $0x1BF5;
	[smem:$0x3FB6] =	sst s0  }
0x18: {  	s0 =	sld [smem:$0x3F99];
	_ =	swait.ge [sflag:s4], $0x0  }
0x19: {  	s7 =	sld [smem:$0x3F9A]  }
0x1a: {  	s8 =	sadd.s32 $0xFFFFE003, lr  }
0x1b: {  	s9 =	sadd.s32 $0xFFFFFEF7, lr;
	s5 =	simm.s32 $0xFFFFFFFF;
	p2 =	slt.u32 s8, $0xFFFFF086  }
0x1c: {  	p1 =	slt.u32 s9, $0xF7A;
	s5 =	simm.s32 @!p2 $0x0  }
0x1d: {  	s5 =	simm.s32 @p1 $0x1;
	p0 =	seq.s32 s7, s2  }
0x1e: {  	s7 =	smul.u32 @!p0 $0xF7A, s2;
	p2 =	seq.s32 @!p0 s5, $0x0  }
0x1f: {  	s9 =	smul.u32 $0xF7A, s1;
	s8 =	simm.s32 @!p0 $0x1BF5;
	p2 =	por !p2, p0  }
0x20: {  	[sflag:s8] =	ssyncset.s32 @!p0 $0xFFFFF086;
	s6 =	sadd.s32 @!p0 s3, s7;
	s7 =	simm.s32 @!p0 $0x108  }
0x21: {  	s3 =	sadd.s32 s3, s9;
	s6 =	sadd.s32 @!p0 $0x88, s6;
	s7 =	simm.s32 @p2 $0x1082  }
0x22: {  	[simem:s7], [sflag:s8] =	dma.local @!p0 [hbm:s6], $0xF7A  }
0x23: {  	s9 =	sor.u32 $0xD0000000, s2;
	s6 =	simm.s32 $0x108;
	_ =	swait.ge @!p0 [sflag:s8], $0x0  }
0x24: {  	s3 =	sadd.s32 $0x88, s3;
	s6 =	simm.s32 @!p1 $0x1082;
	[sflag:s4] =	ssyncset.s32 $0xFFFFF086  }
0x25: {  	[simem:s6], [sflag:s4] =	dma.local [hbm:s3], $0xF7A  }
0x26: {  	[smem:$0x3F9A] =	sst s1;
	(tag) =	ssettag s2;
	_ =	strace s9  }
0x27: {  	s1 =	sld [smem:$0x3FAA]  }
0x28: {  	s2 =	sld [smem:$0x3FAB]  }
0x29: {  	s4 =	sld [smem:$0x3FAD]  }
0x2a: {  	p0 =	seq.s32 s5, $0x0;
	s5 =	sld [smem:$0x3FAE]  }
0x2b: {  	s6 =	sld [smem:$0x3FAF]  }
0x2c: {  	s7 =	sld [smem:$0x3FB0]  }
0x2d: {  	s3 =	simm.s32 $0x108;
	s8 =	sld [smem:$0x3FB1]  }
0x2e: {  	s3 =	simm.s32 @!p0 $0x1082;
	s9 =	sld [smem:$0x3FB2]  }
0x2f: {  	lr =	sadd.s32 s0, s3;
	s0 =	sld [smem:$0x3FA9]  }
0x30: {  	s3 =	sld [smem:$0x3FAC]  }
0x31: {  	[smem:$0x3FB5] =	sst s10  }
0x32: {  	s10 =	sld [smem:$0x3FB3];
	_ =	sdelay $0x3  }
0x33: {  	p0 =	seq.s32 s10, $0x1;
	s10 =	sld [smem:$0x3FB5];
	_ =	sdelay $0x3  }
0x34: {  	[smem:$0x3FB5] =	sst s10  }
0x35: {  	s10 =	sld [smem:$0x3FB4];
	_ =	sdelay $0x3  }
0x36: {  	p1 =	seq.s32 s10, $0x1;
	s10 =	sld [smem:$0x3FB5];
	_ =	sdelay $0x3  }
0x37: {  	[smem:$0x3FB5] =	sst s10  }
0x38: {  	s10 =	sld [smem:$0x3FB6]  }
0x39: {  	_ = 	snop;
	(pc) =	sbr.ind lr, $3  }
0x3a: {  	_ = 	snop  }
0x3b: {  	_ = 	snop  }
0x3c: {  	p2 =	seq.s32 s10, $0x1;
	s10 =	sld [smem:$0x3FB5]  }
0x3d: {  	_ =	shalt  }
0x3e: {  	_ =	shalt  }
0x3f: {  	_ =	shalt  }
0x40: {  	_ =	shalt  }
0x41: {  	_ =	shalt  }
0x42: {  	_ =	shalt  }
0x43: {  	_ =	shalt  }
0x44: {  	_ =	shalt  }
0x45: {  	_ =	shalt  }
0x46: {  	_ =	shalt  }
0x47: {  	_ =	shalt  }
0x48: {  	_ =	shalt  }
0x49: {  	_ =	shalt  }
0x4a: {  	_ =	shalt  }
0x4b: {  	_ =	shalt  }
0x4c: {  	_ =	shalt  }
0x4d: {  	_ =	shalt  }
0x4e: {  	_ =	shalt  }
0x4f: {  	_ =	shalt  }
0x50: {  	_ =	shalt  }
0x51: {  	_ =	shalt  }
0x52: {  	_ =	shalt  }
0x53: {  	_ =	shalt  }
0x54: {  	_ =	shalt  }
0x55: {  	_ =	shalt  }
0x56: {  	_ =	shalt  }
0x57: {  	_ =	shalt  }
0x58: {  	_ =	shalt  }
0x59: {  	_ =	shalt  }
0x5a: {  	_ =	shalt  }
0x5b: {  	_ =	shalt  }
0x5c: {  	_ =	shalt  }
0x5d: {  	_ =	shalt  }
0x5e: {  	_ =	shalt  }
0x5f: {  	_ =	shalt  }
0x60: {  	_ =	shalt  }
0x61: {  	_ =	shalt  }
0x62: {  	_ =	shalt  }
0x63: {  	_ =	shalt  }
0x64: {  	_ =	shalt  }
0x65: {  	_ =	shalt  }
0x66: {  	_ =	shalt  }
0x67: {  	_ =	shalt  }
0x68: {  	_ =	shalt  }
0x69: {  	_ =	shalt  }
0x6a: {  	_ =	shalt  }
0x6b: {  	_ =	shalt  }
0x6c: {  	_ =	shalt  }
0x6d: {  	_ =	shalt  }
0x6e: {  	_ =	shalt  }
0x6f: {  	_ =	shalt  }
0x70: {  	_ =	shalt  }
0x71: {  	_ =	shalt  }
0x72: {  	_ =	shalt  }
0x73: {  	_ =	shalt  }
0x74: {  	_ =	shalt  }
0x75: {  	_ =	shalt  }
0x76: {  	_ =	shalt  }
0x77: {  	_ =	shalt  }
0x78: {  	_ =	shalt  }
0x79: {  	_ =	shalt  }
0x7a: {  	_ =	shalt  }
0x7b: {  	_ =	shalt  }
0x7c: {  	_ =	shalt  }
0x7d: {  	_ =	shalt  }
0x7e: {  	_ =	shalt  }
0x7f: {  	_ =	shalt  }
0x80: {  	_ =	shalt  }
0x81: {  	_ =	shalt  }
0x82: {  	_ =	shalt  }
0x83: {  	_ =	shalt  }
0x84: {  	_ =	shalt  }
0x85: {  	_ =	shalt  }
0x86: {  	_ =	shalt  }
0x87: {  	_ =	shalt  }
.Lfunc_end0:
.L_simem_size_0:
called_computation_lowered:
.L_overlay_start_0:
0x88: {  	s2 =	sld [smem:$0x3FD9]  }
0x89: {  	s3 =	sld [smem:$0x3FFE];
	_ =	sdelay $0x1  }
0x8a: {  	s1 =	srdreg.scid  }
0x8b: {  	s0 =	sand.u32 $0x1, s1  }
0x8c: {  	s14 =	sshll.u32 s0, $0xA;
	s2 =	sadd.s32 s3, s2  }
0x8d: {  	s2 =	sadd.s32 s2, s14  }
0x8e: {  	[smem:$0x3FC1] =	sst s2  }
0x8f: {  	_ = 	snop  }
0x90: {  	s2 =	sld [smem:$0x3FD0];
	_ =	sdelay $0x2  }
0x91: {  	s4 =	simm.s32 $0xA;
	s5 =	simm.s32 $0x10;
	s15 =	sld [smem:$0x3FC3]  }
0x92: {  	[smem:s5], [sflag:s4] =	dma.local [hbm:s2], $0x1  }
0x93: {  	_ =	swait.eq [sflag:s4], $0x1  }
0x94: {  	[sflag:s4] =	ssyncset.done $0x0  }
0x95: {  	[sflag:s4] =	ssyncadd.s32 $0xFFFFFFFF  }
0x96: {  	s16 =	sld [smem:$0x14];
	(tm) =	ssettm $0x1  }
0x97: {  	s17 =	sld [smem:$0x3FFB];
	_ =	sdelay $0x3  }
0x98: {  	_ =	strace s17  }
0x99: {  	s4 =	sld [smem:$0x3FFC];
	_ =	sdelay $0x3  }
0x9a: {  	_ =	strace s4  }
0x9b: {  	s4 =	sld [smem:$0x3FFD];
	_ =	sdelay $0x3  }
0x9c: {  	_ =	strace s4  }
0x9d: {  	_ =	strace $0x8FFFFFFF  }
0x9e: {  	s18 =	sld [smem:$0x3FDB];
	_ =	sdelay $0x1  }
0x9f: {  	s19 =	simm.s32 $_scs_section_size  }
0xa0: {  	s6 =	simm.s32 $_size__tile_overlayer_lowered;
	s7 =	simm.s32 $_tile_overlayer_lowered  }
0xa1: {  	s22 =	simm.s32 $0x1BFF;
	s21 =	sshll.u32 s7, $0x1;
	s4 =	sadd.s32 s19, s18  }
0xa2: {  	s8 =	simm.s32 $0x0;
	s20 =	sshll.u32 s6, $0x1;
	s6 =	sadd.s32 s21, s4  }
0xa3: {  	[timem:s8], [sflag:s22] =	dma.local [hbm:s6], s20  }
0xa4: {  	_ =	swait.ge [sflag:s22], s20  }
0xa5: {  	s5 =	ssub.s32 $0x0, s20;
	[sflag:s22] =	ssyncset.done $0x0  }
0xa6: {  	[sflag:s22] =	ssyncadd.s32 s5;
	_ =	sdelay $0x1  }
0xa7: {  	s23 =	simm.s32 $0x1B8B  }
0xa8: {  	_ =	swait.ge [sflag:s23], $0x1  }
0xa9: {  	[sflag:s23] =	ssyncset.done $0x0  }
0xaa: {  	s25 =	simm.s32 $0x1B8E;
	s24 =	sld [smem:$0x3FFE];
	[sflag:s23] =	ssyncadd.s32 $0xFFFFFFFF  }
0xab: {  	s26 =	simm.s32 $execute0_lowered;
	[smem:$0x3FD2] =	sst s25  }
0xac: {  	s6 =	sshll.u32 s26, $0x1;
	_ =	strace $0x80000046;
	[dreg:$0x1] =	wrdreg $0xFFFFFFFF  }
0xad: {  	s28 =	simm.s32 $_size_execute0_lowered;
	s4 =	sadd.s32 s4, s6;
	[dreg:$0x0] =	wrdreg $0x0  }
0xae: {  	s6 =	sshll.u32 s28, $0x1;
	[dreg:$0x2] =	wrdreg s4  }
0xaf: {  	[dreg:$0x3] =	wrdreg s6  }
0xb0: {  	[dreg:$0x4] =	wrdreg $0xC0  }
0xb1: {  	_ =	task [dreg:s8], $0x5FFFF  }
0xb2: {  	[dreg:$0x1] =	wrdreg $0xFFFFFFFF  }
0xb3: {  	[dreg:$0x0] =	wrdreg $0x60  }
0xb4: {  	[dreg:$0x2] =	wrdreg s15  }
0xb5: {  	[dreg:$0x3] =	wrdreg s16  }
0xb6: {  	[dreg:$0x4] =	wrdreg s24  }
0xb7: {  	[dreg:$0x5] =	wrdreg $0x9  }
0xb8: {  	_ =	task.clear_ibuf [dreg:s8], $0x6FFFF;
	_ =	strace $0x90000046  }
0xb9: {  	s29 =	simm.s32 $0x9;
	_ =	strace $0x80000048  }
0xba: {  	_ =	swait.ge [sflag:s29], $0x1  }
0xbb: {  	[sflag:s29] =	ssyncadd.s32 $0xFFFFFFFF  }
0xbc: {  	_ =	strace $0x90000048  }
0xbd: {  	_ =	sfence  }
0xbe: {  	s30 =	sld [smem:$0x0];
	_ =	sdelay $0x2  }
0xbf: {  	s31 =	sshll.u32 s1, $0xD;
	s1 =	sshrl.u32 s1, $0x2  }
0xc0: {  	s3 =	sand.u32 $0x4000, s31;
	s1 =	sadd.s32 s1, s30  }
0xc1: {  	s0 =	sor.u32 s3, s0;
	s1 =	sshll.u32 s1, $0x11  }
0xc2: {  	s0 =	sor.u32 s1, s0  }
0xc3: {  	s0 =	sadd.s32 $0x8F2B, s0  }
0xc4: {  	[sflag:s0] =	ssyncadd.remote.s32 $0x1  }
0xc5: {  	_ =	sfence.sel $0xFFFF  }
0xc6: {  	[dreg:$0x0] =	wrdreg $0xFFFFFFFF;
	(pc) =	sbr.abs _section_cstart, $3  }
0xc7: {  	[dreg:$0x1] =	wrdreg $0xFFFFFFFF  }
0xc8: {  	_ =	task.clear_ibuf [dreg:s8], $0x2FFFF;
	_ =	strace $0x9FFFFFFF  }
0xc9: {  	(tm) =	ssettm $0x7FFFFFFF  }
tec
execute0_lowered:
.L_overlay_start_1:
0x0: {  	(tag) =	ssettag $0x1  }
0x1: {  	s2 =	rddreg [dreg:$0x0]  }
0x2: {  	s3 =	rddreg [dreg:$0x1]  }
0x3: {  	s0 =	stileid.u32;
	s1 =	srdreg.scid  }
0x4: {  	s8 =	rddreg [dreg:$0x2];
	s9 =	simm.s32 $0x1;
	s10 =	simm.s32 $0x3  }
0x5: {  	s13 =	simm.s32 $0x0;
	s4 =	sand.u32 $0x1, s1;
	s5 =	sshll.u32 s0, $0x1  }
0x6: {  	s12 =	simm.s32 $0x0;
	s1 =	rddreg [dreg:$0x3];
	s6 =	sor.u32 s5, s4  }
0x7: {  	_ =	strace $0x80000047;
	s8 =	sadd.s32 $0x10000, s8;
	s4 =	smul.u32 $0xA00, s6  }
0x8: {  	s5 =	simm.s32 $0x1;
	p0 =	slt.u32 s6, $0x9;
	s6 =	simm.s32 $0x14000  }
.Ltmp0:
0x9: {  	s6 =	simm.s32 @!p0 $0x0;
	s7 =	ssub.s32 $0x19000, s4;
	(pc) =	sbr.rel .LBB2_1-.Ltmp0, $4  }
0xa: {  	s9 =	simm.s32 @!p0 $0x0;
	p0 =	sne.s32 s7, s6;
	s7 =	simm.s32 $0x1  }
0xb: {  	[sflag:s5] =	ssyncpa.u1 $0x0;
	s6 =	simm.s32 $0x2;
	s7 =	simm.s32 @!p0 $0x0  }
0xc: {  	s11 =	smov.u32 s4;
	[sflag:s6] =	ssyncpa.u1 $0x0;
	s7 =	sadd.s32 s9, s7  }
0xd: {  	vm0 =	vmmov $0xffff;
	[sflag:s10] =	ssyncpa.u1 $0x0;
	s10 =	simm.s32 $0x0;
	s9 =	sadd.s32 $0x1, s7  }
.LBB2_4:
0xe: {  	vm1 =	veq.s32 v4, $0x80000000;
	v56 =	vand.u32 $0x1, v4;
	v6 =	vand.u32 $0x1FFFF, v6  }
0xf: {  	v2 =	vor.u32 v2, v5;
	v59 =	vshrl.u32 v1, $0x1;
	v60 =	vand.u32 $0x1, v1  }
0x10: {  	v4 =	vsel vm1, $0xFFFFFFFF, v56;
	v6 =	vsel vm1, $0xFFFFFFFF, v6;
	v2 =	vor.u32 v3, v2  }
0x11: {  	vm1 =	veq.s32 v1, $0x80000000;
	v5 =	vand.u32 $0x1FFFF, v59;
	v7 =	vshrl.u32 v4, $0x1  }
0x12: {  	v57 =	vshll.u32 v6, $0x1;
	v4 =	vshll.u32 v4, $0x7;
	v1 =	vsel vm1, $0xFFFFFFFF, v60  }
0x13: {  	v5 =	vsel vm1, $0xFFFFFFFF, v5;
	v6 =	vand.u32 $0x7F, v6;
	v7 =	vmul.u32 $0x30E00, v7  }
0x14: {  	v58 =	vand.u32 $0xFFFFFF00, v57;
	v4 =	vand.u32 $0x80, v4;
	v61 =	vshrl.u32 v1, $0x1  }
0x15: {  	v62 =	vshll.u32 v5, $0x1;
	v3 =	vadd.s32 v7, v58;
	v7 =	vmul.u32 $0x30E00, v61  }
0x16: {  	v1 =	vshll.u32 v1, $0x7;
	v3 =	vor.u32 v4, v3;
	v4 =	vand.u32 $0xFFFFFF00, v62  }
0x17: {  	v1 =	vand.u32 $0x80, v1;
	v3 =	vor.u32 v6, v3;
	v4 =	vadd.s32 v7, v4  }
0x18: {  	[tilespmem:s16], [sflag:$0x1] =	stream.indirect_vreg.gather [hbm4b:s2+s10], $0x1, v0, vm0, $0x4038;
	v63 =	vand.u32 $0x7F, v5;
	v1 =	vor.u32 v1, v4;
	[tilespmem:$0x2800] =	vst v63  }
0x19: {  	s15 =	sadd.s32 $0x10, s15;
	(ifvalue) =	ssetifvalue $0x7FFFFFFF;
	v0 =	vor.u32 v63, v1  }
0x1a: {  	[tilespmem:s15], [sflag:$0x1] =	stream.indirect_vreg.gather [hbm4b:s2+s10], $0x1, v2, vm0, $0x4038;
	[tilespmem:$0x2800] =	vst v63  }
0x1b: {  	s15 =	sadd.s32 $0x10, s15;
	(ifvalue) =	ssetifvalue $0x7FFFFFFF  }
0x1c: {  	[tilespmem:s15], [sflag:$0x1] =	stream.indirect_vreg.gather [hbm4b:s2+s10], $0x1, v3, vm0, $0x4038;
	[tilespmem:$0x2800] =	vst v63  }
0x1d: {  	s15 =	sadd.s32 $0x10, s15;
	(ifvalue) =	ssetifvalue $0x7FFFFFFF  }
0x1e: {  	[tilespmem:s15], [sflag:$0x1] =	stream.indirect_vreg.gather [hbm4b:s2+s10], $0x1, v0, vm0, $0x4038;
	[tilespmem:$0x2800] =	vst v63  }
0x1f: {  	_ =	swait.ge [sflag:s5], $0xA00  }
0x20: {  	s30 =	sshrl.u32 s13, $0x3;
	[sflag:s5] =	ssyncset.done $0x0  }
0x21: {  	s31 =	sand.u32 $0x7, s13;
	s15 =	sadd.s32 s8, s30;
	[sflag:s5] =	ssyncadd.s32 $0xFFFFF600  }
0x22: {  	[hbm4b:s15+s31] =	stream.linear.scatter [tilespmem:s14], [sflag:$0x3], $0xA00, $0x38;
	[tilespmem:$0x2800] =	vst v63  }
.LBB2_5:
0x23: {  	s15 =	sadd.s32 $0x14000, s11  }
0x24: {  	p1 =	sgt.s32 s15, $0x18FFF  }
0x25: {  	s15 =	smov.u32 @p1 s4;
	p1 =	sne.s32 s12, s9  }
.Ltmp1:
0x26: {  	p0 =	slt.u32 s12, $0x2;
	(pc) =	sbr.rel @!p1 .LBB2_6-.Ltmp1, $4  }
0x27: {  	s14 =	simm.s32 @!p0 $0x3  }
0x28: {  	_ =	swait.ge @!p0 [sflag:s14], $0xA00  }
0x29: {  	s16 =	sadd.s32 $0x1, s12;
	s13 =	smov.u32 s11;
	[sflag:s14] =	ssyncset.done @!p0 $0x0  }
0x2a: {  	s12 =	smov.u32 s16;
	s11 =	smov.u32 s15;
	[sflag:s14] =	ssyncadd.s32 @!p0 $0xFFFFF600  }
.LBB2_1:
0x2b: {  	p0 =	sge.u32 s12, s7  }
0x2c: {  	s14 =	sxor.u32 @!p0 $0x1, s12  }
0x2d: {  	s14 =	smul.u32 @!p0 $0x2800, s14  }
0x2e: {  	s31 =	sadd.s32 $0xFFFFFFFF, s12;
	s15 =	sshrl.u32 @!p0 s11, $0x3  }
0x2f: {  	s16 =	sand.u32 @!p0 $0x7, s11;
	s15 =	sadd.s32 @!p0 s3, s15;
	s14 =	sshra.s32 @!p0 s14, $0x2  }
0x30: {  	[tilespmem:s14], [sflag:$0x2] =	stream.linear.gather @!p0 [hbm4b:s15+s16], $0xA00, $0x38;
	[tilespmem:$0x2800] =	vst v63  }
0x31: {  	p0 =	sge.u32 s31, s7  }
.Ltmp2:
0x32: {  	_ = 	snop;
	(pc) =	sbr.rel @p0 .LBB2_5-.Ltmp2, $1  }
0x33: {  	_ =	sdelay $0x3  }
0x34: {  	s14 =	sand.u32 $0x1, s12  }
0x35: {  	_ =	swait.ge [sflag:s6], $0xA00;
	p0 =	seq.s32 s14, $0x1;
	s14 =	simm.s32 $0xA00  }
0x36: {  	[sflag:s6] =	ssyncset.done $0x0;
	s14 =	simm.s32 @!p0 $0x0  }
0x37: {  	[sflag:s6] =	ssyncadd.s32 $0xFFFFF600;
	(ifvalue) =	ssetifvalue $0x7FFFFFFF;
	v0 =	vld.msk [tilespmem:s14+$0x0 ss:$0x1], $0xffff  }
0x38: {  	s15 =	sadd.s32 $0x10, s14  }
0x39: {  	v1 =	vld.msk [tilespmem:s15+$0x0 ss:$0x1], $0xffff;
	_ =	sdelay $0x2  }
0x3a: {  	v2 =	vshrl.u32 v0, $0x1  }
0x3b: {  	vm1 =	veq.s32 v0, $0x80000000;
	v0 =	vand.u32 $0x1, v0;
	v2 =	vand.u32 $0x1FFFF, v2  }
0x3c: {  	v0 =	vsel vm1, $0xFFFFFFFF, v0;
	v6 =	vshrl.u32 v1, $0x1;
	v2 =	vsel vm1, $0xFFFFFFFF, v2  }
0x3d: {  	v3 =	vshrl.u32 v0, $0x1;
	v0 =	vshll.u32 v0, $0x7;
	vm1 =	veq.s32 v1, $0x80000000  }
0x3e: {  	s15 =	sadd.s32 $0x10, s15;
	v1 =	vand.u32 $0x1, v1;
	v4 =	vshll.u32 v2, $0x1;
	v3 =	vmul.u32 $0x30E00, v3  }
0x3f: {  	v0 =	vand.u32 $0x80, v0;
	v7 =	vand.u32 $0x7F, v2;
	v5 =	vand.u32 $0xFFFFFF00, v4;
	v4 =	vld.msk [tilespmem:s15+$0x0 ss:$0x1], $0xffff  }
0x40: {  	v1 =	vsel vm1, $0xFFFFFFFF, v1;
	v2 =	vadd.s32 v3, v5;
	v3 =	vand.u32 $0x1FFFF, v6  }
0x41: {  	v3 =	vsel vm1, $0xFFFFFFFF, v3;
	v0 =	vor.u32 v0, v2;
	v2 =	vshrl.u32 v1, $0x1  }
0x42: {  	v1 =	vshll.u32 v1, $0x7;
	v5 =	vshll.u32 v3, $0x1;
	v8 =	vmul.u32 $0x30E00, v2  }
0x43: {  	s18 =	simm.s32 $0x30;
	s14 =	sor.u32 $0x1400, s14;
	s17 =	sadd.s32 $0x10, s15;
	v2 =	vand.u32 $0x80, v1;
	v0 =	vor.u32 v7, v0;
	v5 =	vand.u32 $0xFFFFFF00, v5  }
0x44: {  	s16 =	smov.u32 s14;
	s15 =	smov.u32 s14;
	v1 =	vld.msk [tilespmem:s17+$0x0 ss:$0x1], $0xffff;
	v3 =	vand.u32 $0x7F, v3;
	(ifvalue) =	ssetifvalue $0x7FFFFFFF;
	v6 =	vshrl.u32 v4, $0x1;
	v5 =	vadd.s32 v8, v5  }
.LBB2_3:
0x45: {  	s18 =	sadd.s32 $0x10, s18  }
0x46: {  	vm1 =	veq.s32 v4, $0x80000000;
	v4 =	vand.u32 $0x1, v4;
	v6 =	vand.u32 $0x1FFFF, v6;
	s15 =	sadd.s32 $0x10, s15;
	p0 =	slt.u32 s18, $0x9F0  }
.Ltmp3:
0x47: {  	v5 =	vor.u32 v2, v5;
	v4 =	vsel vm1, $0xFFFFFFFF, v4;
	v7 =	vsel vm1, $0xFFFFFFFF, v6;
	(pc) =	sbr.rel @p0 .LBB2_3-.Ltmp3, $4  }
0x48: {  	v2 =	vshrl.u32 v4, $0x1;
	v6 =	vshll.u32 v7, $0x1;
	v4 =	vshll.u32 v4, $0x7;
	[tilespmem:s16], [sflag:$0x1] =	stream.indirect_vreg.gather [hbm4b:s2+s10], $0x1, v0, vm0, $0x4038;
	[tilespmem:$0x2800] =	vst v63  }
0x49: {  	v0 =	vor.u32 v3, v5;
	s16 =	smov.u32 s15;
	v8 =	vmul.u32 $0x30E00, v2;
	v2 =	vand.u32 $0x80, v4  }
0x4a: {  	s17 =	sadd.s32 $0x10, s17;
	v9 =	vand.u32 $0xFFFFFF00, v6  }
0x4b: {  	v3 =	vand.u32 $0x7F, v7;
	v6 =	vshrl.u32 v1, $0x1;
	v5 =	vadd.s32 v8, v9;
	(ifvalue) =	ssetifvalue $0x7FFFFFFF;
	v4 =	vmovc v1;
	v1 =	vld.msk [tilespmem:s17+$0x0 ss:$0x1], $0xffff  }
.Ltmp4:
0x4c: {  	_ = 	snop;
	(pc) =	sbr.rel .LBB2_4-.Ltmp4, $1  }
0x4d: {  	_ =	sdelay $0x3  }
.LBB2_6:
0x4e: {  	_ =	sfence.sel $0x180000  }
0x4f: {  	s2 =	simm.s32 $0x2;
	[bflag:$0x0] =	sbarrier.arrive $0xFFFF  }
0x50: {  	s30 =	simm.s32 $0x3;
	[sflag:s2] =	ssyncpa.u1 $0x1  }
0x51: {  	s31 =	simm.s32 $0x1;
	[sflag:s30] =	ssyncpa.u1 $0x1  }
0x52: {  	[sflag:s31] =	ssyncpa.u1 $0x1  }
0x53: {  	p0 =	sne.s32 s0, $0x0;
	_ =	strace $0x90000047  }
0x54: {  	s0 =	sadd.s32 @!p0 $0x100000, s1;
	[bflag:$0x2] =	sbarrier.arrive $0xFFFF  }
0x55: {  	[sflag:s0] =	ssyncadd.tile.s32 @!p0 $0x1;
	_ =	shalt  }
.Lfunc_end2:
_tile_overlayer_lowered:
.L_overlay_start_2:
0x56: {  	(tag) =	ssettag $0x2  }
0x57: {  	s0 =	rddreg [dreg:$0x0];
	s2 =	stileid.u32  }
0x58: {  	s1 =	rddreg [dreg:$0x1];
	p0 =	sne.s32 s2, $0x0  }
0x59: {  	s3 =	rddreg [dreg:$0x2];
	[bflag:$0x3] =	sbarrier.arrive $0xFFFF;
	s2 =	simm.s32 @!p0 $0x1C01  }
0x5a: {  	[timem:s3], [sflag:s2] =	dma.local @!p0 [hbm:s0], s1  }
0x5b: {  	s0 =	simm.s32 @!p0 $0x1  }
0x5c: {  	_ =	swait.ge @!p0 [sflag:s0], s1  }
0x5d: {  	s1 =	ssub.s32 @!p0 $0x0, s1;
	[sflag:s0] =	ssyncset.done @!p0 $0x0  }
0x5e: {  	[sflag:s0] =	ssyncadd.s32 @!p0 s1  }
0x5f: {  	[bflag:$0x3] =	sbarrier.arrive $0xFFFF  }
0x60: {  	_ =	shalt  }

</sc_bundles>
